<compile_context>
chip_gen: v7x
topology: tpu7x:2x2x1
jax: 0.10.2.dev20260603
libtpu: 0.0.44.dev20260713+nightly
codegen_flags: <defaults>
</compile_context>

<pallas_src>
import functools

import jax
import jax.numpy as jnp
from jax import lax
from jax.experimental import pallas as pl
from jax.experimental.pallas import tpu as pltpu
from jax.experimental.pallas import tpu_sc as plsc

_TOPK = 2
_CAP_FACTOR = 1.5

_NC = 2
_NS = 16
_L = 16


def _router_body(x_ref, w1_ref, b1_ref, w2_ref, b2_ref,
                 probs_ref, probsP_ref, pres_ref, psum_ref):
    i = pl.program_id(0)
    x = x_ref[...]
    h = jnp.maximum(
        jnp.dot(x, w1_ref[...], preferred_element_type=jnp.float32)
        + b1_ref[...], 0.0)
    logits = (jnp.dot(h, w2_ref[...], preferred_element_type=jnp.float32)
              + b2_ref[...])
    m = jnp.max(logits, axis=-1, keepdims=True)
    ex = jnp.exp(logits - m)
    probs = ex / jnp.sum(ex, axis=-1, keepdims=True)
    probs_ref[...] = probs

    tn, n_e = probs.shape
    eio = jax.lax.broadcasted_iota(
        jnp.int32, (tn, n_e), 1).astype(jnp.float32)
    p0 = jnp.max(probs, axis=-1, keepdims=True)
    e0 = jnp.min(jnp.where(probs == p0, eio, float(n_e)),
                 axis=-1, keepdims=True)
    blk_pres = jnp.max((eio == e0).astype(jnp.float32),
                       axis=0, keepdims=True)
    blk_psum = jnp.sum(probs, axis=0, keepdims=True)
    pad = jnp.zeros((1, 16 - n_e), jnp.float32)
    blk_pres16 = jnp.concatenate([blk_pres, pad], axis=1)
    probsP_ref[...] = jnp.transpose(probs.reshape(2, 128, n_e), (0, 2, 1))

    @pl.when(i == 0)
    def _():
        pres_ref[...] = blk_pres16
        psum_ref[...] = blk_psum

    @pl.when(i > 0)
    def _():
        pres_ref[...] = jnp.maximum(pres_ref[...], blk_pres16)
        psum_ref[...] = psum_ref[...] + blk_psum


def _make_sc_router(n, n_e):
    tok_per_p = 128
    npair = n // tok_per_p
    groups = tok_per_p // _L
    mesh = plsc.VectorSubcoreMesh(core_axis_name="c", subcore_axis_name="s")

    def _route_chunk(probsP_hbm, pres_hbm, meta_hbm, pbuf, mchunk,
                     presv, wid):
        pltpu.sync_copy(probsP_hbm.at[wid], pbuf)
        pltpu.sync_copy(pres_hbm.at[0], presv)
        presvec = presv[...]
        for g in range(groups):
            pv = [pbuf[e, pl.ds(g * _L, _L)] for e in range(n_e)]
            p0 = pv[0]
            e0 = jnp.zeros((_L,), jnp.float32)
            for e in range(1, n_e):
                mgt = pv[e] > p0
                p0 = jnp.where(mgt, pv[e], p0)
                e0 = jnp.where(mgt, float(e), e0)
            p1 = jnp.full((_L,), -1.0, jnp.float32)
            e1 = jnp.zeros((_L,), jnp.float32)
            for e in range(n_e):
                mgt = (e0 != float(e)) & (pv[e] > p1)
                p1 = jnp.where(mgt, pv[e], p1)
                e1 = jnp.where(mgt, float(e), e1)
            s = p0 + p1
            pos1 = presvec.at[e1.astype(jnp.int32)].get(
                mode="promise_in_bounds")
            sl = pl.ds(g * _L, _L)
            mchunk[0, sl] = e0
            mchunk[1, sl] = e1
            mchunk[2, sl] = p0 / s
            mchunk[3, sl] = p1 / s
            mchunk[4, sl] = pos1
            zl = jnp.zeros((_L,), jnp.float32)
            mchunk[5, sl] = zl
            mchunk[6, sl] = zl
            mchunk[7, sl] = zl
        pltpu.sync_copy(mchunk, meta_hbm.at[wid])

    @functools.partial(
        pl.kernel, mesh=mesh,
        out_type=jax.ShapeDtypeStruct((npair, 8, tok_per_p), jnp.float32),
        scratch_types=[
            pltpu.VMEM((n_e, tok_per_p), jnp.float32),
            pltpu.VMEM((8, tok_per_p), jnp.float32),
            pltpu.VMEM((16,), jnp.float32),
        ],
    )
    def sc_route(probsP_hbm, pres_hbm, meta_hbm, pbuf, mchunk, presv):
        wid = lax.axis_index("s") * _NC + lax.axis_index("c")

        @pl.when(wid < npair)
        def _():
            _route_chunk(probsP_hbm, pres_hbm, meta_hbm, pbuf, mchunk,
                         presv, wid)

    return sc_route


def _scatter_body(meta_ref, psum_ref, disp_ref, comb_ref, aux_ref,
                  *, cap, n_tokens):
    i = pl.program_id(0)
    meta = jnp.transpose(meta_ref[0, :, :])
    tm = meta.shape[0]
    n_e = psum_ref.shape[1]
    e0 = meta[:, 0].reshape(tm, 1, 1)
    e1 = meta[:, 1].reshape(tm, 1, 1)
    p0 = meta[:, 2].reshape(tm, 1, 1)
    p1 = meta[:, 3].reshape(tm, 1, 1)
    pos1 = meta[:, 4].reshape(tm, 1, 1)

    w = 128
    e_ax = jax.lax.broadcasted_iota(
        jnp.int32, (tm, n_e, w), 1).astype(jnp.float32)
    c_ax = jax.lax.broadcasted_iota(
        jnp.int32, (tm, n_e, w), 2).astype(jnp.float32)
    hit0 = (e_ax == e0) & (c_ax == 0.0)
    hit1 = (e_ax == e1) & (c_ax == pos1)
    disp_ref[:, :, 0:w] = hit0.astype(jnp.float32) + hit1.astype(jnp.float32)
    comb_ref[:, :, 0:w] = (jnp.where(hit0, p0, 0.0)
                           + jnp.where(hit1, p1, 0.0))
    zt = jnp.zeros((tm, n_e, cap - w), jnp.float32)
    disp_ref[:, :, w:cap] = zt
    comb_ref[:, :, w:cap] = zt

    @pl.when(i == 0)
    def _():
        mean_p = psum_ref[...] * (1.0 / n_tokens)
        aux = jnp.sum(mean_p * jnp.log(mean_p * n_e + 1e-9))
        aux_ref[...] = aux.reshape(1, 1)


def kernel(hidden_states, W1, b1, W2, b2):
    b, s, h = hidden_states.shape
    e = W2.shape[1]
    n = b * s
    cap = int(b * s * _CAP_FACTOR * _TOPK / e)
    x = hidden_states.reshape(n, h)

    tb = 256
    probs, probsP, pres16, psum = pl.pallas_call(
        _router_body,
        grid=(n // tb,),
        in_specs=[
            pl.BlockSpec((tb, h), lambda i: (i, 0)),
            pl.BlockSpec((h, h), lambda i: (0, 0)),
            pl.BlockSpec((1, h), lambda i: (0, 0)),
            pl.BlockSpec((h, e), lambda i: (0, 0)),
            pl.BlockSpec((1, e), lambda i: (0, 0)),
        ],
        out_specs=[
            pl.BlockSpec((tb, e), lambda i: (i, 0)),
            pl.BlockSpec((2, e, 128), lambda i: (i, 0, 0)),
            pl.BlockSpec((1, 16), lambda i: (0, 0)),
            pl.BlockSpec((1, e), lambda i: (0, 0)),
        ],
        out_shape=[
            jax.ShapeDtypeStruct((n, e), jnp.float32),
            jax.ShapeDtypeStruct((n // 128, e, 128), jnp.float32),
            jax.ShapeDtypeStruct((1, 16), jnp.float32),
            jax.ShapeDtypeStruct((1, e), jnp.float32),
        ],
    )(x, W1, b1.reshape(1, h), W2, b2.reshape(1, e))

    meta = _make_sc_router(n, e)(probsP, pres16)

    tm = 128
    disp, comb, aux = pl.pallas_call(
        functools.partial(_scatter_body, cap=cap, n_tokens=n),
        grid=(n // tm,),
        in_specs=[
            pl.BlockSpec((1, 8, tm), lambda i: (i, 0, 0)),
            pl.BlockSpec((1, e), lambda i: (0, 0)),
        ],
        out_specs=[
            pl.BlockSpec((tm, e, cap), lambda i: (i, 0, 0)),
            pl.BlockSpec((tm, e, cap), lambda i: (i, 0, 0)),
            pl.BlockSpec((1, 1), lambda i: (0, 0)),
        ],
        out_shape=[
            jax.ShapeDtypeStruct((n, e, cap), jnp.float32),
            jax.ShapeDtypeStruct((n, e, cap), jnp.float32),
            jax.ShapeDtypeStruct((1, 1), jnp.float32),
        ],
    )(meta, psum)

    return (disp.reshape(b, s, e, cap), comb.reshape(b, s, e, cap),
            probs.reshape(b, s, e), aux[0, 0])

# --- scband reference (transcript-rebuilt; emitter-appended) ---
"""Pipeline reference for scband-flex-mo-erouter-3435973837301 (READ-ONLY COPY).

The authoritative reference and input builder live on the scoring server;
editing this copy changes nothing except your own understanding.
"""

import jax, jax.numpy as jnp
import numpy as np

H = 1024
E = 8
TOPK = 2
CAP_FACTOR = 1.5


def setup_inputs(seed: int = 0) -> dict:
    key = jax.random.key(seed)
    k1, k2, k3, k4, k5 = jax.random.split(key, 5)
    hidden_states = jax.random.normal(k1, (1, 2048, H), dtype=jnp.float32)
    s = 1.0 / np.sqrt(H)
    W1 = jax.random.uniform(k2, (H, H), jnp.float32, -s, s)
    b1 = jax.random.uniform(k3, (H,), jnp.float32, -s, s)
    W2 = jax.random.uniform(k4, (H, E), jnp.float32, -s, s)
    b2 = jax.random.uniform(k5, (E,), jnp.float32, -s, s)
    return {"hidden_states": hidden_states, "W1": W1, "b1": b1, "W2": W2, "b2": b2}


def reference(hidden_states, W1, b1, W2, b2):
    # FlexMoERouter.forward with modality_info=None falls back to BaseRouter.forward
    # (self.router = Linear(H,H) -> ReLU -> Linear(H,E)), fairscale backend.
    B, S, Hd = hidden_states.shape
    h = jnp.maximum(hidden_states @ W1 + b1, 0.0)
    router_logits = h @ W2 + b2  # [B, S, E]
    router_probs = jax.nn.softmax(router_logits, axis=-1)
    top_k_probs, top_k_indices = jax.lax.top_k(router_probs, TOPK)
    top_k_probs = top_k_probs / jnp.sum(top_k_probs, axis=-1, keepdims=True)
    capacity = int(B * S * CAP_FACTOR * TOPK / E)
    N = B * S
    top_k_indices = top_k_indices.reshape(N, TOPK)
    top_k_probs = top_k_probs.reshape(N, TOPK)
    dispatch = jnp.zeros((N, E, capacity), dtype=jnp.float32)
    combine = jnp.zeros((N, E, capacity), dtype=jnp.float32)
    expert_count = jnp.zeros((E,), dtype=jnp.int32)
    position_in_batch = jnp.arange(N)
    for i in range(TOPK):
        expert_idx = top_k_indices[:, i]
        prob = top_k_probs[:, i]
        mask_capacity = expert_count[expert_idx] < capacity
        safe_idx = jnp.where(mask_capacity, expert_idx, E)
        token_positions = expert_count[expert_idx]
        # torch `a[idx] += 1` with duplicate idx increments once (non-accumulating)
        expert_count = expert_count.at[safe_idx].set(
            expert_count[expert_idx] + 1, mode="drop"
        )
        dispatch = dispatch.at[position_in_batch, safe_idx, token_positions].set(
            1.0, mode="drop"
        )
        combine = combine.at[position_in_batch, safe_idx, token_positions].set(
            prob, mode="drop"
        )
    dispatch = dispatch.reshape(B, S, E, capacity)
    combine = combine.reshape(B, S, E, capacity)
    router_prob_per_expert = jnp.mean(router_probs, axis=(0, 1))
    aux_loss = jnp.sum(router_prob_per_expert * jnp.log(router_prob_per_expert * E + 1e-09))
    return (dispatch, combine, router_probs, aux_loss)

if __name__ == "__main__":
    import jax
    _d = setup_inputs()
    print(jax.jit(kernel)(*tuple(_d.values())))

</pallas_src>

<mosaic_0001>
#map = affine_map<(d0, d1) -> (0, 0, 0)>
#map1 = affine_map<(d0, d1) -> (0, 0)>
module attributes {stable_mosaic.version = 14 : i64} {
  func.func @sc_route(%arg0: i32, %arg1: i32, %arg2: memref<16x8x128xf32, #tpu.memory_space<hbm>>, %arg3: memref<1x16xf32, #tpu.memory_space<hbm>>, %arg4: memref<16x8x128xf32, #tpu.memory_space<hbm>>, %arg5: memref<8x128xf32, #tpu.memory_space<vmem>>, %arg6: memref<8x128xf32, #tpu.memory_space<vmem>>, %arg7: memref<16xf32, #tpu.memory_space<vmem>>) attributes {dimension_semantics = [#tpu.dimension_semantics<core_parallel>, #tpu.dimension_semantics<subcore_parallel>], iteration_bounds = array<i64: 2, 16>, scalar_prefetch = 0 : i64, scratch_operands = 3 : i64, tpu.core_type = #tpu.core_type<sc_vector_subcore>, window_params = [{transform_indices = #map}, {transform_indices = #map1}, {transform_indices = #map}]} {
    %mul3A = arith.constant 2 : i32
    %mul3A_0 = arith.muli %arg1, %mul3A : i32
    %add3A = arith.addi %mul3A_0, %arg0 : i32
    %lt3A = arith.constant 16 : i32
    %lt3A_1 = arith.cmpi slt, %add3A, %lt3A : i32
    %convert_element_type3A = arith.extui %lt3A_1 : i1 to i32
    %cond3A = arith.constant 0 : i32
    %cond3A_2 = arith.cmpi ne, %convert_element_type3A, %cond3A : i32
    scf.if %cond3A_2 {
      "tpu.region"() ({
        %run_scoped3A_1732 = tpu.sem_alloc : memref<!tpu.dma_semaphore, #tpu.memory_space<semaphore_mem>>
        %dma_start3A = arith.constant 0 : i32
        %dma_start3A_1733 = arith.constant 0 : i32
        %dma_start3A_1734 = tpu.memref_slice %arg2[%add3A, %dma_start3A, %dma_start3A_1733] : memref<16x8x128xf32, #tpu.memory_space<hbm>> -> memref<1x8x128xf32, #tpu.memory_space<hbm>>
        %dma_start3A_1735 = tpu.memref_squeeze %dma_start3A_1734 : memref<1x8x128xf32, #tpu.memory_space<hbm>> -> memref<8x128xf32, #tpu.memory_space<hbm>>
        %dma_start3A_1736 = arith.constant 0 : i32
        %dma_start3A_1737 = arith.constant 0 : i32
        %dma_start3A_1738 = tpu.memref_slice %arg2[%add3A, %dma_start3A_1736, %dma_start3A_1737] : memref<16x8x128xf32, #tpu.memory_space<hbm>> -> memref<1x8x128xf32, #tpu.memory_space<hbm>>
        %dma_start3A_1739 = tpu.memref_squeeze %dma_start3A_1738 : memref<1x8x128xf32, #tpu.memory_space<hbm>> -> memref<8x128xf32, #tpu.memory_space<hbm>>
        tpu.enqueue_dma source(%dma_start3A_1739 : memref<8x128xf32, #tpu.memory_space<hbm>>) target(%arg5 : memref<8x128xf32, #tpu.memory_space<vmem>>) target_semaphore(%run_scoped3A_1732 : memref<!tpu.dma_semaphore, #tpu.memory_space<semaphore_mem>>)
        %dma_wait3A = arith.constant 0 : i32
        %dma_wait3A_1740 = arith.constant 0 : i32
        %dma_wait3A_1741 = tpu.memref_slice %arg2[%add3A, %dma_wait3A, %dma_wait3A_1740] : memref<16x8x128xf32, #tpu.memory_space<hbm>> -> memref<1x8x128xf32, #tpu.memory_space<hbm>>
        %dma_wait3A_1742 = tpu.memref_squeeze %dma_wait3A_1741 : memref<1x8x128xf32, #tpu.memory_space<hbm>> -> memref<8x128xf32, #tpu.memory_space<hbm>>
        %dma_wait3A_1743 = arith.constant 0 : i32
        %dma_wait3A_1744 = arith.constant 0 : i32
        %dma_wait3A_1745 = tpu.memref_slice %arg2[%add3A, %dma_wait3A_1743, %dma_wait3A_1744] : memref<16x8x128xf32, #tpu.memory_space<hbm>> -> memref<1x8x128xf32, #tpu.memory_space<hbm>>
        %dma_wait3A_1746 = tpu.memref_squeeze %dma_wait3A_1745 : memref<1x8x128xf32, #tpu.memory_space<hbm>> -> memref<8x128xf32, #tpu.memory_space<hbm>>
        tpu.wait_dma2 semaphore(%run_scoped3A_1732 : memref<!tpu.dma_semaphore, #tpu.memory_space<semaphore_mem>>) src(%dma_wait3A_1746 : memref<8x128xf32, #tpu.memory_space<hbm>>) dst(%arg5 : memref<8x128xf32, #tpu.memory_space<vmem>>)
        tpu.yield
      }) : () -> ()
      %run_scoped3A = arith.constant 0 : i32
      "tpu.region"() ({
        %run_scoped3A_1732 = tpu.sem_alloc : memref<!tpu.dma_semaphore, #tpu.memory_space<semaphore_mem>>
        %dma_start3A = arith.constant 0 : i32
        %dma_start3A_1733 = tpu.memref_slice %arg3[%run_scoped3A, %dma_start3A] : memref<1x16xf32, #tpu.memory_space<hbm>> -> memref<1x16xf32, #tpu.memory_space<hbm>>
        %dma_start3A_1734 = tpu.memref_squeeze %dma_start3A_1733 : memref<1x16xf32, #tpu.memory_space<hbm>> -> memref<16xf32, #tpu.memory_space<hbm>>
        %dma_start3A_1735 = arith.constant 0 : i32
        %dma_start3A_1736 = tpu.memref_slice %arg3[%run_scoped3A, %dma_start3A_1735] : memref<1x16xf32, #tpu.memory_space<hbm>> -> memref<1x16xf32, #tpu.memory_space<hbm>>
        %dma_start3A_1737 = tpu.memref_squeeze %dma_start3A_1736 : memref<1x16xf32, #tpu.memory_space<hbm>> -> memref<16xf32, #tpu.memory_space<hbm>>
        tpu.enqueue_dma source(%dma_start3A_1737 : memref<16xf32, #tpu.memory_space<hbm>>) target(%arg7 : memref<16xf32, #tpu.memory_space<vmem>>) target_semaphore(%run_scoped3A_1732 : memref<!tpu.dma_semaphore, #tpu.memory_space<semaphore_mem>>)
        %dma_wait3A = arith.constant 0 : i32
        %dma_wait3A_1738 = tpu.memref_slice %arg3[%run_scoped3A, %dma_wait3A] : memref<1x16xf32, #tpu.memory_space<hbm>> -> memref<1x16xf32, #tpu.memory_space<hbm>>
        %dma_wait3A_1739 = tpu.memref_squeeze %dma_wait3A_1738 : memref<1x16xf32, #tpu.memory_space<hbm>> -> memref<16xf32, #tpu.memory_space<hbm>>
        %dma_wait3A_1740 = arith.constant 0 : i32
        %dma_wait3A_1741 = tpu.memref_slice %arg3[%run_scoped3A, %dma_wait3A_1740] : memref<1x16xf32, #tpu.memory_space<hbm>> -> memref<1x16xf32, #tpu.memory_space<hbm>>
        %dma_wait3A_1742 = tpu.memref_squeeze %dma_wait3A_1741 : memref<1x16xf32, #tpu.memory_space<hbm>> -> memref<16xf32, #tpu.memory_space<hbm>>
        tpu.wait_dma2 semaphore(%run_scoped3A_1732 : memref<!tpu.dma_semaphore, #tpu.memory_space<semaphore_mem>>) src(%dma_wait3A_1742 : memref<16xf32, #tpu.memory_space<hbm>>) dst(%arg7 : memref<16xf32, #tpu.memory_space<vmem>>)
        tpu.yield
      }) : () -> ()
      %get3A = arith.constant 0 : index
      %get3A_3 = tpu.vector_load %arg7[%get3A] {strides = array<i32>} : memref<16xf32, #tpu.memory_space<vmem>>, vector<16xf32>,
      %get3A_4 = vector.shape_cast %get3A_3 : vector<16xf32> to vector<16xf32>
      %get3A_5 = arith.constant 0 : i32
      %get3A_6 = arith.index_cast %get3A_5 : i32 to index
      %get3A_7 = arith.constant 0 : index
      %get3A_8 = tpu.vector_load %arg5[%get3A_6, %get3A_7] {strides = array<i32>} : memref<8x128xf32, #tpu.memory_space<vmem>>, vector<1x16xf32>,
      %get3A_9 = vector.shape_cast %get3A_8 : vector<1x16xf32> to vector<16xf32>
      %get3A_10 = arith.constant 1 : i32
      %get3A_11 = arith.index_cast %get3A_10 : i32 to index
      %get3A_12 = arith.constant 0 : index
      %get3A_13 = tpu.vector_load %arg5[%get3A_11, %get3A_12] {strides = array<i32>} : memref<8x128xf32, #tpu.memory_space<vmem>>, vector<1x16xf32>,
      %get3A_14 = vector.shape_cast %get3A_13 : vector<1x16xf32> to vector<16xf32>
      %get3A_15 = arith.constant 2 : i32
      %get3A_16 = arith.index_cast %get3A_15 : i32 to index
      %get3A_17 = arith.constant 0 : index
      %get3A_18 = tpu.vector_load %arg5[%get3A_16, %get3A_17] {strides = array<i32>} : memref<8x128xf32, #tpu.memory_space<vmem>>, vector<1x16xf32>,
      %get3A_19 = vector.shape_cast %get3A_18 : vector<1x16xf32> to vector<16xf32>
      %get3A_20 = arith.constant 3 : i32
      %get3A_21 = arith.index_cast %get3A_20 : i32 to index
      %get3A_22 = arith.constant 0 : index
      %get3A_23 = tpu.vector_load %arg5[%get3A_21, %get3A_22] {strides = array<i32>} : memref<8x128xf32, #tpu.memory_space<vmem>>, vector<1x16xf32>,
      %get3A_24 = vector.shape_cast %get3A_23 : vector<1x16xf32> to vector<16xf32>
      %get3A_25 = arith.constant 4 : i32
      %get3A_26 = arith.index_cast %get3A_25 : i32 to index
      %get3A_27 = arith.constant 0 : index
      %get3A_28 = tpu.vector_load %arg5[%get3A_26, %get3A_27] {strides = array<i32>} : memref<8x128xf32, #tpu.memory_space<vmem>>, vector<1x16xf32>,
      %get3A_29 = vector.shape_cast %get3A_28 : vector<1x16xf32> to vector<16xf32>
      %get3A_30 = arith.constant 5 : i32
      %get3A_31 = arith.index_cast %get3A_30 : i32 to index
      %get3A_32 = arith.constant 0 : index
      %get3A_33 = tpu.vector_load %arg5[%get3A_31, %get3A_32] {strides = array<i32>} : memref<8x128xf32, #tpu.memory_space<vmem>>, vector<1x16xf32>,
      %get3A_34 = vector.shape_cast %get3A_33 : vector<1x16xf32> to vector<16xf32>
      %get3A_35 = arith.constant 6 : i32
      %get3A_36 = arith.index_cast %get3A_35 : i32 to index
      %get3A_37 = arith.constant 0 : index
      %get3A_38 = tpu.vector_load %arg5[%get3A_36, %get3A_37] {strides = array<i32>} : memref<8x128xf32, #tpu.memory_space<vmem>>, vector<1x16xf32>,
      %get3A_39 = vector.shape_cast %get3A_38 : vector<1x16xf32> to vector<16xf32>
      %get3A_40 = arith.constant 7 : i32
      %get3A_41 = arith.index_cast %get3A_40 : i32 to index
      %get3A_42 = arith.constant 0 : index
      %get3A_43 = tpu.vector_load %arg5[%get3A_41, %get3A_42] {strides = array<i32>} : memref<8x128xf32, #tpu.memory_space<vmem>>, vector<1x16xf32>,
      %get3A_44 = vector.shape_cast %get3A_43 : vector<1x16xf32> to vector<16xf32>
      %broadcast_in_dim3A = arith.constant 0.000000e+00 : f32
      %broadcast_in_dim3A_45 = vector.broadcast %broadcast_in_dim3A : f32 to vector<16xf32>
      %gt3A = arith.cmpf ogt, %get3A_14, %get3A_9 : vector<16xf32>
      %select_n3A = arith.select %gt3A, %get3A_14, %get3A_9 : vector<16xi1>, vector<16xf32>
      %jit3A = arith.constant 1.000000e+00 : f32
      %broadcast_in_dim3A_46 = vector.broadcast %jit3A : f32 to vector<16xf32>
      %select_n3A_47 = arith.select %gt3A, %broadcast_in_dim3A_46, %broadcast_in_dim3A_45 : vector<16xi1>, vector<16xf32>
      %gt3A_48 = arith.cmpf ogt, %get3A_19, %select_n3A : vector<16xf32>
      %select_n3A_49 = arith.select %gt3A_48, %get3A_19, %select_n3A : vector<16xi1>, vector<16xf32>
      %jit3A_50 = arith.constant 2.000000e+00 : f32
      %broadcast_in_dim3A_51 = vector.broadcast %jit3A_50 : f32 to vector<16xf32>
      %select_n3A_52 = arith.select %gt3A_48, %broadcast_in_dim3A_51, %select_n3A_47 : vector<16xi1>, vector<16xf32>
      %gt3A_53 = arith.cmpf ogt, %get3A_24, %select_n3A_49 : vector<16xf32>
      %select_n3A_54 = arith.select %gt3A_53, %get3A_24, %select_n3A_49 : vector<16xi1>, vector<16xf32>
      %jit3A_55 = arith.constant 3.000000e+00 : f32
      %broadcast_in_dim3A_56 = vector.broadcast %jit3A_55 : f32 to vector<16xf32>
      %select_n3A_57 = arith.select %gt3A_53, %broadcast_in_dim3A_56, %select_n3A_52 : vector<16xi1>, vector<16xf32>
      %gt3A_58 = arith.cmpf ogt, %get3A_29, %select_n3A_54 : vector<16xf32>
      %select_n3A_59 = arith.select %gt3A_58, %get3A_29, %select_n3A_54 : vector<16xi1>, vector<16xf32>
      %jit3A_60 = arith.constant 4.000000e+00 : f32
      %broadcast_in_dim3A_61 = vector.broadcast %jit3A_60 : f32 to vector<16xf32>
      %select_n3A_62 = arith.select %gt3A_58, %broadcast_in_dim3A_61, %select_n3A_57 : vector<16xi1>, vector<16xf32>
      %gt3A_63 = arith.cmpf ogt, %get3A_34, %select_n3A_59 : vector<16xf32>
      %select_n3A_64 = arith.select %gt3A_63, %get3A_34, %select_n3A_59 : vector<16xi1>, vector<16xf32>
      %jit3A_65 = arith.constant 5.000000e+00 : f32
      %broadcast_in_dim3A_66 = vector.broadcast %jit3A_65 : f32 to vector<16xf32>
      %select_n3A_67 = arith.select %gt3A_63, %broadcast_in_dim3A_66, %select_n3A_62 : vector<16xi1>, vector<16xf32>
      %gt3A_68 = arith.cmpf ogt, %get3A_39, %select_n3A_64 : vector<16xf32>
      %select_n3A_69 = arith.select %gt3A_68, %get3A_39, %select_n3A_64 : vector<16xi1>, vector<16xf32>
      %jit3A_70 = arith.constant 6.000000e+00 : f32
      %broadcast_in_dim3A_71 = vector.broadcast %jit3A_70 : f32 to vector<16xf32>
      %select_n3A_72 = arith.select %gt3A_68, %broadcast_in_dim3A_71, %select_n3A_67 : vector<16xi1>, vector<16xf32>
      %gt3A_73 = arith.cmpf ogt, %get3A_44, %select_n3A_69 : vector<16xf32>
      %select_n3A_74 = arith.select %gt3A_73, %get3A_44, %select_n3A_69 : vector<16xi1>, vector<16xf32>
      %jit3A_75 = arith.constant 7.000000e+00 : f32
      %broadcast_in_dim3A_76 = vector.broadcast %jit3A_75 : f32 to vector<16xf32>
      %select_n3A_77 = arith.select %gt3A_73, %broadcast_in_dim3A_76, %select_n3A_72 : vector<16xi1>, vector<16xf32>
      %broadcast_in_dim3A_78 = arith.constant -1.000000e+00 : f32
      %broadcast_in_dim3A_79 = vector.broadcast %broadcast_in_dim3A_78 : f32 to vector<16xf32>
      %broadcast_in_dim3A_80 = arith.constant 0.000000e+00 : f32
      %broadcast_in_dim3A_81 = vector.broadcast %broadcast_in_dim3A_80 : f32 to vector<16xf32>
      %ne3A = arith.constant 0.000000e+00 : f32
      %ne3A_82 = vector.broadcast %ne3A : f32 to vector<16xf32>
      %ne3A_83 = arith.cmpf one, %select_n3A_77, %ne3A_82 : vector<16xf32>
      %gt3A_84 = arith.cmpf ogt, %get3A_9, %broadcast_in_dim3A_79 : vector<16xf32>
      %and3A = arith.andi %ne3A_83, %gt3A_84 : vector<16xi1>
      %select_n3A_85 = arith.select %and3A, %get3A_9, %broadcast_in_dim3A_79 : vector<16xi1>, vector<16xf32>
      %jit3A_86 = arith.constant 0.000000e+00 : f32
      %broadcast_in_dim3A_87 = vector.broadcast %jit3A_86 : f32 to vector<16xf32>
      %select_n3A_88 = arith.select %and3A, %broadcast_in_dim3A_87, %broadcast_in_dim3A_81 : vector<16xi1>, vector<16xf32>
      %ne3A_89 = arith.constant 1.000000e+00 : f32
      %ne3A_90 = vector.broadcast %ne3A_89 : f32 to vector<16xf32>
      %ne3A_91 = arith.cmpf one, %select_n3A_77, %ne3A_90 : vector<16xf32>
      %gt3A_92 = arith.cmpf ogt, %get3A_14, %select_n3A_85 : vector<16xf32>
      %and3A_93 = arith.andi %ne3A_91, %gt3A_92 : vector<16xi1>
      %select_n3A_94 = arith.select %and3A_93, %get3A_14, %select_n3A_85 : vector<16xi1>, vector<16xf32>
      %jit3A_95 = arith.constant 1.000000e+00 : f32
      %broadcast_in_dim3A_96 = vector.broadcast %jit3A_95 : f32 to vector<16xf32>
      %select_n3A_97 = arith.select %and3A_93, %broadcast_in_dim3A_96, %select_n3A_88 : vector<16xi1>, vector<16xf32>
      %ne3A_98 = arith.constant 2.000000e+00 : f32
      %ne3A_99 = vector.broadcast %ne3A_98 : f32 to vector<16xf32>
      %ne3A_100 = arith.cmpf one, %select_n3A_77, %ne3A_99 : vector<16xf32>
      %gt3A_101 = arith.cmpf ogt, %get3A_19, %select_n3A_94 : vector<16xf32>
      %and3A_102 = arith.andi %ne3A_100, %gt3A_101 : vector<16xi1>
      %select_n3A_103 = arith.select %and3A_102, %get3A_19, %select_n3A_94 : vector<16xi1>, vector<16xf32>
      %jit3A_104 = arith.constant 2.000000e+00 : f32
      %broadcast_in_dim3A_105 = vector.broadcast %jit3A_104 : f32 to vector<16xf32>
      %select_n3A_106 = arith.select %and3A_102, %broadcast_in_dim3A_105, %select_n3A_97 : vector<16xi1>, vector<16xf32>
      %ne3A_107 = arith.constant 3.000000e+00 : f32
      %ne3A_108 = vector.broadcast %ne3A_107 : f32 to vector<16xf32>
      %ne3A_109 = arith.cmpf one, %select_n3A_77, %ne3A_108 : vector<16xf32>
      %gt3A_110 = arith.cmpf ogt, %get3A_24, %select_n3A_103 : vector<16xf32>
      %and3A_111 = arith.andi %ne3A_109, %gt3A_110 : vector<16xi1>
      %select_n3A_112 = arith.select %and3A_111, %get3A_24, %select_n3A_103 : vector<16xi1>, vector<16xf32>
      %jit3A_113 = arith.constant 3.000000e+00 : f32
      %broadcast_in_dim3A_114 = vector.broadcast %jit3A_113 : f32 to vector<16xf32>
      %select_n3A_115 = arith.select %and3A_111, %broadcast_in_dim3A_114, %select_n3A_106 : vector<16xi1>, vector<16xf32>
      %ne3A_116 = arith.constant 4.000000e+00 : f32
      %ne3A_117 = vector.broadcast %ne3A_116 : f32 to vector<16xf32>
      %ne3A_118 = arith.cmpf one, %select_n3A_77, %ne3A_117 : vector<16xf32>
      %gt3A_119 = arith.cmpf ogt, %get3A_29, %select_n3A_112 : vector<16xf32>
      %and3A_120 = arith.andi %ne3A_118, %gt3A_119 : vector<16xi1>
      %select_n3A_121 = arith.select %and3A_120, %get3A_29, %select_n3A_112 : vector<16xi1>, vector<16xf32>
      %jit3A_122 = arith.constant 4.000000e+00 : f32
      %broadcast_in_dim3A_123 = vector.broadcast %jit3A_122 : f32 to vector<16xf32>
      %select_n3A_124 = arith.select %and3A_120, %broadcast_in_dim3A_123, %select_n3A_115 : vector<16xi1>, vector<16xf32>
      %ne3A_125 = arith.constant 5.000000e+00 : f32
      %ne3A_126 = vector.broadcast %ne3A_125 : f32 to vector<16xf32>
      %ne3A_127 = arith.cmpf one, %select_n3A_77, %ne3A_126 : vector<16xf32>
      %gt3A_128 = arith.cmpf ogt, %get3A_34, %select_n3A_121 : vector<16xf32>
      %and3A_129 = arith.andi %ne3A_127, %gt3A_128 : vector<16xi1>
      %select_n3A_130 = arith.select %and3A_129, %get3A_34, %select_n3A_121 : vector<16xi1>, vector<16xf32>
      %jit3A_131 = arith.constant 5.000000e+00 : f32
      %broadcast_in_dim3A_132 = vector.broadcast %jit3A_131 : f32 to vector<16xf32>
      %select_n3A_133 = arith.select %and3A_129, %broadcast_in_dim3A_132, %select_n3A_124 : vector<16xi1>, vector<16xf32>
      %ne3A_134 = arith.constant 6.000000e+00 : f32
      %ne3A_135 = vector.broadcast %ne3A_134 : f32 to vector<16xf32>
      %ne3A_136 = arith.cmpf one, %select_n3A_77, %ne3A_135 : vector<16xf32>
      %gt3A_137 = arith.cmpf ogt, %get3A_39, %select_n3A_130 : vector<16xf32>
      %and3A_138 = arith.andi %ne3A_136, %gt3A_137 : vector<16xi1>
      %select_n3A_139 = arith.select %and3A_138, %get3A_39, %select_n3A_130 : vector<16xi1>, vector<16xf32>
      %jit3A_140 = arith.constant 6.000000e+00 : f32
      %broadcast_in_dim3A_141 = vector.broadcast %jit3A_140 : f32 to vector<16xf32>
      %select_n3A_142 = arith.select %and3A_138, %broadcast_in_dim3A_141, %select_n3A_133 : vector<16xi1>, vector<16xf32>
      %ne3A_143 = arith.constant 7.000000e+00 : f32
      %ne3A_144 = vector.broadcast %ne3A_143 : f32 to vector<16xf32>
      %ne3A_145 = arith.cmpf one, %select_n3A_77, %ne3A_144 : vector<16xf32>
      %gt3A_146 = arith.cmpf ogt, %get3A_44, %select_n3A_139 : vector<16xf32>
      %and3A_147 = arith.andi %ne3A_145, %gt3A_146 : vector<16xi1>
      %select_n3A_148 = arith.select %and3A_147, %get3A_44, %select_n3A_139 : vector<16xi1>, vector<16xf32>
      %jit3A_149 = arith.constant 7.000000e+00 : f32
      %broadcast_in_dim3A_150 = vector.broadcast %jit3A_149 : f32 to vector<16xf32>
      %select_n3A_151 = arith.select %and3A_147, %broadcast_in_dim3A_150, %select_n3A_142 : vector<16xi1>, vector<16xf32>
      %add3A_152 = arith.addf %select_n3A_74, %select_n3A_148 : vector<16xf32>
      %convert_element_type3A_153 = arith.fptosi %select_n3A_151 : vector<16xf32> to vector<16xi32>
      %lt3A_154 = arith.constant 0 : i32
      %lt3A_155 = vector.broadcast %lt3A_154 : i32 to vector<16xi32>
      %lt3A_156 = arith.cmpi slt, %convert_element_type3A_153, %lt3A_155 : vector<16xi32>
      %add3A_157 = arith.constant 16 : i32
      %add3A_158 = vector.broadcast %add3A_157 : i32 to vector<16xi32>
      %add3A_159 = arith.addi %convert_element_type3A_153, %add3A_158 : vector<16xi32>
      %select_n3A_160 = arith.select %lt3A_156, %add3A_159, %convert_element_type3A_153 : vector<16xi1>, vector<16xi32>
      %broadcast_in_dim3A_161 = vector.shape_cast %select_n3A_160 : vector<16xi32> to vector<16x1xi32>
      %gather3A = vector.shape_cast %broadcast_in_dim3A_161 : vector<16x1xi32> to vector<16xi32>
      %gather3A_162 = tpu.dynamic_gather %get3A_4[%gather3A] in [0] : vector<16xf32>, vector<16xi32> -> vector<16xf32>
      %swap3A = arith.constant 0 : i32
      %swap3A_163 = arith.index_cast %swap3A : i32 to index
      %swap3A_164 = arith.constant 0 : index
      %swap3A_165 = tpu.vector_load %arg6[%swap3A_163, %swap3A_164] {strides = array<i32>} : memref<8x128xf32, #tpu.memory_space<vmem>>, vector<1x16xf32>,
      %swap3A_166 = vector.shape_cast %swap3A_165 : vector<1x16xf32> to vector<16xf32>
      %swap3A_167 = vector.shape_cast %select_n3A_77 : vector<16xf32> to vector<1x16xf32>
      tpu.vector_store %arg6[%swap3A_163, %swap3A_164], %swap3A_167 {strides = array<i32>} : memref<8x128xf32, #tpu.memory_space<vmem>>, vector<1x16xf32>,
      %swap3A_168 = arith.constant 1 : i32
      %swap3A_169 = arith.index_cast %swap3A_168 : i32 to index
      %swap3A_170 = arith.constant 0 : index
      %swap3A_171 = tpu.vector_load %arg6[%swap3A_169, %swap3A_170] {strides = array<i32>} : memref<8x128xf32, #tpu.memory_space<vmem>>, vector<1x16xf32>,
      %swap3A_172 = vector.shape_cast %swap3A_171 : vector<1x16xf32> to vector<16xf32>
      %swap3A_173 = vector.shape_cast %select_n3A_151 : vector<16xf32> to vector<1x16xf32>
      tpu.vector_store %arg6[%swap3A_169, %swap3A_170], %swap3A_173 {strides = array<i32>} : memref<8x128xf32, #tpu.memory_space<vmem>>, vector<1x16xf32>,
      %div3A = arith.divf %select_n3A_74, %add3A_152 : vector<16xf32>
      %swap3A_174 = arith.constant 2 : i32
      %swap3A_175 = arith.index_cast %swap3A_174 : i32 to index
      %swap3A_176 = arith.constant 0 : index
      %swap3A_177 = tpu.vector_load %arg6[%swap3A_175, %swap3A_176] {strides = array<i32>} : memref<8x128xf32, #tpu.memory_space<vmem>>, vector<1x16xf32>,
      %swap3A_178 = vector.shape_cast %swap3A_177 : vector<1x16xf32> to vector<16xf32>
      %swap3A_179 = vector.shape_cast %div3A : vector<16xf32> to vector<1x16xf32>
      tpu.vector_store %arg6[%swap3A_175, %swap3A_176], %swap3A_179 {strides = array<i32>} : memref<8x128xf32, #tpu.memory_space<vmem>>, vector<1x16xf32>,
      %div3A_180 = arith.divf %select_n3A_148, %add3A_152 : vector<16xf32>
      %swap3A_181 = arith.constant 3 : i32
      %swap3A_182 = arith.index_cast %swap3A_181 : i32 to index
      %swap3A_183 = arith.constant 0 : index
      %swap3A_184 = tpu.vector_load %arg6[%swap3A_182, %swap3A_183] {strides = array<i32>} : memref<8x128xf32, #tpu.memory_space<vmem>>, vector<1x16xf32>,
      %swap3A_185 = vector.shape_cast %swap3A_184 : vector<1x16xf32> to vector<16xf32>
      %swap3A_186 = vector.shape_cast %div3A_180 : vector<16xf32> to vector<1x16xf32>
      tpu.vector_store %arg6[%swap3A_182, %swap3A_183], %swap3A_186 {strides = array<i32>} : memref<8x128xf32, #tpu.memory_space<vmem>>, vector<1x16xf32>,
      %swap3A_187 = arith.constant 4 : i32
      %swap3A_188 = arith.index_cast %swap3A_187 : i32 to index
      %swap3A_189 = arith.constant 0 : index
      %swap3A_190 = tpu.vector_load %arg6[%swap3A_188, %swap3A_189] {strides = array<i32>} : memref<8x128xf32, #tpu.memory_space<vmem>>, vector<1x16xf32>,
      %swap3A_191 = vector.shape_cast %swap3A_190 : vector<1x16xf32> to vector<16xf32>
      %swap3A_192 = vector.shape_cast %gather3A_162 : vector<16xf32> to vector<1x16xf32>
      tpu.vector_store %arg6[%swap3A_188, %swap3A_189], %swap3A_192 {strides = array<i32>} : memref<8x128xf32, #tpu.memory_space<vmem>>, vector<1x16xf32>,
      %broadcast_in_dim3A_193 = arith.constant 0.000000e+00 : f32
      %broadcast_in_dim3A_194 = vector.broadcast %broadcast_in_dim3A_193 : f32 to vector<16xf32>
      %swap3A_195 = arith.constant 5 : i32
      %swap3A_196 = arith.index_cast %swap3A_195 : i32 to index
      %swap3A_197 = arith.constant 0 : index
      %swap3A_198 = tpu.vector_load %arg6[%swap3A_196, %swap3A_197] {strides = array<i32>} : memref<8x128xf32, #tpu.memory_space<vmem>>, vector<1x16xf32>,
      %swap3A_199 = vector.shape_cast %swap3A_198 : vector<1x16xf32> to vector<16xf32>
      %swap3A_200 = vector.shape_cast %broadcast_in_dim3A_194 : vector<16xf32> to vector<1x16xf32>
      tpu.vector_store %arg6[%swap3A_196, %swap3A_197], %swap3A_200 {strides = array<i32>} : memref<8x128xf32, #tpu.memory_space<vmem>>, vector<1x16xf32>,
      %swap3A_201 = arith.constant 6 : i32
      %swap3A_202 = arith.index_cast %swap3A_201 : i32 to index
      %swap3A_203 = arith.constant 0 : index
      %swap3A_204 = tpu.vector_load %arg6[%swap3A_202, %swap3A_203] {strides = array<i32>} : memref<8x128xf32, #tpu.memory_space<vmem>>, vector<1x16xf32>,
      %swap3A_205 = vector.shape_cast %swap3A_204 : vector<1x16xf32> to vector<16xf32>
      %swap3A_206 = vector.shape_cast %broadcast_in_dim3A_194 : vector<16xf32> to vector<1x16xf32>
      tpu.vector_store %arg6[%swap3A_202, %swap3A_203], %swap3A_206 {strides = array<i32>} : memref<8x128xf32, #tpu.memory_space<vmem>>, vector<1x16xf32>,
      %swap3A_207 = arith.constant 7 : i32
      %swap3A_208 = arith.index_cast %swap3A_207 : i32 to index
      %swap3A_209 = arith.constant 0 : index
      %swap3A_210 = tpu.vector_load %arg6[%swap3A_208, %swap3A_209] {strides = array<i32>} : memref<8x128xf32, #tpu.memory_space<vmem>>, vector<1x16xf32>,
      %swap3A_211 = vector.shape_cast %swap3A_210 : vector<1x16xf32> to vector<16xf32>
      %swap3A_212 = vector.shape_cast %broadcast_in_dim3A_194 : vector<16xf32> to vector<1x16xf32>
      tpu.vector_store %arg6[%swap3A_208, %swap3A_209], %swap3A_212 {strides = array<i32>} : memref<8x128xf32, #tpu.memory_space<vmem>>, vector<1x16xf32>,
      %get3A_213 = arith.constant 0 : i32
      %get3A_214 = arith.index_cast %get3A_213 : i32 to index
      %get3A_215 = arith.constant 16 : index
      %get3A_216 = tpu.vector_load %arg5[%get3A_214, %get3A_215] {strides = array<i32>} : memref<8x128xf32, #tpu.memory_space<vmem>>, vector<1x16xf32>,
      %get3A_217 = vector.shape_cast %get3A_216 : vector<1x16xf32> to vector<16xf32>
      %get3A_218 = arith.constant 1 : i32
      %get3A_219 = arith.index_cast %get3A_218 : i32 to index
      %get3A_220 = arith.constant 16 : index
      %get3A_221 = tpu.vector_load %arg5[%get3A_219, %get3A_220] {strides = array<i32>} : memref<8x128xf32, #tpu.memory_space<vmem>>, vector<1x16xf32>,
      %get3A_222 = vector.shape_cast %get3A_221 : vector<1x16xf32> to vector<16xf32>
      %get3A_223 = arith.constant 2 : i32
      %get3A_224 = arith.index_cast %get3A_223 : i32 to index
      %get3A_225 = arith.constant 16 : index
      %get3A_226 = tpu.vector_load %arg5[%get3A_224, %get3A_225] {strides = array<i32>} : memref<8x128xf32, #tpu.memory_space<vmem>>, vector<1x16xf32>,
      %get3A_227 = vector.shape_cast %get3A_226 : vector<1x16xf32> to vector<16xf32>
      %get3A_228 = arith.constant 3 : i32
      %get3A_229 = arith.index_cast %get3A_228 : i32 to index
      %get3A_230 = arith.constant 16 : index
      %get3A_231 = tpu.vector_load %arg5[%get3A_229, %get3A_230] {strides = array<i32>} : memref<8x128xf32, #tpu.memory_space<vmem>>, vector<1x16xf32>,
      %get3A_232 = vector.shape_cast %get3A_231 : vector<1x16xf32> to vector<16xf32>
      %get3A_233 = arith.constant 4 : i32
      %get3A_234 = arith.index_cast %get3A_233 : i32 to index
      %get3A_235 = arith.constant 16 : index
      %get3A_236 = tpu.vector_load %arg5[%get3A_234, %get3A_235] {strides = array<i32>} : memref<8x128xf32, #tpu.memory_space<vmem>>, vector<1x16xf32>,
      %get3A_237 = vector.shape_cast %get3A_236 : vector<1x16xf32> to vector<16xf32>
      %get3A_238 = arith.constant 5 : i32
      %get3A_239 = arith.index_cast %get3A_238 : i32 to index
      %get3A_240 = arith.constant 16 : index
      %get3A_241 = tpu.vector_load %arg5[%get3A_239, %get3A_240] {strides = array<i32>} : memref<8x128xf32, #tpu.memory_space<vmem>>, vector<1x16xf32>,
      %get3A_242 = vector.shape_cast %get3A_241 : vector<1x16xf32> to vector<16xf32>
      %get3A_243 = arith.constant 6 : i32
      %get3A_244 = arith.index_cast %get3A_243 : i32 to index
      %get3A_245 = arith.constant 16 : index
      %get3A_246 = tpu.vector_load %arg5[%get3A_244, %get3A_245] {strides = array<i32>} : memref<8x128xf32, #tpu.memory_space<vmem>>, vector<1x16xf32>,
      %get3A_247 = vector.shape_cast %get3A_246 : vector<1x16xf32> to vector<16xf32>
      %get3A_248 = arith.constant 7 : i32
      %get3A_249 = arith.index_cast %get3A_248 : i32 to index
      %get3A_250 = arith.constant 16 : index
      %get3A_251 = tpu.vector_load %arg5[%get3A_249, %get3A_250] {strides = array<i32>} : memref<8x128xf32, #tpu.memory_space<vmem>>, vector<1x16xf32>,
      %get3A_252 = vector.shape_cast %get3A_251 : vector<1x16xf32> to vector<16xf32>
      %broadcast_in_dim3A_253 = arith.constant 0.000000e+00 : f32
      %broadcast_in_dim3A_254 = vector.broadcast %broadcast_in_dim3A_253 : f32 to vector<16xf32>
      %gt3A_255 = arith.cmpf ogt, %get3A_222, %get3A_217 : vector<16xf32>
      %select_n3A_256 = arith.select %gt3A_255, %get3A_222, %get3A_217 : vector<16xi1>, vector<16xf32>
      %jit3A_257 = arith.constant 1.000000e+00 : f32
      %broadcast_in_dim3A_258 = vector.broadcast %jit3A_257 : f32 to vector<16xf32>
      %select_n3A_259 = arith.select %gt3A_255, %broadcast_in_dim3A_258, %broadcast_in_dim3A_254 : vector<16xi1>, vector<16xf32>
      %gt3A_260 = arith.cmpf ogt, %get3A_227, %select_n3A_256 : vector<16xf32>
      %select_n3A_261 = arith.select %gt3A_260, %get3A_227, %select_n3A_256 : vector<16xi1>, vector<16xf32>
      %jit3A_262 = arith.constant 2.000000e+00 : f32
      %broadcast_in_dim3A_263 = vector.broadcast %jit3A_262 : f32 to vector<16xf32>
      %select_n3A_264 = arith.select %gt3A_260, %broadcast_in_dim3A_263, %select_n3A_259 : vector<16xi1>, vector<16xf32>
      %gt3A_265 = arith.cmpf ogt, %get3A_232, %select_n3A_261 : vector<16xf32>
      %select_n3A_266 = arith.select %gt3A_265, %get3A_232, %select_n3A_261 : vector<16xi1>, vector<16xf32>
      %jit3A_267 = arith.constant 3.000000e+00 : f32
      %broadcast_in_dim3A_268 = vector.broadcast %jit3A_267 : f32 to vector<16xf32>
      %select_n3A_269 = arith.select %gt3A_265, %broadcast_in_dim3A_268, %select_n3A_264 : vector<16xi1>, vector<16xf32>
      %gt3A_270 = arith.cmpf ogt, %get3A_237, %select_n3A_266 : vector<16xf32>
      %select_n3A_271 = arith.select %gt3A_270, %get3A_237, %select_n3A_266 : vector<16xi1>, vector<16xf32>
      %jit3A_272 = arith.constant 4.000000e+00 : f32
      %broadcast_in_dim3A_273 = vector.broadcast %jit3A_272 : f32 to vector<16xf32>
      %select_n3A_274 = arith.select %gt3A_270, %broadcast_in_dim3A_273, %select_n3A_269 : vector<16xi1>, vector<16xf32>
      %gt3A_275 = arith.cmpf ogt, %get3A_242, %select_n3A_271 : vector<16xf32>
      %select_n3A_276 = arith.select %gt3A_275, %get3A_242, %select_n3A_271 : vector<16xi1>, vector<16xf32>
      %jit3A_277 = arith.constant 5.000000e+00 : f32
      %broadcast_in_dim3A_278 = vector.broadcast %jit3A_277 : f32 to vector<16xf32>
      %select_n3A_279 = arith.select %gt3A_275, %broadcast_in_dim3A_278, %select_n3A_274 : vector<16xi1>, vector<16xf32>
      %gt3A_280 = arith.cmpf ogt, %get3A_247, %select_n3A_276 : vector<16xf32>
      %select_n3A_281 = arith.select %gt3A_280, %get3A_247, %select_n3A_276 : vector<16xi1>, vector<16xf32>
      %jit3A_282 = arith.constant 6.000000e+00 : f32
      %broadcast_in_dim3A_283 = vector.broadcast %jit3A_282 : f32 to vector<16xf32>
      %select_n3A_284 = arith.select %gt3A_280, %broadcast_in_dim3A_283, %select_n3A_279 : vector<16xi1>, vector<16xf32>
      %gt3A_285 = arith.cmpf ogt, %get3A_252, %select_n3A_281 : vector<16xf32>
      %select_n3A_286 = arith.select %gt3A_285, %get3A_252, %select_n3A_281 : vector<16xi1>, vector<16xf32>
      %jit3A_287 = arith.constant 7.000000e+00 : f32
      %broadcast_in_dim3A_288 = vector.broadcast %jit3A_287 : f32 to vector<16xf32>
      %select_n3A_289 = arith.select %gt3A_285, %broadcast_in_dim3A_288, %select_n3A_284 : vector<16xi1>, vector<16xf32>
      %broadcast_in_dim3A_290 = arith.constant -1.000000e+00 : f32
      %broadcast_in_dim3A_291 = vector.broadcast %broadcast_in_dim3A_290 : f32 to vector<16xf32>
      %broadcast_in_dim3A_292 = arith.constant 0.000000e+00 : f32
      %broadcast_in_dim3A_293 = vector.broadcast %broadcast_in_dim3A_292 : f32 to vector<16xf32>
      %ne3A_294 = arith.constant 0.000000e+00 : f32
      %ne3A_295 = vector.broadcast %ne3A_294 : f32 to vector<16xf32>
      %ne3A_296 = arith.cmpf one, %select_n3A_289, %ne3A_295 : vector<16xf32>
      %gt3A_297 = arith.cmpf ogt, %get3A_217, %broadcast_in_dim3A_291 : vector<16xf32>
      %and3A_298 = arith.andi %ne3A_296, %gt3A_297 : vector<16xi1>
      %select_n3A_299 = arith.select %and3A_298, %get3A_217, %broadcast_in_dim3A_291 : vector<16xi1>, vector<16xf32>
      %jit3A_300 = arith.constant 0.000000e+00 : f32
      %broadcast_in_dim3A_301 = vector.broadcast %jit3A_300 : f32 to vector<16xf32>
      %select_n3A_302 = arith.select %and3A_298, %broadcast_in_dim3A_301, %broadcast_in_dim3A_293 : vector<16xi1>, vector<16xf32>
      %ne3A_303 = arith.constant 1.000000e+00 : f32
      %ne3A_304 = vector.broadcast %ne3A_303 : f32 to vector<16xf32>
      %ne3A_305 = arith.cmpf one, %select_n3A_289, %ne3A_304 : vector<16xf32>
      %gt3A_306 = arith.cmpf ogt, %get3A_222, %select_n3A_299 : vector<16xf32>
      %and3A_307 = arith.andi %ne3A_305, %gt3A_306 : vector<16xi1>
      %select_n3A_308 = arith.select %and3A_307, %get3A_222, %select_n3A_299 : vector<16xi1>, vector<16xf32>
      %jit3A_309 = arith.constant 1.000000e+00 : f32
      %broadcast_in_dim3A_310 = vector.broadcast %jit3A_309 : f32 to vector<16xf32>
      %select_n3A_311 = arith.select %and3A_307, %broadcast_in_dim3A_310, %select_n3A_302 : vector<16xi1>, vector<16xf32>
      %ne3A_312 = arith.constant 2.000000e+00 : f32
      %ne3A_313 = vector.broadcast %ne3A_312 : f32 to vector<16xf32>
      %ne3A_314 = arith.cmpf one, %select_n3A_289, %ne3A_313 : vector<16xf32>
      %gt3A_315 = arith.cmpf ogt, %get3A_227, %select_n3A_308 : vector<16xf32>
      %and3A_316 = arith.andi %ne3A_314, %gt3A_315 : vector<16xi1>
      %select_n3A_317 = arith.select %and3A_316, %get3A_227, %select_n3A_308 : vector<16xi1>, vector<16xf32>
      %jit3A_318 = arith.constant 2.000000e+00 : f32
      %broadcast_in_dim3A_319 = vector.broadcast %jit3A_318 : f32 to vector<16xf32>
      %select_n3A_320 = arith.select %and3A_316, %broadcast_in_dim3A_319, %select_n3A_311 : vector<16xi1>, vector<16xf32>
      %ne3A_321 = arith.constant 3.000000e+00 : f32
      %ne3A_322 = vector.broadcast %ne3A_321 : f32 to vector<16xf32>
      %ne3A_323 = arith.cmpf one, %select_n3A_289, %ne3A_322 : vector<16xf32>
      %gt3A_324 = arith.cmpf ogt, %get3A_232, %select_n3A_317 : vector<16xf32>
      %and3A_325 = arith.andi %ne3A_323, %gt3A_324 : vector<16xi1>
      %select_n3A_326 = arith.select %and3A_325, %get3A_232, %select_n3A_317 : vector<16xi1>, vector<16xf32>
      %jit3A_327 = arith.constant 3.000000e+00 : f32
      %broadcast_in_dim3A_328 = vector.broadcast %jit3A_327 : f32 to vector<16xf32>
      %select_n3A_329 = arith.select %and3A_325, %broadcast_in_dim3A_328, %select_n3A_320 : vector<16xi1>, vector<16xf32>
      %ne3A_330 = arith.constant 4.000000e+00 : f32
      %ne3A_331 = vector.broadcast %ne3A_330 : f32 to vector<16xf32>
      %ne3A_332 = arith.cmpf one, %select_n3A_289, %ne3A_331 : vector<16xf32>
      %gt3A_333 = arith.cmpf ogt, %get3A_237, %select_n3A_326 : vector<16xf32>
      %and3A_334 = arith.andi %ne3A_332, %gt3A_333 : vector<16xi1>
      %select_n3A_335 = arith.select %and3A_334, %get3A_237, %select_n3A_326 : vector<16xi1>, vector<16xf32>
      %jit3A_336 = arith.constant 4.000000e+00 : f32
      %broadcast_in_dim3A_337 = vector.broadcast %jit3A_336 : f32 to vector<16xf32>
      %select_n3A_338 = arith.select %and3A_334, %broadcast_in_dim3A_337, %select_n3A_329 : vector<16xi1>, vector<16xf32>
      %ne3A_339 = arith.constant 5.000000e+00 : f32
      %ne3A_340 = vector.broadcast %ne3A_339 : f32 to vector<16xf32>
      %ne3A_341 = arith.cmpf one, %select_n3A_289, %ne3A_340 : vector<16xf32>
      %gt3A_342 = arith.cmpf ogt, %get3A_242, %select_n3A_335 : vector<16xf32>
      %and3A_343 = arith.andi %ne3A_341, %gt3A_342 : vector<16xi1>
      %select_n3A_344 = arith.select %and3A_343, %get3A_242, %select_n3A_335 : vector<16xi1>, vector<16xf32>
      %jit3A_345 = arith.constant 5.000000e+00 : f32
      %broadcast_in_dim3A_346 = vector.broadcast %jit3A_345 : f32 to vector<16xf32>
      %select_n3A_347 = arith.select %and3A_343, %broadcast_in_dim3A_346, %select_n3A_338 : vector<16xi1>, vector<16xf32>
      %ne3A_348 = arith.constant 6.000000e+00 : f32
      %ne3A_349 = vector.broadcast %ne3A_348 : f32 to vector<16xf32>
      %ne3A_350 = arith.cmpf one, %select_n3A_289, %ne3A_349 : vector<16xf32>
      %gt3A_351 = arith.cmpf ogt, %get3A_247, %select_n3A_344 : vector<16xf32>
      %and3A_352 = arith.andi %ne3A_350, %gt3A_351 : vector<16xi1>
      %select_n3A_353 = arith.select %and3A_352, %get3A_247, %select_n3A_344 : vector<16xi1>, vector<16xf32>
      %jit3A_354 = arith.constant 6.000000e+00 : f32
      %broadcast_in_dim3A_355 = vector.broadcast %jit3A_354 : f32 to vector<16xf32>
      %select_n3A_356 = arith.select %and3A_352, %broadcast_in_dim3A_355, %select_n3A_347 : vector<16xi1>, vector<16xf32>
      %ne3A_357 = arith.constant 7.000000e+00 : f32
      %ne3A_358 = vector.broadcast %ne3A_357 : f32 to vector<16xf32>
      %ne3A_359 = arith.cmpf one, %select_n3A_289, %ne3A_358 : vector<16xf32>
      %gt3A_360 = arith.cmpf ogt, %get3A_252, %select_n3A_353 : vector<16xf32>
      %and3A_361 = arith.andi %ne3A_359, %gt3A_360 : vector<16xi1>
      %select_n3A_362 = arith.select %and3A_361, %get3A_252, %select_n3A_353 : vector<16xi1>, vector<16xf32>
      %jit3A_363 = arith.constant 7.000000e+00 : f32
      %broadcast_in_dim3A_364 = vector.broadcast %jit3A_363 : f32 to vector<16xf32>
      %select_n3A_365 = arith.select %and3A_361, %broadcast_in_dim3A_364, %select_n3A_356 : vector<16xi1>, vector<16xf32>
      %add3A_366 = arith.addf %select_n3A_286, %select_n3A_362 : vector<16xf32>
      %convert_element_type3A_367 = arith.fptosi %select_n3A_365 : vector<16xf32> to vector<16xi32>
      %lt3A_368 = arith.constant 0 : i32
      %lt3A_369 = vector.broadcast %lt3A_368 : i32 to vector<16xi32>
      %lt3A_370 = arith.cmpi slt, %convert_element_type3A_367, %lt3A_369 : vector<16xi32>
      %add3A_371 = arith.constant 16 : i32
      %add3A_372 = vector.broadcast %add3A_371 : i32 to vector<16xi32>
      %add3A_373 = arith.addi %convert_element_type3A_367, %add3A_372 : vector<16xi32>
      %select_n3A_374 = arith.select %lt3A_370, %add3A_373, %convert_element_type3A_367 : vector<16xi1>, vector<16xi32>
      %broadcast_in_dim3A_375 = vector.shape_cast %select_n3A_374 : vector<16xi32> to vector<16x1xi32>
      %gather3A_376 = vector.shape_cast %broadcast_in_dim3A_375 : vector<16x1xi32> to vector<16xi32>
      %gather3A_377 = tpu.dynamic_gather %get3A_4[%gather3A_376] in [0] : vector<16xf32>, vector<16xi32> -> vector<16xf32>
      %swap3A_378 = arith.constant 0 : i32
      %swap3A_379 = arith.index_cast %swap3A_378 : i32 to index
      %swap3A_380 = arith.constant 16 : index
      %swap3A_381 = tpu.vector_load %arg6[%swap3A_379, %swap3A_380] {strides = array<i32>} : memref<8x128xf32, #tpu.memory_space<vmem>>, vector<1x16xf32>,
      %swap3A_382 = vector.shape_cast %swap3A_381 : vector<1x16xf32> to vector<16xf32>
      %swap3A_383 = vector.shape_cast %select_n3A_289 : vector<16xf32> to vector<1x16xf32>
      tpu.vector_store %arg6[%swap3A_379, %swap3A_380], %swap3A_383 {strides = array<i32>} : memref<8x128xf32, #tpu.memory_space<vmem>>, vector<1x16xf32>,
      %swap3A_384 = arith.constant 1 : i32
      %swap3A_385 = arith.index_cast %swap3A_384 : i32 to index
      %swap3A_386 = arith.constant 16 : index
      %swap3A_387 = tpu.vector_load %arg6[%swap3A_385, %swap3A_386] {strides = array<i32>} : memref<8x128xf32, #tpu.memory_space<vmem>>, vector<1x16xf32>,
      %swap3A_388 = vector.shape_cast %swap3A_387 : vector<1x16xf32> to vector<16xf32>
      %swap3A_389 = vector.shape_cast %select_n3A_365 : vector<16xf32> to vector<1x16xf32>
      tpu.vector_store %arg6[%swap3A_385, %swap3A_386], %swap3A_389 {strides = array<i32>} : memref<8x128xf32, #tpu.memory_space<vmem>>, vector<1x16xf32>,
      %div3A_390 = arith.divf %select_n3A_286, %add3A_366 : vector<16xf32>
      %swap3A_391 = arith.constant 2 : i32
      %swap3A_392 = arith.index_cast %swap3A_391 : i32 to index
      %swap3A_393 = arith.constant 16 : index
      %swap3A_394 = tpu.vector_load %arg6[%swap3A_392, %swap3A_393] {strides = array<i32>} : memref<8x128xf32, #tpu.memory_space<vmem>>, vector<1x16xf32>,
      %swap3A_395 = vector.shape_cast %swap3A_394 : vector<1x16xf32> to vector<16xf32>
      %swap3A_396 = vector.shape_cast %div3A_390 : vector<16xf32> to vector<1x16xf32>
      tpu.vector_store %arg6[%swap3A_392, %swap3A_393], %swap3A_396 {strides = array<i32>} : memref<8x128xf32, #tpu.memory_space<vmem>>, vector<1x16xf32>,
      %div3A_397 = arith.divf %select_n3A_362, %add3A_366 : vector<16xf32>
      %swap3A_398 = arith.constant 3 : i32
      %swap3A_399 = arith.index_cast %swap3A_398 : i32 to index
      %swap3A_400 = arith.constant 16 : index
      %swap3A_401 = tpu.vector_load %arg6[%swap3A_399, %swap3A_400] {strides = array<i32>} : memref<8x128xf32, #tpu.memory_space<vmem>>, vector<1x16xf32>,
      %swap3A_402 = vector.shape_cast %swap3A_401 : vector<1x16xf32> to vector<16xf32>
      %swap3A_403 = vector.shape_cast %div3A_397 : vector<16xf32> to vector<1x16xf32>
      tpu.vector_store %arg6[%swap3A_399, %swap3A_400], %swap3A_403 {strides = array<i32>} : memref<8x128xf32, #tpu.memory_space<vmem>>, vector<1x16xf32>,
      %swap3A_404 = arith.constant 4 : i32
      %swap3A_405 = arith.index_cast %swap3A_404 : i32 to index
      %swap3A_406 = arith.constant 16 : index
      %swap3A_407 = tpu.vector_load %arg6[%swap3A_405, %swap3A_406] {strides = array<i32>} : memref<8x128xf32, #tpu.memory_space<vmem>>, vector<1x16xf32>,
      %swap3A_408 = vector.shape_cast %swap3A_407 : vector<1x16xf32> to vector<16xf32>
      %swap3A_409 = vector.shape_cast %gather3A_377 : vector<16xf32> to vector<1x16xf32>
      tpu.vector_store %arg6[%swap3A_405, %swap3A_406], %swap3A_409 {strides = array<i32>} : memref<8x128xf32, #tpu.memory_space<vmem>>, vector<1x16xf32>,
      %broadcast_in_dim3A_410 = arith.constant 0.000000e+00 : f32
      %broadcast_in_dim3A_411 = vector.broadcast %broadcast_in_dim3A_410 : f32 to vector<16xf32>
      %swap3A_412 = arith.constant 5 : i32
      %swap3A_413 = arith.index_cast %swap3A_412 : i32 to index
      %swap3A_414 = arith.constant 16 : index
      %swap3A_415 = tpu.vector_load %arg6[%swap3A_413, %swap3A_414] {strides = array<i32>} : memref<8x128xf32, #tpu.memory_space<vmem>>, vector<1x16xf32>,
      %swap3A_416 = vector.shape_cast %swap3A_415 : vector<1x16xf32> to vector<16xf32>
      %swap3A_417 = vector.shape_cast %broadcast_in_dim3A_411 : vector<16xf32> to vector<1x16xf32>
      tpu.vector_store %arg6[%swap3A_413, %swap3A_414], %swap3A_417 {strides = array<i32>} : memref<8x128xf32, #tpu.memory_space<vmem>>, vector<1x16xf32>,
      %swap3A_418 = arith.constant 6 : i32
      %swap3A_419 = arith.index_cast %swap3A_418 : i32 to index
      %swap3A_420 = arith.constant 16 : index
      %swap3A_421 = tpu.vector_load %arg6[%swap3A_419, %swap3A_420] {strides = array<i32>} : memref<8x128xf32, #tpu.memory_space<vmem>>, vector<1x16xf32>,
      %swap3A_422 = vector.shape_cast %swap3A_421 : vector<1x16xf32> to vector<16xf32>
      %swap3A_423 = vector.shape_cast %broadcast_in_dim3A_411 : vector<16xf32> to vector<1x16xf32>
      tpu.vector_store %arg6[%swap3A_419, %swap3A_420], %swap3A_423 {strides = array<i32>} : memref<8x128xf32, #tpu.memory_space<vmem>>, vector<1x16xf32>,
      %swap3A_424 = arith.constant 7 : i32
      %swap3A_425 = arith.index_cast %swap3A_424 : i32 to index
      %swap3A_426 = arith.constant 16 : index
      %swap3A_427 = tpu.vector_load %arg6[%swap3A_425, %swap3A_426] {strides = array<i32>} : memref<8x128xf32, #tpu.memory_space<vmem>>, vector<1x16xf32>,
      %swap3A_428 = vector.shape_cast %swap3A_427 : vector<1x16xf32> to vector<16xf32>
      %swap3A_429 = vector.shape_cast %broadcast_in_dim3A_411 : vector<16xf32> to vector<1x16xf32>
      tpu.vector_store %arg6[%swap3A_425, %swap3A_426], %swap3A_429 {strides = array<i32>} : memref<8x128xf32, #tpu.memory_space<vmem>>, vector<1x16xf32>,
      %get3A_430 = arith.constant 0 : i32
      %get3A_431 = arith.index_cast %get3A_430 : i32 to index
      %get3A_432 = arith.constant 32 : index
      %get3A_433 = tpu.vector_load %arg5[%get3A_431, %get3A_432] {strides = array<i32>} : memref<8x128xf32, #tpu.memory_space<vmem>>, vector<1x16xf32>,
      %get3A_434 = vector.shape_cast %get3A_433 : vector<1x16xf32> to vector<16xf32>
      %get3A_435 = arith.constant 1 : i32
      %get3A_436 = arith.index_cast %get3A_435 : i32 to index
      %get3A_437 = arith.constant 32 : index
      %get3A_438 = tpu.vector_load %arg5[%get3A_436, %get3A_437] {strides = array<i32>} : memref<8x128xf32, #tpu.memory_space<vmem>>, vector<1x16xf32>,
      %get3A_439 = vector.shape_cast %get3A_438 : vector<1x16xf32> to vector<16xf32>
      %get3A_440 = arith.constant 2 : i32
      %get3A_441 = arith.index_cast %get3A_440 : i32 to index
      %get3A_442 = arith.constant 32 : index
      %get3A_443 = tpu.vector_load %arg5[%get3A_441, %get3A_442] {strides = array<i32>} : memref<8x128xf32, #tpu.memory_space<vmem>>, vector<1x16xf32>,
      %get3A_444 = vector.shape_cast %get3A_443 : vector<1x16xf32> to vector<16xf32>
      %get3A_445 = arith.constant 3 : i32
      %get3A_446 = arith.index_cast %get3A_445 : i32 to index
      %get3A_447 = arith.constant 32 : index
      %get3A_448 = tpu.vector_load %arg5[%get3A_446, %get3A_447] {strides = array<i32>} : memref<8x128xf32, #tpu.memory_space<vmem>>, vector<1x16xf32>,
      %get3A_449 = vector.shape_cast %get3A_448 : vector<1x16xf32> to vector<16xf32>
      %get3A_450 = arith.constant 4 : i32
      %get3A_451 = arith.index_cast %get3A_450 : i32 to index
      %get3A_452 = arith.constant 32 : index
      %get3A_453 = tpu.vector_load %arg5[%get3A_451, %get3A_452] {strides = array<i32>} : memref<8x128xf32, #tpu.memory_space<vmem>>, vector<1x16xf32>,
      %get3A_454 = vector.shape_cast %get3A_453 : vector<1x16xf32> to vector<16xf32>
      %get3A_455 = arith.constant 5 : i32
      %get3A_456 = arith.index_cast %get3A_455 : i32 to index
      %get3A_457 = arith.constant 32 : index
      %get3A_458 = tpu.vector_load %arg5[%get3A_456, %get3A_457] {strides = array<i32>} : memref<8x128xf32, #tpu.memory_space<vmem>>, vector<1x16xf32>,
      %get3A_459 = vector.shape_cast %get3A_458 : vector<1x16xf32> to vector<16xf32>
      %get3A_460 = arith.constant 6 : i32
      %get3A_461 = arith.index_cast %get3A_460 : i32 to index
      %get3A_462 = arith.constant 32 : index
      %get3A_463 = tpu.vector_load %arg5[%get3A_461, %get3A_462] {strides = array<i32>} : memref<8x128xf32, #tpu.memory_space<vmem>>, vector<1x16xf32>,
      %get3A_464 = vector.shape_cast %get3A_463 : vector<1x16xf32> to vector<16xf32>
      %get3A_465 = arith.constant 7 : i32
      %get3A_466 = arith.index_cast %get3A_465 : i32 to index
      %get3A_467 = arith.constant 32 : index
      %get3A_468 = tpu.vector_load %arg5[%get3A_466, %get3A_467] {strides = array<i32>} : memref<8x128xf32, #tpu.memory_space<vmem>>, vector<1x16xf32>,
      %get3A_469 = vector.shape_cast %get3A_468 : vector<1x16xf32> to vector<16xf32>
      %broadcast_in_dim3A_470 = arith.constant 0.000000e+00 : f32
      %broadcast_in_dim3A_471 = vector.broadcast %broadcast_in_dim3A_470 : f32 to vector<16xf32>
      %gt3A_472 = arith.cmpf ogt, %get3A_439, %get3A_434 : vector<16xf32>
      %select_n3A_473 = arith.select %gt3A_472, %get3A_439, %get3A_434 : vector<16xi1>, vector<16xf32>
      %jit3A_474 = arith.constant 1.000000e+00 : f32
      %broadcast_in_dim3A_475 = vector.broadcast %jit3A_474 : f32 to vector<16xf32>
      %select_n3A_476 = arith.select %gt3A_472, %broadcast_in_dim3A_475, %broadcast_in_dim3A_471 : vector<16xi1>, vector<16xf32>
      %gt3A_477 = arith.cmpf ogt, %get3A_444, %select_n3A_473 : vector<16xf32>
      %select_n3A_478 = arith.select %gt3A_477, %get3A_444, %select_n3A_473 : vector<16xi1>, vector<16xf32>
      %jit3A_479 = arith.constant 2.000000e+00 : f32
      %broadcast_in_dim3A_480 = vector.broadcast %jit3A_479 : f32 to vector<16xf32>
      %select_n3A_481 = arith.select %gt3A_477, %broadcast_in_dim3A_480, %select_n3A_476 : vector<16xi1>, vector<16xf32>
      %gt3A_482 = arith.cmpf ogt, %get3A_449, %select_n3A_478 : vector<16xf32>
      %select_n3A_483 = arith.select %gt3A_482, %get3A_449, %select_n3A_478 : vector<16xi1>, vector<16xf32>
      %jit3A_484 = arith.constant 3.000000e+00 : f32
      %broadcast_in_dim3A_485 = vector.broadcast %jit3A_484 : f32 to vector<16xf32>
      %select_n3A_486 = arith.select %gt3A_482, %broadcast_in_dim3A_485, %select_n3A_481 : vector<16xi1>, vector<16xf32>
      %gt3A_487 = arith.cmpf ogt, %get3A_454, %select_n3A_483 : vector<16xf32>
      %select_n3A_488 = arith.select %gt3A_487, %get3A_454, %select_n3A_483 : vector<16xi1>, vector<16xf32>
      %jit3A_489 = arith.constant 4.000000e+00 : f32
      %broadcast_in_dim3A_490 = vector.broadcast %jit3A_489 : f32 to vector<16xf32>
      %select_n3A_491 = arith.select %gt3A_487, %broadcast_in_dim3A_490, %select_n3A_486 : vector<16xi1>, vector<16xf32>
      %gt3A_492 = arith.cmpf ogt, %get3A_459, %select_n3A_488 : vector<16xf32>
      %select_n3A_493 = arith.select %gt3A_492, %get3A_459, %select_n3A_488 : vector<16xi1>, vector<16xf32>
      %jit3A_494 = arith.constant 5.000000e+00 : f32
      %broadcast_in_dim3A_495 = vector.broadcast %jit3A_494 : f32 to vector<16xf32>
      %select_n3A_496 = arith.select %gt3A_492, %broadcast_in_dim3A_495, %select_n3A_491 : vector<16xi1>, vector<16xf32>
      %gt3A_497 = arith.cmpf ogt, %get3A_464, %select_n3A_493 : vector<16xf32>
      %select_n3A_498 = arith.select %gt3A_497, %get3A_464, %select_n3A_493 : vector<16xi1>, vector<16xf32>
      %jit3A_499 = arith.constant 6.000000e+00 : f32
      %broadcast_in_dim3A_500 = vector.broadcast %jit3A_499 : f32 to vector<16xf32>
      %select_n3A_501 = arith.select %gt3A_497, %broadcast_in_dim3A_500, %select_n3A_496 : vector<16xi1>, vector<16xf32>
      %gt3A_502 = arith.cmpf ogt, %get3A_469, %select_n3A_498 : vector<16xf32>
      %select_n3A_503 = arith.select %gt3A_502, %get3A_469, %select_n3A_498 : vector<16xi1>, vector<16xf32>
      %jit3A_504 = arith.constant 7.000000e+00 : f32
      %broadcast_in_dim3A_505 = vector.broadcast %jit3A_504 : f32 to vector<16xf32>
      %select_n3A_506 = arith.select %gt3A_502, %broadcast_in_dim3A_505, %select_n3A_501 : vector<16xi1>, vector<16xf32>
      %broadcast_in_dim3A_507 = arith.constant -1.000000e+00 : f32
      %broadcast_in_dim3A_508 = vector.broadcast %broadcast_in_dim3A_507 : f32 to vector<16xf32>
      %broadcast_in_dim3A_509 = arith.constant 0.000000e+00 : f32
      %broadcast_in_dim3A_510 = vector.broadcast %broadcast_in_dim3A_509 : f32 to vector<16xf32>
      %ne3A_511 = arith.constant 0.000000e+00 : f32
      %ne3A_512 = vector.broadcast %ne3A_511 : f32 to vector<16xf32>
      %ne3A_513 = arith.cmpf one, %select_n3A_506, %ne3A_512 : vector<16xf32>
      %gt3A_514 = arith.cmpf ogt, %get3A_434, %broadcast_in_dim3A_508 : vector<16xf32>
      %and3A_515 = arith.andi %ne3A_513, %gt3A_514 : vector<16xi1>
      %select_n3A_516 = arith.select %and3A_515, %get3A_434, %broadcast_in_dim3A_508 : vector<16xi1>, vector<16xf32>
      %jit3A_517 = arith.constant 0.000000e+00 : f32
      %broadcast_in_dim3A_518 = vector.broadcast %jit3A_517 : f32 to vector<16xf32>
      %select_n3A_519 = arith.select %and3A_515, %broadcast_in_dim3A_518, %broadcast_in_dim3A_510 : vector<16xi1>, vector<16xf32>
      %ne3A_520 = arith.constant 1.000000e+00 : f32
      %ne3A_521 = vector.broadcast %ne3A_520 : f32 to vector<16xf32>
      %ne3A_522 = arith.cmpf one, %select_n3A_506, %ne3A_521 : vector<16xf32>
      %gt3A_523 = arith.cmpf ogt, %get3A_439, %select_n3A_516 : vector<16xf32>
      %and3A_524 = arith.andi %ne3A_522, %gt3A_523 : vector<16xi1>
      %select_n3A_525 = arith.select %and3A_524, %get3A_439, %select_n3A_516 : vector<16xi1>, vector<16xf32>
      %jit3A_526 = arith.constant 1.000000e+00 : f32
      %broadcast_in_dim3A_527 = vector.broadcast %jit3A_526 : f32 to vector<16xf32>
      %select_n3A_528 = arith.select %and3A_524, %broadcast_in_dim3A_527, %select_n3A_519 : vector<16xi1>, vector<16xf32>
      %ne3A_529 = arith.constant 2.000000e+00 : f32
      %ne3A_530 = vector.broadcast %ne3A_529 : f32 to vector<16xf32>
      %ne3A_531 = arith.cmpf one, %select_n3A_506, %ne3A_530 : vector<16xf32>
      %gt3A_532 = arith.cmpf ogt, %get3A_444, %select_n3A_525 : vector<16xf32>
      %and3A_533 = arith.andi %ne3A_531, %gt3A_532 : vector<16xi1>
      %select_n3A_534 = arith.select %and3A_533, %get3A_444, %select_n3A_525 : vector<16xi1>, vector<16xf32>
      %jit3A_535 = arith.constant 2.000000e+00 : f32
      %broadcast_in_dim3A_536 = vector.broadcast %jit3A_535 : f32 to vector<16xf32>
      %select_n3A_537 = arith.select %and3A_533, %broadcast_in_dim3A_536, %select_n3A_528 : vector<16xi1>, vector<16xf32>
      %ne3A_538 = arith.constant 3.000000e+00 : f32
      %ne3A_539 = vector.broadcast %ne3A_538 : f32 to vector<16xf32>
      %ne3A_540 = arith.cmpf one, %select_n3A_506, %ne3A_539 : vector<16xf32>
      %gt3A_541 = arith.cmpf ogt, %get3A_449, %select_n3A_534 : vector<16xf32>
      %and3A_542 = arith.andi %ne3A_540, %gt3A_541 : vector<16xi1>
      %select_n3A_543 = arith.select %and3A_542, %get3A_449, %select_n3A_534 : vector<16xi1>, vector<16xf32>
      %jit3A_544 = arith.constant 3.000000e+00 : f32
      %broadcast_in_dim3A_545 = vector.broadcast %jit3A_544 : f32 to vector<16xf32>
      %select_n3A_546 = arith.select %and3A_542, %broadcast_in_dim3A_545, %select_n3A_537 : vector<16xi1>, vector<16xf32>
      %ne3A_547 = arith.constant 4.000000e+00 : f32
      %ne3A_548 = vector.broadcast %ne3A_547 : f32 to vector<16xf32>
      %ne3A_549 = arith.cmpf one, %select_n3A_506, %ne3A_548 : vector<16xf32>
      %gt3A_550 = arith.cmpf ogt, %get3A_454, %select_n3A_543 : vector<16xf32>
      %and3A_551 = arith.andi %ne3A_549, %gt3A_550 : vector<16xi1>
      %select_n3A_552 = arith.select %and3A_551, %get3A_454, %select_n3A_543 : vector<16xi1>, vector<16xf32>
      %jit3A_553 = arith.constant 4.000000e+00 : f32
      %broadcast_in_dim3A_554 = vector.broadcast %jit3A_553 : f32 to vector<16xf32>
      %select_n3A_555 = arith.select %and3A_551, %broadcast_in_dim3A_554, %select_n3A_546 : vector<16xi1>, vector<16xf32>
      %ne3A_556 = arith.constant 5.000000e+00 : f32
      %ne3A_557 = vector.broadcast %ne3A_556 : f32 to vector<16xf32>
      %ne3A_558 = arith.cmpf one, %select_n3A_506, %ne3A_557 : vector<16xf32>
      %gt3A_559 = arith.cmpf ogt, %get3A_459, %select_n3A_552 : vector<16xf32>
      %and3A_560 = arith.andi %ne3A_558, %gt3A_559 : vector<16xi1>
      %select_n3A_561 = arith.select %and3A_560, %get3A_459, %select_n3A_552 : vector<16xi1>, vector<16xf32>
      %jit3A_562 = arith.constant 5.000000e+00 : f32
      %broadcast_in_dim3A_563 = vector.broadcast %jit3A_562 : f32 to vector<16xf32>
      %select_n3A_564 = arith.select %and3A_560, %broadcast_in_dim3A_563, %select_n3A_555 : vector<16xi1>, vector<16xf32>
      %ne3A_565 = arith.constant 6.000000e+00 : f32
      %ne3A_566 = vector.broadcast %ne3A_565 : f32 to vector<16xf32>
      %ne3A_567 = arith.cmpf one, %select_n3A_506, %ne3A_566 : vector<16xf32>
      %gt3A_568 = arith.cmpf ogt, %get3A_464, %select_n3A_561 : vector<16xf32>
      %and3A_569 = arith.andi %ne3A_567, %gt3A_568 : vector<16xi1>
      %select_n3A_570 = arith.select %and3A_569, %get3A_464, %select_n3A_561 : vector<16xi1>, vector<16xf32>
      %jit3A_571 = arith.constant 6.000000e+00 : f32
      %broadcast_in_dim3A_572 = vector.broadcast %jit3A_571 : f32 to vector<16xf32>
      %select_n3A_573 = arith.select %and3A_569, %broadcast_in_dim3A_572, %select_n3A_564 : vector<16xi1>, vector<16xf32>
      %ne3A_574 = arith.constant 7.000000e+00 : f32
      %ne3A_575 = vector.broadcast %ne3A_574 : f32 to vector<16xf32>
      %ne3A_576 = arith.cmpf one, %select_n3A_506, %ne3A_575 : vector<16xf32>
      %gt3A_577 = arith.cmpf ogt, %get3A_469, %select_n3A_570 : vector<16xf32>
      %and3A_578 = arith.andi %ne3A_576, %gt3A_577 : vector<16xi1>
      %select_n3A_579 = arith.select %and3A_578, %get3A_469, %select_n3A_570 : vector<16xi1>, vector<16xf32>
      %jit3A_580 = arith.constant 7.000000e+00 : f32
      %broadcast_in_dim3A_581 = vector.broadcast %jit3A_580 : f32 to vector<16xf32>
      %select_n3A_582 = arith.select %and3A_578, %broadcast_in_dim3A_581, %select_n3A_573 : vector<16xi1>, vector<16xf32>
      %add3A_583 = arith.addf %select_n3A_503, %select_n3A_579 : vector<16xf32>
      %convert_element_type3A_584 = arith.fptosi %select_n3A_582 : vector<16xf32> to vector<16xi32>
      %lt3A_585 = arith.constant 0 : i32
      %lt3A_586 = vector.broadcast %lt3A_585 : i32 to vector<16xi32>
      %lt3A_587 = arith.cmpi slt, %convert_element_type3A_584, %lt3A_586 : vector<16xi32>
      %add3A_588 = arith.constant 16 : i32
      %add3A_589 = vector.broadcast %add3A_588 : i32 to vector<16xi32>
      %add3A_590 = arith.addi %convert_element_type3A_584, %add3A_589 : vector<16xi32>
      %select_n3A_591 = arith.select %lt3A_587, %add3A_590, %convert_element_type3A_584 : vector<16xi1>, vector<16xi32>
      %broadcast_in_dim3A_592 = vector.shape_cast %select_n3A_591 : vector<16xi32> to vector<16x1xi32>
      %gather3A_593 = vector.shape_cast %broadcast_in_dim3A_592 : vector<16x1xi32> to vector<16xi32>
      %gather3A_594 = tpu.dynamic_gather %get3A_4[%gather3A_593] in [0] : vector<16xf32>, vector<16xi32> -> vector<16xf32>
      %swap3A_595 = arith.constant 0 : i32
      %swap3A_596 = arith.index_cast %swap3A_595 : i32 to index
      %swap3A_597 = arith.constant 32 : index
      %swap3A_598 = tpu.vector_load %arg6[%swap3A_596, %swap3A_597] {strides = array<i32>} : memref<8x128xf32, #tpu.memory_space<vmem>>, vector<1x16xf32>,
      %swap3A_599 = vector.shape_cast %swap3A_598 : vector<1x16xf32> to vector<16xf32>
      %swap3A_600 = vector.shape_cast %select_n3A_506 : vector<16xf32> to vector<1x16xf32>
      tpu.vector_store %arg6[%swap3A_596, %swap3A_597], %swap3A_600 {strides = array<i32>} : memref<8x128xf32, #tpu.memory_space<vmem>>, vector<1x16xf32>,
      %swap3A_601 = arith.constant 1 : i32
      %swap3A_602 = arith.index_cast %swap3A_601 : i32 to index
      %swap3A_603 = arith.constant 32 : index
      %swap3A_604 = tpu.vector_load %arg6[%swap3A_602, %swap3A_603] {strides = array<i32>} : memref<8x128xf32, #tpu.memory_space<vmem>>, vector<1x16xf32>,
      %swap3A_605 = vector.shape_cast %swap3A_604 : vector<1x16xf32> to vector<16xf32>
      %swap3A_606 = vector.shape_cast %select_n3A_582 : vector<16xf32> to vector<1x16xf32>
      tpu.vector_store %arg6[%swap3A_602, %swap3A_603], %swap3A_606 {strides = array<i32>} : memref<8x128xf32, #tpu.memory_space<vmem>>, vector<1x16xf32>,
      %div3A_607 = arith.divf %select_n3A_503, %add3A_583 : vector<16xf32>
      %swap3A_608 = arith.constant 2 : i32
      %swap3A_609 = arith.index_cast %swap3A_608 : i32 to index
      %swap3A_610 = arith.constant 32 : index
      %swap3A_611 = tpu.vector_load %arg6[%swap3A_609, %swap3A_610] {strides = array<i32>} : memref<8x128xf32, #tpu.memory_space<vmem>>, vector<1x16xf32>,
      %swap3A_612 = vector.shape_cast %swap3A_611 : vector<1x16xf32> to vector<16xf32>
      %swap3A_613 = vector.shape_cast %div3A_607 : vector<16xf32> to vector<1x16xf32>
      tpu.vector_store %arg6[%swap3A_609, %swap3A_610], %swap3A_613 {strides = array<i32>} : memref<8x128xf32, #tpu.memory_space<vmem>>, vector<1x16xf32>,
      %div3A_614 = arith.divf %select_n3A_579, %add3A_583 : vector<16xf32>
      %swap3A_615 = arith.constant 3 : i32
      %swap3A_616 = arith.index_cast %swap3A_615 : i32 to index
      %swap3A_617 = arith.constant 32 : index
      %swap3A_618 = tpu.vector_load %arg6[%swap3A_616, %swap3A_617] {strides = array<i32>} : memref<8x128xf32, #tpu.memory_space<vmem>>, vector<1x16xf32>,
      %swap3A_619 = vector.shape_cast %swap3A_618 : vector<1x16xf32> to vector<16xf32>
      %swap3A_620 = vector.shape_cast %div3A_614 : vector<16xf32> to vector<1x16xf32>
      tpu.vector_store %arg6[%swap3A_616, %swap3A_617], %swap3A_620 {strides = array<i32>} : memref<8x128xf32, #tpu.memory_space<vmem>>, vector<1x16xf32>,
      %swap3A_621 = arith.constant 4 : i32
      %swap3A_622 = arith.index_cast %swap3A_621 : i32 to index
      %swap3A_623 = arith.constant 32 : index
      %swap3A_624 = tpu.vector_load %arg6[%swap3A_622, %swap3A_623] {strides = array<i32>} : memref<8x128xf32, #tpu.memory_space<vmem>>, vector<1x16xf32>,
      %swap3A_625 = vector.shape_cast %swap3A_624 : vector<1x16xf32> to vector<16xf32>
      %swap3A_626 = vector.shape_cast %gather3A_594 : vector<16xf32> to vector<1x16xf32>
      tpu.vector_store %arg6[%swap3A_622, %swap3A_623], %swap3A_626 {strides = array<i32>} : memref<8x128xf32, #tpu.memory_space<vmem>>, vector<1x16xf32>,
      %broadcast_in_dim3A_627 = arith.constant 0.000000e+00 : f32
      %broadcast_in_dim3A_628 = vector.broadcast %broadcast_in_dim3A_627 : f32 to vector<16xf32>
      %swap3A_629 = arith.constant 5 : i32
      %swap3A_630 = arith.index_cast %swap3A_629 : i32 to index
      %swap3A_631 = arith.constant 32 : index
      %swap3A_632 = tpu.vector_load %arg6[%swap3A_630, %swap3A_631] {strides = array<i32>} : memref<8x128xf32, #tpu.memory_space<vmem>>, vector<1x16xf32>,
      %swap3A_633 = vector.shape_cast %swap3A_632 : vector<1x16xf32> to vector<16xf32>
      %swap3A_634 = vector.shape_cast %broadcast_in_dim3A_628 : vector<16xf32> to vector<1x16xf32>
      tpu.vector_store %arg6[%swap3A_630, %swap3A_631], %swap3A_634 {strides = array<i32>} : memref<8x128xf32, #tpu.memory_space<vmem>>, vector<1x16xf32>,
      %swap3A_635 = arith.constant 6 : i32
      %swap3A_636 = arith.index_cast %swap3A_635 : i32 to index
      %swap3A_637 = arith.constant 32 : index
      %swap3A_638 = tpu.vector_load %arg6[%swap3A_636, %swap3A_637] {strides = array<i32>} : memref<8x128xf32, #tpu.memory_space<vmem>>, vector<1x16xf32>,
      %swap3A_639 = vector.shape_cast %swap3A_638 : vector<1x16xf32> to vector<16xf32>
      %swap3A_640 = vector.shape_cast %broadcast_in_dim3A_628 : vector<16xf32> to vector<1x16xf32>
      tpu.vector_store %arg6[%swap3A_636, %swap3A_637], %swap3A_640 {strides = array<i32>} : memref<8x128xf32, #tpu.memory_space<vmem>>, vector<1x16xf32>,
      %swap3A_641 = arith.constant 7 : i32
      %swap3A_642 = arith.index_cast %swap3A_641 : i32 to index
      %swap3A_643 = arith.constant 32 : index
      %swap3A_644 = tpu.vector_load %arg6[%swap3A_642, %swap3A_643] {strides = array<i32>} : memref<8x128xf32, #tpu.memory_space<vmem>>, vector<1x16xf32>,
      %swap3A_645 = vector.shape_cast %swap3A_644 : vector<1x16xf32> to vector<16xf32>
      %swap3A_646 = vector.shape_cast %broadcast_in_dim3A_628 : vector<16xf32> to vector<1x16xf32>
      tpu.vector_store %arg6[%swap3A_642, %swap3A_643], %swap3A_646 {strides = array<i32>} : memref<8x128xf32, #tpu.memory_space<vmem>>, vector<1x16xf32>,
      %get3A_647 = arith.constant 0 : i32
      %get3A_648 = arith.index_cast %get3A_647 : i32 to index
      %get3A_649 = arith.constant 48 : index
      %get3A_650 = tpu.vector_load %arg5[%get3A_648, %get3A_649] {strides = array<i32>} : memref<8x128xf32, #tpu.memory_space<vmem>>, vector<1x16xf32>,
      %get3A_651 = vector.shape_cast %get3A_650 : vector<1x16xf32> to vector<16xf32>
      %get3A_652 = arith.constant 1 : i32
      %get3A_653 = arith.index_cast %get3A_652 : i32 to index
      %get3A_654 = arith.constant 48 : index
      %get3A_655 = tpu.vector_load %arg5[%get3A_653, %get3A_654] {strides = array<i32>} : memref<8x128xf32, #tpu.memory_space<vmem>>, vector<1x16xf32>,
      %get3A_656 = vector.shape_cast %get3A_655 : vector<1x16xf32> to vector<16xf32>
      %get3A_657 = arith.constant 2 : i32
      %get3A_658 = arith.index_cast %get3A_657 : i32 to index
      %get3A_659 = arith.constant 48 : index
      %get3A_660 = tpu.vector_load %arg5[%get3A_658, %get3A_659] {strides = array<i32>} : memref<8x128xf32, #tpu.memory_space<vmem>>, vector<1x16xf32>,
      %get3A_661 = vector.shape_cast %get3A_660 : vector<1x16xf32> to vector<16xf32>
      %get3A_662 = arith.constant 3 : i32
      %get3A_663 = arith.index_cast %get3A_662 : i32 to index
      %get3A_664 = arith.constant 48 : index
      %get3A_665 = tpu.vector_load %arg5[%get3A_663, %get3A_664] {strides = array<i32>} : memref<8x128xf32, #tpu.memory_space<vmem>>, vector<1x16xf32>,
      %get3A_666 = vector.shape_cast %get3A_665 : vector<1x16xf32> to vector<16xf32>
      %get3A_667 = arith.constant 4 : i32
      %get3A_668 = arith.index_cast %get3A_667 : i32 to index
      %get3A_669 = arith.constant 48 : index
      %get3A_670 = tpu.vector_load %arg5[%get3A_668, %get3A_669] {strides = array<i32>} : memref<8x128xf32, #tpu.memory_space<vmem>>, vector<1x16xf32>,
      %get3A_671 = vector.shape_cast %get3A_670 : vector<1x16xf32> to vector<16xf32>
      %get3A_672 = arith.constant 5 : i32
      %get3A_673 = arith.index_cast %get3A_672 : i32 to index
      %get3A_674 = arith.constant 48 : index
      %get3A_675 = tpu.vector_load %arg5[%get3A_673, %get3A_674] {strides = array<i32>} : memref<8x128xf32, #tpu.memory_space<vmem>>, vector<1x16xf32>,
      %get3A_676 = vector.shape_cast %get3A_675 : vector<1x16xf32> to vector<16xf32>
      %get3A_677 = arith.constant 6 : i32
      %get3A_678 = arith.index_cast %get3A_677 : i32 to index
      %get3A_679 = arith.constant 48 : index
      %get3A_680 = tpu.vector_load %arg5[%get3A_678, %get3A_679] {strides = array<i32>} : memref<8x128xf32, #tpu.memory_space<vmem>>, vector<1x16xf32>,
      %get3A_681 = vector.shape_cast %get3A_680 : vector<1x16xf32> to vector<16xf32>
      %get3A_682 = arith.constant 7 : i32
      %get3A_683 = arith.index_cast %get3A_682 : i32 to index
      %get3A_684 = arith.constant 48 : index
      %get3A_685 = tpu.vector_load %arg5[%get3A_683, %get3A_684] {strides = array<i32>} : memref<8x128xf32, #tpu.memory_space<vmem>>, vector<1x16xf32>,
      %get3A_686 = vector.shape_cast %get3A_685 : vector<1x16xf32> to vector<16xf32>
      %broadcast_in_dim3A_687 = arith.constant 0.000000e+00 : f32
      %broadcast_in_dim3A_688 = vector.broadcast %broadcast_in_dim3A_687 : f32 to vector<16xf32>
      %gt3A_689 = arith.cmpf ogt, %get3A_656, %get3A_651 : vector<16xf32>
      %select_n3A_690 = arith.select %gt3A_689, %get3A_656, %get3A_651 : vector<16xi1>, vector<16xf32>
      %jit3A_691 = arith.constant 1.000000e+00 : f32
      %broadcast_in_dim3A_692 = vector.broadcast %jit3A_691 : f32 to vector<16xf32>
      %select_n3A_693 = arith.select %gt3A_689, %broadcast_in_dim3A_692, %broadcast_in_dim3A_688 : vector<16xi1>, vector<16xf32>
      %gt3A_694 = arith.cmpf ogt, %get3A_661, %select_n3A_690 : vector<16xf32>
      %select_n3A_695 = arith.select %gt3A_694, %get3A_661, %select_n3A_690 : vector<16xi1>, vector<16xf32>
      %jit3A_696 = arith.constant 2.000000e+00 : f32
      %broadcast_in_dim3A_697 = vector.broadcast %jit3A_696 : f32 to vector<16xf32>
      %select_n3A_698 = arith.select %gt3A_694, %broadcast_in_dim3A_697, %select_n3A_693 : vector<16xi1>, vector<16xf32>
      %gt3A_699 = arith.cmpf ogt, %get3A_666, %select_n3A_695 : vector<16xf32>
      %select_n3A_700 = arith.select %gt3A_699, %get3A_666, %select_n3A_695 : vector<16xi1>, vector<16xf32>
      %jit3A_701 = arith.constant 3.000000e+00 : f32
      %broadcast_in_dim3A_702 = vector.broadcast %jit3A_701 : f32 to vector<16xf32>
      %select_n3A_703 = arith.select %gt3A_699, %broadcast_in_dim3A_702, %select_n3A_698 : vector<16xi1>, vector<16xf32>
      %gt3A_704 = arith.cmpf ogt, %get3A_671, %select_n3A_700 : vector<16xf32>
      %select_n3A_705 = arith.select %gt3A_704, %get3A_671, %select_n3A_700 : vector<16xi1>, vector<16xf32>
      %jit3A_706 = arith.constant 4.000000e+00 : f32
      %broadcast_in_dim3A_707 = vector.broadcast %jit3A_706 : f32 to vector<16xf32>
      %select_n3A_708 = arith.select %gt3A_704, %broadcast_in_dim3A_707, %select_n3A_703 : vector<16xi1>, vector<16xf32>
      %gt3A_709 = arith.cmpf ogt, %get3A_676, %select_n3A_705 : vector<16xf32>
      %select_n3A_710 = arith.select %gt3A_709, %get3A_676, %select_n3A_705 : vector<16xi1>, vector<16xf32>
      %jit3A_711 = arith.constant 5.000000e+00 : f32
      %broadcast_in_dim3A_712 = vector.broadcast %jit3A_711 : f32 to vector<16xf32>
      %select_n3A_713 = arith.select %gt3A_709, %broadcast_in_dim3A_712, %select_n3A_708 : vector<16xi1>, vector<16xf32>
      %gt3A_714 = arith.cmpf ogt, %get3A_681, %select_n3A_710 : vector<16xf32>
      %select_n3A_715 = arith.select %gt3A_714, %get3A_681, %select_n3A_710 : vector<16xi1>, vector<16xf32>
      %jit3A_716 = arith.constant 6.000000e+00 : f32
      %broadcast_in_dim3A_717 = vector.broadcast %jit3A_716 : f32 to vector<16xf32>
      %select_n3A_718 = arith.select %gt3A_714, %broadcast_in_dim3A_717, %select_n3A_713 : vector<16xi1>, vector<16xf32>
      %gt3A_719 = arith.cmpf ogt, %get3A_686, %select_n3A_715 : vector<16xf32>
      %select_n3A_720 = arith.select %gt3A_719, %get3A_686, %select_n3A_715 : vector<16xi1>, vector<16xf32>
      %jit3A_721 = arith.constant 7.000000e+00 : f32
      %broadcast_in_dim3A_722 = vector.broadcast %jit3A_721 : f32 to vector<16xf32>
      %select_n3A_723 = arith.select %gt3A_719, %broadcast_in_dim3A_722, %select_n3A_718 : vector<16xi1>, vector<16xf32>
      %broadcast_in_dim3A_724 = arith.constant -1.000000e+00 : f32
      %broadcast_in_dim3A_725 = vector.broadcast %broadcast_in_dim3A_724 : f32 to vector<16xf32>
      %broadcast_in_dim3A_726 = arith.constant 0.000000e+00 : f32
      %broadcast_in_dim3A_727 = vector.broadcast %broadcast_in_dim3A_726 : f32 to vector<16xf32>
      %ne3A_728 = arith.constant 0.000000e+00 : f32
      %ne3A_729 = vector.broadcast %ne3A_728 : f32 to vector<16xf32>
      %ne3A_730 = arith.cmpf one, %select_n3A_723, %ne3A_729 : vector<16xf32>
      %gt3A_731 = arith.cmpf ogt, %get3A_651, %broadcast_in_dim3A_725 : vector<16xf32>
      %and3A_732 = arith.andi %ne3A_730, %gt3A_731 : vector<16xi1>
      %select_n3A_733 = arith.select %and3A_732, %get3A_651, %broadcast_in_dim3A_725 : vector<16xi1>, vector<16xf32>
      %jit3A_734 = arith.constant 0.000000e+00 : f32
      %broadcast_in_dim3A_735 = vector.broadcast %jit3A_734 : f32 to vector<16xf32>
      %select_n3A_736 = arith.select %and3A_732, %broadcast_in_dim3A_735, %broadcast_in_dim3A_727 : vector<16xi1>, vector<16xf32>
      %ne3A_737 = arith.constant 1.000000e+00 : f32
      %ne3A_738 = vector.broadcast %ne3A_737 : f32 to vector<16xf32>
      %ne3A_739 = arith.cmpf one, %select_n3A_723, %ne3A_738 : vector<16xf32>
      %gt3A_740 = arith.cmpf ogt, %get3A_656, %select_n3A_733 : vector<16xf32>
      %and3A_741 = arith.andi %ne3A_739, %gt3A_740 : vector<16xi1>
      %select_n3A_742 = arith.select %and3A_741, %get3A_656, %select_n3A_733 : vector<16xi1>, vector<16xf32>
      %jit3A_743 = arith.constant 1.000000e+00 : f32
      %broadcast_in_dim3A_744 = vector.broadcast %jit3A_743 : f32 to vector<16xf32>
      %select_n3A_745 = arith.select %and3A_741, %broadcast_in_dim3A_744, %select_n3A_736 : vector<16xi1>, vector<16xf32>
      %ne3A_746 = arith.constant 2.000000e+00 : f32
      %ne3A_747 = vector.broadcast %ne3A_746 : f32 to vector<16xf32>
      %ne3A_748 = arith.cmpf one, %select_n3A_723, %ne3A_747 : vector<16xf32>
      %gt3A_749 = arith.cmpf ogt, %get3A_661, %select_n3A_742 : vector<16xf32>
      %and3A_750 = arith.andi %ne3A_748, %gt3A_749 : vector<16xi1>
      %select_n3A_751 = arith.select %and3A_750, %get3A_661, %select_n3A_742 : vector<16xi1>, vector<16xf32>
      %jit3A_752 = arith.constant 2.000000e+00 : f32
      %broadcast_in_dim3A_753 = vector.broadcast %jit3A_752 : f32 to vector<16xf32>
      %select_n3A_754 = arith.select %and3A_750, %broadcast_in_dim3A_753, %select_n3A_745 : vector<16xi1>, vector<16xf32>
      %ne3A_755 = arith.constant 3.000000e+00 : f32
      %ne3A_756 = vector.broadcast %ne3A_755 : f32 to vector<16xf32>
      %ne3A_757 = arith.cmpf one, %select_n3A_723, %ne3A_756 : vector<16xf32>
      %gt3A_758 = arith.cmpf ogt, %get3A_666, %select_n3A_751 : vector<16xf32>
      %and3A_759 = arith.andi %ne3A_757, %gt3A_758 : vector<16xi1>
      %select_n3A_760 = arith.select %and3A_759, %get3A_666, %select_n3A_751 : vector<16xi1>, vector<16xf32>
      %jit3A_761 = arith.constant 3.000000e+00 : f32
      %broadcast_in_dim3A_762 = vector.broadcast %jit3A_761 : f32 to vector<16xf32>
      %select_n3A_763 = arith.select %and3A_759, %broadcast_in_dim3A_762, %select_n3A_754 : vector<16xi1>, vector<16xf32>
      %ne3A_764 = arith.constant 4.000000e+00 : f32
      %ne3A_765 = vector.broadcast %ne3A_764 : f32 to vector<16xf32>
      %ne3A_766 = arith.cmpf one, %select_n3A_723, %ne3A_765 : vector<16xf32>
      %gt3A_767 = arith.cmpf ogt, %get3A_671, %select_n3A_760 : vector<16xf32>
      %and3A_768 = arith.andi %ne3A_766, %gt3A_767 : vector<16xi1>
      %select_n3A_769 = arith.select %and3A_768, %get3A_671, %select_n3A_760 : vector<16xi1>, vector<16xf32>
      %jit3A_770 = arith.constant 4.000000e+00 : f32
      %broadcast_in_dim3A_771 = vector.broadcast %jit3A_770 : f32 to vector<16xf32>
      %select_n3A_772 = arith.select %and3A_768, %broadcast_in_dim3A_771, %select_n3A_763 : vector<16xi1>, vector<16xf32>
      %ne3A_773 = arith.constant 5.000000e+00 : f32
      %ne3A_774 = vector.broadcast %ne3A_773 : f32 to vector<16xf32>
      %ne3A_775 = arith.cmpf one, %select_n3A_723, %ne3A_774 : vector<16xf32>
      %gt3A_776 = arith.cmpf ogt, %get3A_676, %select_n3A_769 : vector<16xf32>
      %and3A_777 = arith.andi %ne3A_775, %gt3A_776 : vector<16xi1>
      %select_n3A_778 = arith.select %and3A_777, %get3A_676, %select_n3A_769 : vector<16xi1>, vector<16xf32>
      %jit3A_779 = arith.constant 5.000000e+00 : f32
      %broadcast_in_dim3A_780 = vector.broadcast %jit3A_779 : f32 to vector<16xf32>
      %select_n3A_781 = arith.select %and3A_777, %broadcast_in_dim3A_780, %select_n3A_772 : vector<16xi1>, vector<16xf32>
      %ne3A_782 = arith.constant 6.000000e+00 : f32
      %ne3A_783 = vector.broadcast %ne3A_782 : f32 to vector<16xf32>
      %ne3A_784 = arith.cmpf one, %select_n3A_723, %ne3A_783 : vector<16xf32>
      %gt3A_785 = arith.cmpf ogt, %get3A_681, %select_n3A_778 : vector<16xf32>
      %and3A_786 = arith.andi %ne3A_784, %gt3A_785 : vector<16xi1>
      %select_n3A_787 = arith.select %and3A_786, %get3A_681, %select_n3A_778 : vector<16xi1>, vector<16xf32>
      %jit3A_788 = arith.constant 6.000000e+00 : f32
      %broadcast_in_dim3A_789 = vector.broadcast %jit3A_788 : f32 to vector<16xf32>
      %select_n3A_790 = arith.select %and3A_786, %broadcast_in_dim3A_789, %select_n3A_781 : vector<16xi1>, vector<16xf32>
      %ne3A_791 = arith.constant 7.000000e+00 : f32
      %ne3A_792 = vector.broadcast %ne3A_791 : f32 to vector<16xf32>
      %ne3A_793 = arith.cmpf one, %select_n3A_723, %ne3A_792 : vector<16xf32>
      %gt3A_794 = arith.cmpf ogt, %get3A_686, %select_n3A_787 : vector<16xf32>
      %and3A_795 = arith.andi %ne3A_793, %gt3A_794 : vector<16xi1>
      %select_n3A_796 = arith.select %and3A_795, %get3A_686, %select_n3A_787 : vector<16xi1>, vector<16xf32>
      %jit3A_797 = arith.constant 7.000000e+00 : f32
      %broadcast_in_dim3A_798 = vector.broadcast %jit3A_797 : f32 to vector<16xf32>
      %select_n3A_799 = arith.select %and3A_795, %broadcast_in_dim3A_798, %select_n3A_790 : vector<16xi1>, vector<16xf32>
      %add3A_800 = arith.addf %select_n3A_720, %select_n3A_796 : vector<16xf32>
      %convert_element_type3A_801 = arith.fptosi %select_n3A_799 : vector<16xf32> to vector<16xi32>
      %lt3A_802 = arith.constant 0 : i32
      %lt3A_803 = vector.broadcast %lt3A_802 : i32 to vector<16xi32>
      %lt3A_804 = arith.cmpi slt, %convert_element_type3A_801, %lt3A_803 : vector<16xi32>
      %add3A_805 = arith.constant 16 : i32
      %add3A_806 = vector.broadcast %add3A_805 : i32 to vector<16xi32>
      %add3A_807 = arith.addi %convert_element_type3A_801, %add3A_806 : vector<16xi32>
      %select_n3A_808 = arith.select %lt3A_804, %add3A_807, %convert_element_type3A_801 : vector<16xi1>, vector<16xi32>
      %broadcast_in_dim3A_809 = vector.shape_cast %select_n3A_808 : vector<16xi32> to vector<16x1xi32>
      %gather3A_810 = vector.shape_cast %broadcast_in_dim3A_809 : vector<16x1xi32> to vector<16xi32>
      %gather3A_811 = tpu.dynamic_gather %get3A_4[%gather3A_810] in [0] : vector<16xf32>, vector<16xi32> -> vector<16xf32>
      %swap3A_812 = arith.constant 0 : i32
      %swap3A_813 = arith.index_cast %swap3A_812 : i32 to index
      %swap3A_814 = arith.constant 48 : index
      %swap3A_815 = tpu.vector_load %arg6[%swap3A_813, %swap3A_814] {strides = array<i32>} : memref<8x128xf32, #tpu.memory_space<vmem>>, vector<1x16xf32>,
      %swap3A_816 = vector.shape_cast %swap3A_815 : vector<1x16xf32> to vector<16xf32>
      %swap3A_817 = vector.shape_cast %select_n3A_723 : vector<16xf32> to vector<1x16xf32>
      tpu.vector_store %arg6[%swap3A_813, %swap3A_814], %swap3A_817 {strides = array<i32>} : memref<8x128xf32, #tpu.memory_space<vmem>>, vector<1x16xf32>,
      %swap3A_818 = arith.constant 1 : i32
      %swap3A_819 = arith.index_cast %swap3A_818 : i32 to index
      %swap3A_820 = arith.constant 48 : index
      %swap3A_821 = tpu.vector_load %arg6[%swap3A_819, %swap3A_820] {strides = array<i32>} : memref<8x128xf32, #tpu.memory_space<vmem>>, vector<1x16xf32>,
      %swap3A_822 = vector.shape_cast %swap3A_821 : vector<1x16xf32> to vector<16xf32>
      %swap3A_823 = vector.shape_cast %select_n3A_799 : vector<16xf32> to vector<1x16xf32>
      tpu.vector_store %arg6[%swap3A_819, %swap3A_820], %swap3A_823 {strides = array<i32>} : memref<8x128xf32, #tpu.memory_space<vmem>>, vector<1x16xf32>,
      %div3A_824 = arith.divf %select_n3A_720, %add3A_800 : vector<16xf32>
      %swap3A_825 = arith.constant 2 : i32
      %swap3A_826 = arith.index_cast %swap3A_825 : i32 to index
      %swap3A_827 = arith.constant 48 : index
      %swap3A_828 = tpu.vector_load %arg6[%swap3A_826, %swap3A_827] {strides = array<i32>} : memref<8x128xf32, #tpu.memory_space<vmem>>, vector<1x16xf32>,
      %swap3A_829 = vector.shape_cast %swap3A_828 : vector<1x16xf32> to vector<16xf32>
      %swap3A_830 = vector.shape_cast %div3A_824 : vector<16xf32> to vector<1x16xf32>
      tpu.vector_store %arg6[%swap3A_826, %swap3A_827], %swap3A_830 {strides = array<i32>} : memref<8x128xf32, #tpu.memory_space<vmem>>, vector<1x16xf32>,
      %div3A_831 = arith.divf %select_n3A_796, %add3A_800 : vector<16xf32>
      %swap3A_832 = arith.constant 3 : i32
      %swap3A_833 = arith.index_cast %swap3A_832 : i32 to index
      %swap3A_834 = arith.constant 48 : index
      %swap3A_835 = tpu.vector_load %arg6[%swap3A_833, %swap3A_834] {strides = array<i32>} : memref<8x128xf32, #tpu.memory_space<vmem>>, vector<1x16xf32>,
      %swap3A_836 = vector.shape_cast %swap3A_835 : vector<1x16xf32> to vector<16xf32>
      %swap3A_837 = vector.shape_cast %div3A_831 : vector<16xf32> to vector<1x16xf32>
      tpu.vector_store %arg6[%swap3A_833, %swap3A_834], %swap3A_837 {strides = array<i32>} : memref<8x128xf32, #tpu.memory_space<vmem>>, vector<1x16xf32>,
      %swap3A_838 = arith.constant 4 : i32
      %swap3A_839 = arith.index_cast %swap3A_838 : i32 to index
      %swap3A_840 = arith.constant 48 : index
      %swap3A_841 = tpu.vector_load %arg6[%swap3A_839, %swap3A_840] {strides = array<i32>} : memref<8x128xf32, #tpu.memory_space<vmem>>, vector<1x16xf32>,
      %swap3A_842 = vector.shape_cast %swap3A_841 : vector<1x16xf32> to vector<16xf32>
      %swap3A_843 = vector.shape_cast %gather3A_811 : vector<16xf32> to vector<1x16xf32>
      tpu.vector_store %arg6[%swap3A_839, %swap3A_840], %swap3A_843 {strides = array<i32>} : memref<8x128xf32, #tpu.memory_space<vmem>>, vector<1x16xf32>,
      %broadcast_in_dim3A_844 = arith.constant 0.000000e+00 : f32
      %broadcast_in_dim3A_845 = vector.broadcast %broadcast_in_dim3A_844 : f32 to vector<16xf32>
      %swap3A_846 = arith.constant 5 : i32
      %swap3A_847 = arith.index_cast %swap3A_846 : i32 to index
      %swap3A_848 = arith.constant 48 : index
      %swap3A_849 = tpu.vector_load %arg6[%swap3A_847, %swap3A_848] {strides = array<i32>} : memref<8x128xf32, #tpu.memory_space<vmem>>, vector<1x16xf32>,
      %swap3A_850 = vector.shape_cast %swap3A_849 : vector<1x16xf32> to vector<16xf32>
      %swap3A_851 = vector.shape_cast %broadcast_in_dim3A_845 : vector<16xf32> to vector<1x16xf32>
      tpu.vector_store %arg6[%swap3A_847, %swap3A_848], %swap3A_851 {strides = array<i32>} : memref<8x128xf32, #tpu.memory_space<vmem>>, vector<1x16xf32>,
      %swap3A_852 = arith.constant 6 : i32
      %swap3A_853 = arith.index_cast %swap3A_852 : i32 to index
      %swap3A_854 = arith.constant 48 : index
      %swap3A_855 = tpu.vector_load %arg6[%swap3A_853, %swap3A_854] {strides = array<i32>} : memref<8x128xf32, #tpu.memory_space<vmem>>, vector<1x16xf32>,
      %swap3A_856 = vector.shape_cast %swap3A_855 : vector<1x16xf32> to vector<16xf32>
      %swap3A_857 = vector.shape_cast %broadcast_in_dim3A_845 : vector<16xf32> to vector<1x16xf32>
      tpu.vector_store %arg6[%swap3A_853, %swap3A_854], %swap3A_857 {strides = array<i32>} : memref<8x128xf32, #tpu.memory_space<vmem>>, vector<1x16xf32>,
      %swap3A_858 = arith.constant 7 : i32
      %swap3A_859 = arith.index_cast %swap3A_858 : i32 to index
      %swap3A_860 = arith.constant 48 : index
      %swap3A_861 = tpu.vector_load %arg6[%swap3A_859, %swap3A_860] {strides = array<i32>} : memref<8x128xf32, #tpu.memory_space<vmem>>, vector<1x16xf32>,
      %swap3A_862 = vector.shape_cast %swap3A_861 : vector<1x16xf32> to vector<16xf32>
      %swap3A_863 = vector.shape_cast %broadcast_in_dim3A_845 : vector<16xf32> to vector<1x16xf32>
      tpu.vector_store %arg6[%swap3A_859, %swap3A_860], %swap3A_863 {strides = array<i32>} : memref<8x128xf32, #tpu.memory_space<vmem>>, vector<1x16xf32>,
      %get3A_864 = arith.constant 0 : i32
      %get3A_865 = arith.index_cast %get3A_864 : i32 to index
      %get3A_866 = arith.constant 64 : index
      %get3A_867 = tpu.vector_load %arg5[%get3A_865, %get3A_866] {strides = array<i32>} : memref<8x128xf32, #tpu.memory_space<vmem>>, vector<1x16xf32>,
      %get3A_868 = vector.shape_cast %get3A_867 : vector<1x16xf32> to vector<16xf32>
      %get3A_869 = arith.constant 1 : i32
      %get3A_870 = arith.index_cast %get3A_869 : i32 to index
      %get3A_871 = arith.constant 64 : index
      %get3A_872 = tpu.vector_load %arg5[%get3A_870, %get3A_871] {strides = array<i32>} : memref<8x128xf32, #tpu.memory_space<vmem>>, vector<1x16xf32>,
      %get3A_873 = vector.shape_cast %get3A_872 : vector<1x16xf32> to vector<16xf32>
      %get3A_874 = arith.constant 2 : i32
      %get3A_875 = arith.index_cast %get3A_874 : i32 to index
      %get3A_876 = arith.constant 64 : index
      %get3A_877 = tpu.vector_load %arg5[%get3A_875, %get3A_876] {strides = array<i32>} : memref<8x128xf32, #tpu.memory_space<vmem>>, vector<1x16xf32>,
      %get3A_878 = vector.shape_cast %get3A_877 : vector<1x16xf32> to vector<16xf32>
      %get3A_879 = arith.constant 3 : i32
      %get3A_880 = arith.index_cast %get3A_879 : i32 to index
      %get3A_881 = arith.constant 64 : index
      %get3A_882 = tpu.vector_load %arg5[%get3A_880, %get3A_881] {strides = array<i32>} : memref<8x128xf32, #tpu.memory_space<vmem>>, vector<1x16xf32>,
      %get3A_883 = vector.shape_cast %get3A_882 : vector<1x16xf32> to vector<16xf32>
      %get3A_884 = arith.constant 4 : i32
      %get3A_885 = arith.index_cast %get3A_884 : i32 to index
      %get3A_886 = arith.constant 64 : index
      %get3A_887 = tpu.vector_load %arg5[%get3A_885, %get3A_886] {strides = array<i32>} : memref<8x128xf32, #tpu.memory_space<vmem>>, vector<1x16xf32>,
      %get3A_888 = vector.shape_cast %get3A_887 : vector<1x16xf32> to vector<16xf32>
      %get3A_889 = arith.constant 5 : i32
      %get3A_890 = arith.index_cast %get3A_889 : i32 to index
      %get3A_891 = arith.constant 64 : index
      %get3A_892 = tpu.vector_load %arg5[%get3A_890, %get3A_891] {strides = array<i32>} : memref<8x128xf32, #tpu.memory_space<vmem>>, vector<1x16xf32>,
      %get3A_893 = vector.shape_cast %get3A_892 : vector<1x16xf32> to vector<16xf32>
      %get3A_894 = arith.constant 6 : i32
      %get3A_895 = arith.index_cast %get3A_894 : i32 to index
      %get3A_896 = arith.constant 64 : index
      %get3A_897 = tpu.vector_load %arg5[%get3A_895, %get3A_896] {strides = array<i32>} : memref<8x128xf32, #tpu.memory_space<vmem>>, vector<1x16xf32>,
      %get3A_898 = vector.shape_cast %get3A_897 : vector<1x16xf32> to vector<16xf32>
      %get3A_899 = arith.constant 7 : i32
      %get3A_900 = arith.index_cast %get3A_899 : i32 to index
      %get3A_901 = arith.constant 64 : index
      %get3A_902 = tpu.vector_load %arg5[%get3A_900, %get3A_901] {strides = array<i32>} : memref<8x128xf32, #tpu.memory_space<vmem>>, vector<1x16xf32>,
      %get3A_903 = vector.shape_cast %get3A_902 : vector<1x16xf32> to vector<16xf32>
      %broadcast_in_dim3A_904 = arith.constant 0.000000e+00 : f32
      %broadcast_in_dim3A_905 = vector.broadcast %broadcast_in_dim3A_904 : f32 to vector<16xf32>
      %gt3A_906 = arith.cmpf ogt, %get3A_873, %get3A_868 : vector<16xf32>
      %select_n3A_907 = arith.select %gt3A_906, %get3A_873, %get3A_868 : vector<16xi1>, vector<16xf32>
      %jit3A_908 = arith.constant 1.000000e+00 : f32
      %broadcast_in_dim3A_909 = vector.broadcast %jit3A_908 : f32 to vector<16xf32>
      %select_n3A_910 = arith.select %gt3A_906, %broadcast_in_dim3A_909, %broadcast_in_dim3A_905 : vector<16xi1>, vector<16xf32>
      %gt3A_911 = arith.cmpf ogt, %get3A_878, %select_n3A_907 : vector<16xf32>
      %select_n3A_912 = arith.select %gt3A_911, %get3A_878, %select_n3A_907 : vector<16xi1>, vector<16xf32>
      %jit3A_913 = arith.constant 2.000000e+00 : f32
      %broadcast_in_dim3A_914 = vector.broadcast %jit3A_913 : f32 to vector<16xf32>
      %select_n3A_915 = arith.select %gt3A_911, %broadcast_in_dim3A_914, %select_n3A_910 : vector<16xi1>, vector<16xf32>
      %gt3A_916 = arith.cmpf ogt, %get3A_883, %select_n3A_912 : vector<16xf32>
      %select_n3A_917 = arith.select %gt3A_916, %get3A_883, %select_n3A_912 : vector<16xi1>, vector<16xf32>
      %jit3A_918 = arith.constant 3.000000e+00 : f32
      %broadcast_in_dim3A_919 = vector.broadcast %jit3A_918 : f32 to vector<16xf32>
      %select_n3A_920 = arith.select %gt3A_916, %broadcast_in_dim3A_919, %select_n3A_915 : vector<16xi1>, vector<16xf32>
      %gt3A_921 = arith.cmpf ogt, %get3A_888, %select_n3A_917 : vector<16xf32>
      %select_n3A_922 = arith.select %gt3A_921, %get3A_888, %select_n3A_917 : vector<16xi1>, vector<16xf32>
      %jit3A_923 = arith.constant 4.000000e+00 : f32
      %broadcast_in_dim3A_924 = vector.broadcast %jit3A_923 : f32 to vector<16xf32>
      %select_n3A_925 = arith.select %gt3A_921, %broadcast_in_dim3A_924, %select_n3A_920 : vector<16xi1>, vector<16xf32>
      %gt3A_926 = arith.cmpf ogt, %get3A_893, %select_n3A_922 : vector<16xf32>
      %select_n3A_927 = arith.select %gt3A_926, %get3A_893, %select_n3A_922 : vector<16xi1>, vector<16xf32>
      %jit3A_928 = arith.constant 5.000000e+00 : f32
      %broadcast_in_dim3A_929 = vector.broadcast %jit3A_928 : f32 to vector<16xf32>
      %select_n3A_930 = arith.select %gt3A_926, %broadcast_in_dim3A_929, %select_n3A_925 : vector<16xi1>, vector<16xf32>
      %gt3A_931 = arith.cmpf ogt, %get3A_898, %select_n3A_927 : vector<16xf32>
      %select_n3A_932 = arith.select %gt3A_931, %get3A_898, %select_n3A_927 : vector<16xi1>, vector<16xf32>
      %jit3A_933 = arith.constant 6.000000e+00 : f32
      %broadcast_in_dim3A_934 = vector.broadcast %jit3A_933 : f32 to vector<16xf32>
      %select_n3A_935 = arith.select %gt3A_931, %broadcast_in_dim3A_934, %select_n3A_930 : vector<16xi1>, vector<16xf32>
      %gt3A_936 = arith.cmpf ogt, %get3A_903, %select_n3A_932 : vector<16xf32>
      %select_n3A_937 = arith.select %gt3A_936, %get3A_903, %select_n3A_932 : vector<16xi1>, vector<16xf32>
      %jit3A_938 = arith.constant 7.000000e+00 : f32
      %broadcast_in_dim3A_939 = vector.broadcast %jit3A_938 : f32 to vector<16xf32>
      %select_n3A_940 = arith.select %gt3A_936, %broadcast_in_dim3A_939, %select_n3A_935 : vector<16xi1>, vector<16xf32>
      %broadcast_in_dim3A_941 = arith.constant -1.000000e+00 : f32
      %broadcast_in_dim3A_942 = vector.broadcast %broadcast_in_dim3A_941 : f32 to vector<16xf32>
      %broadcast_in_dim3A_943 = arith.constant 0.000000e+00 : f32
      %broadcast_in_dim3A_944 = vector.broadcast %broadcast_in_dim3A_943 : f32 to vector<16xf32>
      %ne3A_945 = arith.constant 0.000000e+00 : f32
      %ne3A_946 = vector.broadcast %ne3A_945 : f32 to vector<16xf32>
      %ne3A_947 = arith.cmpf one, %select_n3A_940, %ne3A_946 : vector<16xf32>
      %gt3A_948 = arith.cmpf ogt, %get3A_868, %broadcast_in_dim3A_942 : vector<16xf32>
      %and3A_949 = arith.andi %ne3A_947, %gt3A_948 : vector<16xi1>
      %select_n3A_950 = arith.select %and3A_949, %get3A_868, %broadcast_in_dim3A_942 : vector<16xi1>, vector<16xf32>
      %jit3A_951 = arith.constant 0.000000e+00 : f32
      %broadcast_in_dim3A_952 = vector.broadcast %jit3A_951 : f32 to vector<16xf32>
      %select_n3A_953 = arith.select %and3A_949, %broadcast_in_dim3A_952, %broadcast_in_dim3A_944 : vector<16xi1>, vector<16xf32>
      %ne3A_954 = arith.constant 1.000000e+00 : f32
      %ne3A_955 = vector.broadcast %ne3A_954 : f32 to vector<16xf32>
      %ne3A_956 = arith.cmpf one, %select_n3A_940, %ne3A_955 : vector<16xf32>
      %gt3A_957 = arith.cmpf ogt, %get3A_873, %select_n3A_950 : vector<16xf32>
      %and3A_958 = arith.andi %ne3A_956, %gt3A_957 : vector<16xi1>
      %select_n3A_959 = arith.select %and3A_958, %get3A_873, %select_n3A_950 : vector<16xi1>, vector<16xf32>
      %jit3A_960 = arith.constant 1.000000e+00 : f32
      %broadcast_in_dim3A_961 = vector.broadcast %jit3A_960 : f32 to vector<16xf32>
      %select_n3A_962 = arith.select %and3A_958, %broadcast_in_dim3A_961, %select_n3A_953 : vector<16xi1>, vector<16xf32>
      %ne3A_963 = arith.constant 2.000000e+00 : f32
      %ne3A_964 = vector.broadcast %ne3A_963 : f32 to vector<16xf32>
      %ne3A_965 = arith.cmpf one, %select_n3A_940, %ne3A_964 : vector<16xf32>
      %gt3A_966 = arith.cmpf ogt, %get3A_878, %select_n3A_959 : vector<16xf32>
      %and3A_967 = arith.andi %ne3A_965, %gt3A_966 : vector<16xi1>
      %select_n3A_968 = arith.select %and3A_967, %get3A_878, %select_n3A_959 : vector<16xi1>, vector<16xf32>
      %jit3A_969 = arith.constant 2.000000e+00 : f32
      %broadcast_in_dim3A_970 = vector.broadcast %jit3A_969 : f32 to vector<16xf32>
      %select_n3A_971 = arith.select %and3A_967, %broadcast_in_dim3A_970, %select_n3A_962 : vector<16xi1>, vector<16xf32>
      %ne3A_972 = arith.constant 3.000000e+00 : f32
      %ne3A_973 = vector.broadcast %ne3A_972 : f32 to vector<16xf32>
      %ne3A_974 = arith.cmpf one, %select_n3A_940, %ne3A_973 : vector<16xf32>
      %gt3A_975 = arith.cmpf ogt, %get3A_883, %select_n3A_968 : vector<16xf32>
      %and3A_976 = arith.andi %ne3A_974, %gt3A_975 : vector<16xi1>
      %select_n3A_977 = arith.select %and3A_976, %get3A_883, %select_n3A_968 : vector<16xi1>, vector<16xf32>
      %jit3A_978 = arith.constant 3.000000e+00 : f32
      %broadcast_in_dim3A_979 = vector.broadcast %jit3A_978 : f32 to vector<16xf32>
      %select_n3A_980 = arith.select %and3A_976, %broadcast_in_dim3A_979, %select_n3A_971 : vector<16xi1>, vector<16xf32>
      %ne3A_981 = arith.constant 4.000000e+00 : f32
      %ne3A_982 = vector.broadcast %ne3A_981 : f32 to vector<16xf32>
      %ne3A_983 = arith.cmpf one, %select_n3A_940, %ne3A_982 : vector<16xf32>
      %gt3A_984 = arith.cmpf ogt, %get3A_888, %select_n3A_977 : vector<16xf32>
      %and3A_985 = arith.andi %ne3A_983, %gt3A_984 : vector<16xi1>
      %select_n3A_986 = arith.select %and3A_985, %get3A_888, %select_n3A_977 : vector<16xi1>, vector<16xf32>
      %jit3A_987 = arith.constant 4.000000e+00 : f32
      %broadcast_in_dim3A_988 = vector.broadcast %jit3A_987 : f32 to vector<16xf32>
      %select_n3A_989 = arith.select %and3A_985, %broadcast_in_dim3A_988, %select_n3A_980 : vector<16xi1>, vector<16xf32>
      %ne3A_990 = arith.constant 5.000000e+00 : f32
      %ne3A_991 = vector.broadcast %ne3A_990 : f32 to vector<16xf32>
      %ne3A_992 = arith.cmpf one, %select_n3A_940, %ne3A_991 : vector<16xf32>
      %gt3A_993 = arith.cmpf ogt, %get3A_893, %select_n3A_986 : vector<16xf32>
      %and3A_994 = arith.andi %ne3A_992, %gt3A_993 : vector<16xi1>
      %select_n3A_995 = arith.select %and3A_994, %get3A_893, %select_n3A_986 : vector<16xi1>, vector<16xf32>
      %jit3A_996 = arith.constant 5.000000e+00 : f32
      %broadcast_in_dim3A_997 = vector.broadcast %jit3A_996 : f32 to vector<16xf32>
      %select_n3A_998 = arith.select %and3A_994, %broadcast_in_dim3A_997, %select_n3A_989 : vector<16xi1>, vector<16xf32>
      %ne3A_999 = arith.constant 6.000000e+00 : f32
      %ne3A_1000 = vector.broadcast %ne3A_999 : f32 to vector<16xf32>
      %ne3A_1001 = arith.cmpf one, %select_n3A_940, %ne3A_1000 : vector<16xf32>
      %gt3A_1002 = arith.cmpf ogt, %get3A_898, %select_n3A_995 : vector<16xf32>
      %and3A_1003 = arith.andi %ne3A_1001, %gt3A_1002 : vector<16xi1>
      %select_n3A_1004 = arith.select %and3A_1003, %get3A_898, %select_n3A_995 : vector<16xi1>, vector<16xf32>
      %jit3A_1005 = arith.constant 6.000000e+00 : f32
      %broadcast_in_dim3A_1006 = vector.broadcast %jit3A_1005 : f32 to vector<16xf32>
      %select_n3A_1007 = arith.select %and3A_1003, %broadcast_in_dim3A_1006, %select_n3A_998 : vector<16xi1>, vector<16xf32>
      %ne3A_1008 = arith.constant 7.000000e+00 : f32
      %ne3A_1009 = vector.broadcast %ne3A_1008 : f32 to vector<16xf32>
      %ne3A_1010 = arith.cmpf one, %select_n3A_940, %ne3A_1009 : vector<16xf32>
      %gt3A_1011 = arith.cmpf ogt, %get3A_903, %select_n3A_1004 : vector<16xf32>
      %and3A_1012 = arith.andi %ne3A_1010, %gt3A_1011 : vector<16xi1>
      %select_n3A_1013 = arith.select %and3A_1012, %get3A_903, %select_n3A_1004 : vector<16xi1>, vector<16xf32>
      %jit3A_1014 = arith.constant 7.000000e+00 : f32
      %broadcast_in_dim3A_1015 = vector.broadcast %jit3A_1014 : f32 to vector<16xf32>
      %select_n3A_1016 = arith.select %and3A_1012, %broadcast_in_dim3A_1015, %select_n3A_1007 : vector<16xi1>, vector<16xf32>
      %add3A_1017 = arith.addf %select_n3A_937, %select_n3A_1013 : vector<16xf32>
      %convert_element_type3A_1018 = arith.fptosi %select_n3A_1016 : vector<16xf32> to vector<16xi32>
      %lt3A_1019 = arith.constant 0 : i32
      %lt3A_1020 = vector.broadcast %lt3A_1019 : i32 to vector<16xi32>
      %lt3A_1021 = arith.cmpi slt, %convert_element_type3A_1018, %lt3A_1020 : vector<16xi32>
      %add3A_1022 = arith.constant 16 : i32
      %add3A_1023 = vector.broadcast %add3A_1022 : i32 to vector<16xi32>
      %add3A_1024 = arith.addi %convert_element_type3A_1018, %add3A_1023 : vector<16xi32>
      %select_n3A_1025 = arith.select %lt3A_1021, %add3A_1024, %convert_element_type3A_1018 : vector<16xi1>, vector<16xi32>
      %broadcast_in_dim3A_1026 = vector.shape_cast %select_n3A_1025 : vector<16xi32> to vector<16x1xi32>
      %gather3A_1027 = vector.shape_cast %broadcast_in_dim3A_1026 : vector<16x1xi32> to vector<16xi32>
      %gather3A_1028 = tpu.dynamic_gather %get3A_4[%gather3A_1027] in [0] : vector<16xf32>, vector<16xi32> -> vector<16xf32>
      %swap3A_1029 = arith.constant 0 : i32
      %swap3A_1030 = arith.index_cast %swap3A_1029 : i32 to index
      %swap3A_1031 = arith.constant 64 : index
      %swap3A_1032 = tpu.vector_load %arg6[%swap3A_1030, %swap3A_1031] {strides = array<i32>} : memref<8x128xf32, #tpu.memory_space<vmem>>, vector<1x16xf32>,
      %swap3A_1033 = vector.shape_cast %swap3A_1032 : vector<1x16xf32> to vector<16xf32>
      %swap3A_1034 = vector.shape_cast %select_n3A_940 : vector<16xf32> to vector<1x16xf32>
      tpu.vector_store %arg6[%swap3A_1030, %swap3A_1031], %swap3A_1034 {strides = array<i32>} : memref<8x128xf32, #tpu.memory_space<vmem>>, vector<1x16xf32>,
      %swap3A_1035 = arith.constant 1 : i32
      %swap3A_1036 = arith.index_cast %swap3A_1035 : i32 to index
      %swap3A_1037 = arith.constant 64 : index
      %swap3A_1038 = tpu.vector_load %arg6[%swap3A_1036, %swap3A_1037] {strides = array<i32>} : memref<8x128xf32, #tpu.memory_space<vmem>>, vector<1x16xf32>,
      %swap3A_1039 = vector.shape_cast %swap3A_1038 : vector<1x16xf32> to vector<16xf32>
      %swap3A_1040 = vector.shape_cast %select_n3A_1016 : vector<16xf32> to vector<1x16xf32>
      tpu.vector_store %arg6[%swap3A_1036, %swap3A_1037], %swap3A_1040 {strides = array<i32>} : memref<8x128xf32, #tpu.memory_space<vmem>>, vector<1x16xf32>,
      %div3A_1041 = arith.divf %select_n3A_937, %add3A_1017 : vector<16xf32>
      %swap3A_1042 = arith.constant 2 : i32
      %swap3A_1043 = arith.index_cast %swap3A_1042 : i32 to index
      %swap3A_1044 = arith.constant 64 : index
      %swap3A_1045 = tpu.vector_load %arg6[%swap3A_1043, %swap3A_1044] {strides = array<i32>} : memref<8x128xf32, #tpu.memory_space<vmem>>, vector<1x16xf32>,
      %swap3A_1046 = vector.shape_cast %swap3A_1045 : vector<1x16xf32> to vector<16xf32>
      %swap3A_1047 = vector.shape_cast %div3A_1041 : vector<16xf32> to vector<1x16xf32>
      tpu.vector_store %arg6[%swap3A_1043, %swap3A_1044], %swap3A_1047 {strides = array<i32>} : memref<8x128xf32, #tpu.memory_space<vmem>>, vector<1x16xf32>,
      %div3A_1048 = arith.divf %select_n3A_1013, %add3A_1017 : vector<16xf32>
      %swap3A_1049 = arith.constant 3 : i32
      %swap3A_1050 = arith.index_cast %swap3A_1049 : i32 to index
      %swap3A_1051 = arith.constant 64 : index
      %swap3A_1052 = tpu.vector_load %arg6[%swap3A_1050, %swap3A_1051] {strides = array<i32>} : memref<8x128xf32, #tpu.memory_space<vmem>>, vector<1x16xf32>,
      %swap3A_1053 = vector.shape_cast %swap3A_1052 : vector<1x16xf32> to vector<16xf32>
      %swap3A_1054 = vector.shape_cast %div3A_1048 : vector<16xf32> to vector<1x16xf32>
      tpu.vector_store %arg6[%swap3A_1050, %swap3A_1051], %swap3A_1054 {strides = array<i32>} : memref<8x128xf32, #tpu.memory_space<vmem>>, vector<1x16xf32>,
      %swap3A_1055 = arith.constant 4 : i32
      %swap3A_1056 = arith.index_cast %swap3A_1055 : i32 to index
      %swap3A_1057 = arith.constant 64 : index
      %swap3A_1058 = tpu.vector_load %arg6[%swap3A_1056, %swap3A_1057] {strides = array<i32>} : memref<8x128xf32, #tpu.memory_space<vmem>>, vector<1x16xf32>,
      %swap3A_1059 = vector.shape_cast %swap3A_1058 : vector<1x16xf32> to vector<16xf32>
      %swap3A_1060 = vector.shape_cast %gather3A_1028 : vector<16xf32> to vector<1x16xf32>
      tpu.vector_store %arg6[%swap3A_1056, %swap3A_1057], %swap3A_1060 {strides = array<i32>} : memref<8x128xf32, #tpu.memory_space<vmem>>, vector<1x16xf32>,
      %broadcast_in_dim3A_1061 = arith.constant 0.000000e+00 : f32
      %broadcast_in_dim3A_1062 = vector.broadcast %broadcast_in_dim3A_1061 : f32 to vector<16xf32>
      %swap3A_1063 = arith.constant 5 : i32
      %swap3A_1064 = arith.index_cast %swap3A_1063 : i32 to index
      %swap3A_1065 = arith.constant 64 : index
      %swap3A_1066 = tpu.vector_load %arg6[%swap3A_1064, %swap3A_1065] {strides = array<i32>} : memref<8x128xf32, #tpu.memory_space<vmem>>, vector<1x16xf32>,
      %swap3A_1067 = vector.shape_cast %swap3A_1066 : vector<1x16xf32> to vector<16xf32>
      %swap3A_1068 = vector.shape_cast %broadcast_in_dim3A_1062 : vector<16xf32> to vector<1x16xf32>
      tpu.vector_store %arg6[%swap3A_1064, %swap3A_1065], %swap3A_1068 {strides = array<i32>} : memref<8x128xf32, #tpu.memory_space<vmem>>, vector<1x16xf32>,
      %swap3A_1069 = arith.constant 6 : i32
      %swap3A_1070 = arith.index_cast %swap3A_1069 : i32 to index
      %swap3A_1071 = arith.constant 64 : index
      %swap3A_1072 = tpu.vector_load %arg6[%swap3A_1070, %swap3A_1071] {strides = array<i32>} : memref<8x128xf32, #tpu.memory_space<vmem>>, vector<1x16xf32>,
      %swap3A_1073 = vector.shape_cast %swap3A_1072 : vector<1x16xf32> to vector<16xf32>
      %swap3A_1074 = vector.shape_cast %broadcast_in_dim3A_1062 : vector<16xf32> to vector<1x16xf32>
      tpu.vector_store %arg6[%swap3A_1070, %swap3A_1071], %swap3A_1074 {strides = array<i32>} : memref<8x128xf32, #tpu.memory_space<vmem>>, vector<1x16xf32>,
      %swap3A_1075 = arith.constant 7 : i32
      %swap3A_1076 = arith.index_cast %swap3A_1075 : i32 to index
      %swap3A_1077 = arith.constant 64 : index
      %swap3A_1078 = tpu.vector_load %arg6[%swap3A_1076, %swap3A_1077] {strides = array<i32>} : memref<8x128xf32, #tpu.memory_space<vmem>>, vector<1x16xf32>,
      %swap3A_1079 = vector.shape_cast %swap3A_1078 : vector<1x16xf32> to vector<16xf32>
      %swap3A_1080 = vector.shape_cast %broadcast_in_dim3A_1062 : vector<16xf32> to vector<1x16xf32>
      tpu.vector_store %arg6[%swap3A_1076, %swap3A_1077], %swap3A_1080 {strides = array<i32>} : memref<8x128xf32, #tpu.memory_space<vmem>>, vector<1x16xf32>,
      %get3A_1081 = arith.constant 0 : i32
      %get3A_1082 = arith.index_cast %get3A_1081 : i32 to index
      %get3A_1083 = arith.constant 80 : index
      %get3A_1084 = tpu.vector_load %arg5[%get3A_1082, %get3A_1083] {strides = array<i32>} : memref<8x128xf32, #tpu.memory_space<vmem>>, vector<1x16xf32>,
      %get3A_1085 = vector.shape_cast %get3A_1084 : vector<1x16xf32> to vector<16xf32>
      %get3A_1086 = arith.constant 1 : i32
      %get3A_1087 = arith.index_cast %get3A_1086 : i32 to index
      %get3A_1088 = arith.constant 80 : index
      %get3A_1089 = tpu.vector_load %arg5[%get3A_1087, %get3A_1088] {strides = array<i32>} : memref<8x128xf32, #tpu.memory_space<vmem>>, vector<1x16xf32>,
      %get3A_1090 = vector.shape_cast %get3A_1089 : vector<1x16xf32> to vector<16xf32>
      %get3A_1091 = arith.constant 2 : i32
      %get3A_1092 = arith.index_cast %get3A_1091 : i32 to index
      %get3A_1093 = arith.constant 80 : index
      %get3A_1094 = tpu.vector_load %arg5[%get3A_1092, %get3A_1093] {strides = array<i32>} : memref<8x128xf32, #tpu.memory_space<vmem>>, vector<1x16xf32>,
      %get3A_1095 = vector.shape_cast %get3A_1094 : vector<1x16xf32> to vector<16xf32>
      %get3A_1096 = arith.constant 3 : i32
      %get3A_1097 = arith.index_cast %get3A_1096 : i32 to index
      %get3A_1098 = arith.constant 80 : index
      %get3A_1099 = tpu.vector_load %arg5[%get3A_1097, %get3A_1098] {strides = array<i32>} : memref<8x128xf32, #tpu.memory_space<vmem>>, vector<1x16xf32>,
      %get3A_1100 = vector.shape_cast %get3A_1099 : vector<1x16xf32> to vector<16xf32>
      %get3A_1101 = arith.constant 4 : i32
      %get3A_1102 = arith.index_cast %get3A_1101 : i32 to index
      %get3A_1103 = arith.constant 80 : index
      %get3A_1104 = tpu.vector_load %arg5[%get3A_1102, %get3A_1103] {strides = array<i32>} : memref<8x128xf32, #tpu.memory_space<vmem>>, vector<1x16xf32>,
      %get3A_1105 = vector.shape_cast %get3A_1104 : vector<1x16xf32> to vector<16xf32>
      %get3A_1106 = arith.constant 5 : i32
      %get3A_1107 = arith.index_cast %get3A_1106 : i32 to index
      %get3A_1108 = arith.constant 80 : index
      %get3A_1109 = tpu.vector_load %arg5[%get3A_1107, %get3A_1108] {strides = array<i32>} : memref<8x128xf32, #tpu.memory_space<vmem>>, vector<1x16xf32>,
      %get3A_1110 = vector.shape_cast %get3A_1109 : vector<1x16xf32> to vector<16xf32>
      %get3A_1111 = arith.constant 6 : i32
      %get3A_1112 = arith.index_cast %get3A_1111 : i32 to index
      %get3A_1113 = arith.constant 80 : index
      %get3A_1114 = tpu.vector_load %arg5[%get3A_1112, %get3A_1113] {strides = array<i32>} : memref<8x128xf32, #tpu.memory_space<vmem>>, vector<1x16xf32>,
      %get3A_1115 = vector.shape_cast %get3A_1114 : vector<1x16xf32> to vector<16xf32>
      %get3A_1116 = arith.constant 7 : i32
      %get3A_1117 = arith.index_cast %get3A_1116 : i32 to index
      %get3A_1118 = arith.constant 80 : index
      %get3A_1119 = tpu.vector_load %arg5[%get3A_1117, %get3A_1118] {strides = array<i32>} : memref<8x128xf32, #tpu.memory_space<vmem>>, vector<1x16xf32>,
      %get3A_1120 = vector.shape_cast %get3A_1119 : vector<1x16xf32> to vector<16xf32>
      %broadcast_in_dim3A_1121 = arith.constant 0.000000e+00 : f32
      %broadcast_in_dim3A_1122 = vector.broadcast %broadcast_in_dim3A_1121 : f32 to vector<16xf32>
      %gt3A_1123 = arith.cmpf ogt, %get3A_1090, %get3A_1085 : vector<16xf32>
      %select_n3A_1124 = arith.select %gt3A_1123, %get3A_1090, %get3A_1085 : vector<16xi1>, vector<16xf32>
      %jit3A_1125 = arith.constant 1.000000e+00 : f32
      %broadcast_in_dim3A_1126 = vector.broadcast %jit3A_1125 : f32 to vector<16xf32>
      %select_n3A_1127 = arith.select %gt3A_1123, %broadcast_in_dim3A_1126, %broadcast_in_dim3A_1122 : vector<16xi1>, vector<16xf32>
      %gt3A_1128 = arith.cmpf ogt, %get3A_1095, %select_n3A_1124 : vector<16xf32>
      %select_n3A_1129 = arith.select %gt3A_1128, %get3A_1095, %select_n3A_1124 : vector<16xi1>, vector<16xf32>
      %jit3A_1130 = arith.constant 2.000000e+00 : f32
      %broadcast_in_dim3A_1131 = vector.broadcast %jit3A_1130 : f32 to vector<16xf32>
      %select_n3A_1132 = arith.select %gt3A_1128, %broadcast_in_dim3A_1131, %select_n3A_1127 : vector<16xi1>, vector<16xf32>
      %gt3A_1133 = arith.cmpf ogt, %get3A_1100, %select_n3A_1129 : vector<16xf32>
      %select_n3A_1134 = arith.select %gt3A_1133, %get3A_1100, %select_n3A_1129 : vector<16xi1>, vector<16xf32>
      %jit3A_1135 = arith.constant 3.000000e+00 : f32
      %broadcast_in_dim3A_1136 = vector.broadcast %jit3A_1135 : f32 to vector<16xf32>
      %select_n3A_1137 = arith.select %gt3A_1133, %broadcast_in_dim3A_1136, %select_n3A_1132 : vector<16xi1>, vector<16xf32>
      %gt3A_1138 = arith.cmpf ogt, %get3A_1105, %select_n3A_1134 : vector<16xf32>
      %select_n3A_1139 = arith.select %gt3A_1138, %get3A_1105, %select_n3A_1134 : vector<16xi1>, vector<16xf32>
      %jit3A_1140 = arith.constant 4.000000e+00 : f32
      %broadcast_in_dim3A_1141 = vector.broadcast %jit3A_1140 : f32 to vector<16xf32>
      %select_n3A_1142 = arith.select %gt3A_1138, %broadcast_in_dim3A_1141, %select_n3A_1137 : vector<16xi1>, vector<16xf32>
      %gt3A_1143 = arith.cmpf ogt, %get3A_1110, %select_n3A_1139 : vector<16xf32>
      %select_n3A_1144 = arith.select %gt3A_1143, %get3A_1110, %select_n3A_1139 : vector<16xi1>, vector<16xf32>
      %jit3A_1145 = arith.constant 5.000000e+00 : f32
      %broadcast_in_dim3A_1146 = vector.broadcast %jit3A_1145 : f32 to vector<16xf32>
      %select_n3A_1147 = arith.select %gt3A_1143, %broadcast_in_dim3A_1146, %select_n3A_1142 : vector<16xi1>, vector<16xf32>
      %gt3A_1148 = arith.cmpf ogt, %get3A_1115, %select_n3A_1144 : vector<16xf32>
      %select_n3A_1149 = arith.select %gt3A_1148, %get3A_1115, %select_n3A_1144 : vector<16xi1>, vector<16xf32>
      %jit3A_1150 = arith.constant 6.000000e+00 : f32
      %broadcast_in_dim3A_1151 = vector.broadcast %jit3A_1150 : f32 to vector<16xf32>
      %select_n3A_1152 = arith.select %gt3A_1148, %broadcast_in_dim3A_1151, %select_n3A_1147 : vector<16xi1>, vector<16xf32>
      %gt3A_1153 = arith.cmpf ogt, %get3A_1120, %select_n3A_1149 : vector<16xf32>
      %select_n3A_1154 = arith.select %gt3A_1153, %get3A_1120, %select_n3A_1149 : vector<16xi1>, vector<16xf32>
      %jit3A_1155 = arith.constant 7.000000e+00 : f32
      %broadcast_in_dim3A_1156 = vector.broadcast %jit3A_1155 : f32 to vector<16xf32>
      %select_n3A_1157 = arith.select %gt3A_1153, %broadcast_in_dim3A_1156, %select_n3A_1152 : vector<16xi1>, vector<16xf32>
      %broadcast_in_dim3A_1158 = arith.constant -1.000000e+00 : f32
      %broadcast_in_dim3A_1159 = vector.broadcast %broadcast_in_dim3A_1158 : f32 to vector<16xf32>
      %broadcast_in_dim3A_1160 = arith.constant 0.000000e+00 : f32
      %broadcast_in_dim3A_1161 = vector.broadcast %broadcast_in_dim3A_1160 : f32 to vector<16xf32>
      %ne3A_1162 = arith.constant 0.000000e+00 : f32
      %ne3A_1163 = vector.broadcast %ne3A_1162 : f32 to vector<16xf32>
      %ne3A_1164 = arith.cmpf one, %select_n3A_1157, %ne3A_1163 : vector<16xf32>
      %gt3A_1165 = arith.cmpf ogt, %get3A_1085, %broadcast_in_dim3A_1159 : vector<16xf32>
      %and3A_1166 = arith.andi %ne3A_1164, %gt3A_1165 : vector<16xi1>
      %select_n3A_1167 = arith.select %and3A_1166, %get3A_1085, %broadcast_in_dim3A_1159 : vector<16xi1>, vector<16xf32>
      %jit3A_1168 = arith.constant 0.000000e+00 : f32
      %broadcast_in_dim3A_1169 = vector.broadcast %jit3A_1168 : f32 to vector<16xf32>
      %select_n3A_1170 = arith.select %and3A_1166, %broadcast_in_dim3A_1169, %broadcast_in_dim3A_1161 : vector<16xi1>, vector<16xf32>
      %ne3A_1171 = arith.constant 1.000000e+00 : f32
      %ne3A_1172 = vector.broadcast %ne3A_1171 : f32 to vector<16xf32>
      %ne3A_1173 = arith.cmpf one, %select_n3A_1157, %ne3A_1172 : vector<16xf32>
      %gt3A_1174 = arith.cmpf ogt, %get3A_1090, %select_n3A_1167 : vector<16xf32>
      %and3A_1175 = arith.andi %ne3A_1173, %gt3A_1174 : vector<16xi1>
      %select_n3A_1176 = arith.select %and3A_1175, %get3A_1090, %select_n3A_1167 : vector<16xi1>, vector<16xf32>
      %jit3A_1177 = arith.constant 1.000000e+00 : f32
      %broadcast_in_dim3A_1178 = vector.broadcast %jit3A_1177 : f32 to vector<16xf32>
      %select_n3A_1179 = arith.select %and3A_1175, %broadcast_in_dim3A_1178, %select_n3A_1170 : vector<16xi1>, vector<16xf32>
      %ne3A_1180 = arith.constant 2.000000e+00 : f32
      %ne3A_1181 = vector.broadcast %ne3A_1180 : f32 to vector<16xf32>
      %ne3A_1182 = arith.cmpf one, %select_n3A_1157, %ne3A_1181 : vector<16xf32>
      %gt3A_1183 = arith.cmpf ogt, %get3A_1095, %select_n3A_1176 : vector<16xf32>
      %and3A_1184 = arith.andi %ne3A_1182, %gt3A_1183 : vector<16xi1>
      %select_n3A_1185 = arith.select %and3A_1184, %get3A_1095, %select_n3A_1176 : vector<16xi1>, vector<16xf32>
      %jit3A_1186 = arith.constant 2.000000e+00 : f32
      %broadcast_in_dim3A_1187 = vector.broadcast %jit3A_1186 : f32 to vector<16xf32>
      %select_n3A_1188 = arith.select %and3A_1184, %broadcast_in_dim3A_1187, %select_n3A_1179 : vector<16xi1>, vector<16xf32>
      %ne3A_1189 = arith.constant 3.000000e+00 : f32
      %ne3A_1190 = vector.broadcast %ne3A_1189 : f32 to vector<16xf32>
      %ne3A_1191 = arith.cmpf one, %select_n3A_1157, %ne3A_1190 : vector<16xf32>
      %gt3A_1192 = arith.cmpf ogt, %get3A_1100, %select_n3A_1185 : vector<16xf32>
      %and3A_1193 = arith.andi %ne3A_1191, %gt3A_1192 : vector<16xi1>
      %select_n3A_1194 = arith.select %and3A_1193, %get3A_1100, %select_n3A_1185 : vector<16xi1>, vector<16xf32>
      %jit3A_1195 = arith.constant 3.000000e+00 : f32
      %broadcast_in_dim3A_1196 = vector.broadcast %jit3A_1195 : f32 to vector<16xf32>
      %select_n3A_1197 = arith.select %and3A_1193, %broadcast_in_dim3A_1196, %select_n3A_1188 : vector<16xi1>, vector<16xf32>
      %ne3A_1198 = arith.constant 4.000000e+00 : f32
      %ne3A_1199 = vector.broadcast %ne3A_1198 : f32 to vector<16xf32>
      %ne3A_1200 = arith.cmpf one, %select_n3A_1157, %ne3A_1199 : vector<16xf32>
      %gt3A_1201 = arith.cmpf ogt, %get3A_1105, %select_n3A_1194 : vector<16xf32>
      %and3A_1202 = arith.andi %ne3A_1200, %gt3A_1201 : vector<16xi1>
      %select_n3A_1203 = arith.select %and3A_1202, %get3A_1105, %select_n3A_1194 : vector<16xi1>, vector<16xf32>
      %jit3A_1204 = arith.constant 4.000000e+00 : f32
      %broadcast_in_dim3A_1205 = vector.broadcast %jit3A_1204 : f32 to vector<16xf32>
      %select_n3A_1206 = arith.select %and3A_1202, %broadcast_in_dim3A_1205, %select_n3A_1197 : vector<16xi1>, vector<16xf32>
      %ne3A_1207 = arith.constant 5.000000e+00 : f32
      %ne3A_1208 = vector.broadcast %ne3A_1207 : f32 to vector<16xf32>
      %ne3A_1209 = arith.cmpf one, %select_n3A_1157, %ne3A_1208 : vector<16xf32>
      %gt3A_1210 = arith.cmpf ogt, %get3A_1110, %select_n3A_1203 : vector<16xf32>
      %and3A_1211 = arith.andi %ne3A_1209, %gt3A_1210 : vector<16xi1>
      %select_n3A_1212 = arith.select %and3A_1211, %get3A_1110, %select_n3A_1203 : vector<16xi1>, vector<16xf32>
      %jit3A_1213 = arith.constant 5.000000e+00 : f32
      %broadcast_in_dim3A_1214 = vector.broadcast %jit3A_1213 : f32 to vector<16xf32>
      %select_n3A_1215 = arith.select %and3A_1211, %broadcast_in_dim3A_1214, %select_n3A_1206 : vector<16xi1>, vector<16xf32>
      %ne3A_1216 = arith.constant 6.000000e+00 : f32
      %ne3A_1217 = vector.broadcast %ne3A_1216 : f32 to vector<16xf32>
      %ne3A_1218 = arith.cmpf one, %select_n3A_1157, %ne3A_1217 : vector<16xf32>
      %gt3A_1219 = arith.cmpf ogt, %get3A_1115, %select_n3A_1212 : vector<16xf32>
      %and3A_1220 = arith.andi %ne3A_1218, %gt3A_1219 : vector<16xi1>
      %select_n3A_1221 = arith.select %and3A_1220, %get3A_1115, %select_n3A_1212 : vector<16xi1>, vector<16xf32>
      %jit3A_1222 = arith.constant 6.000000e+00 : f32
      %broadcast_in_dim3A_1223 = vector.broadcast %jit3A_1222 : f32 to vector<16xf32>
      %select_n3A_1224 = arith.select %and3A_1220, %broadcast_in_dim3A_1223, %select_n3A_1215 : vector<16xi1>, vector<16xf32>
      %ne3A_1225 = arith.constant 7.000000e+00 : f32
      %ne3A_1226 = vector.broadcast %ne3A_1225 : f32 to vector<16xf32>
      %ne3A_1227 = arith.cmpf one, %select_n3A_1157, %ne3A_1226 : vector<16xf32>
      %gt3A_1228 = arith.cmpf ogt, %get3A_1120, %select_n3A_1221 : vector<16xf32>
      %and3A_1229 = arith.andi %ne3A_1227, %gt3A_1228 : vector<16xi1>
      %select_n3A_1230 = arith.select %and3A_1229, %get3A_1120, %select_n3A_1221 : vector<16xi1>, vector<16xf32>
      %jit3A_1231 = arith.constant 7.000000e+00 : f32
      %broadcast_in_dim3A_1232 = vector.broadcast %jit3A_1231 : f32 to vector<16xf32>
      %select_n3A_1233 = arith.select %and3A_1229, %broadcast_in_dim3A_1232, %select_n3A_1224 : vector<16xi1>, vector<16xf32>
      %add3A_1234 = arith.addf %select_n3A_1154, %select_n3A_1230 : vector<16xf32>
      %convert_element_type3A_1235 = arith.fptosi %select_n3A_1233 : vector<16xf32> to vector<16xi32>
      %lt3A_1236 = arith.constant 0 : i32
      %lt3A_1237 = vector.broadcast %lt3A_1236 : i32 to vector<16xi32>
      %lt3A_1238 = arith.cmpi slt, %convert_element_type3A_1235, %lt3A_1237 : vector<16xi32>
      %add3A_1239 = arith.constant 16 : i32
      %add3A_1240 = vector.broadcast %add3A_1239 : i32 to vector<16xi32>
      %add3A_1241 = arith.addi %convert_element_type3A_1235, %add3A_1240 : vector<16xi32>
      %select_n3A_1242 = arith.select %lt3A_1238, %add3A_1241, %convert_element_type3A_1235 : vector<16xi1>, vector<16xi32>
      %broadcast_in_dim3A_1243 = vector.shape_cast %select_n3A_1242 : vector<16xi32> to vector<16x1xi32>
      %gather3A_1244 = vector.shape_cast %broadcast_in_dim3A_1243 : vector<16x1xi32> to vector<16xi32>
      %gather3A_1245 = tpu.dynamic_gather %get3A_4[%gather3A_1244] in [0] : vector<16xf32>, vector<16xi32> -> vector<16xf32>
      %swap3A_1246 = arith.constant 0 : i32
      %swap3A_1247 = arith.index_cast %swap3A_1246 : i32 to index
      %swap3A_1248 = arith.constant 80 : index
      %swap3A_1249 = tpu.vector_load %arg6[%swap3A_1247, %swap3A_1248] {strides = array<i32>} : memref<8x128xf32, #tpu.memory_space<vmem>>, vector<1x16xf32>,
      %swap3A_1250 = vector.shape_cast %swap3A_1249 : vector<1x16xf32> to vector<16xf32>
      %swap3A_1251 = vector.shape_cast %select_n3A_1157 : vector<16xf32> to vector<1x16xf32>
      tpu.vector_store %arg6[%swap3A_1247, %swap3A_1248], %swap3A_1251 {strides = array<i32>} : memref<8x128xf32, #tpu.memory_space<vmem>>, vector<1x16xf32>,
      %swap3A_1252 = arith.constant 1 : i32
      %swap3A_1253 = arith.index_cast %swap3A_1252 : i32 to index
      %swap3A_1254 = arith.constant 80 : index
      %swap3A_1255 = tpu.vector_load %arg6[%swap3A_1253, %swap3A_1254] {strides = array<i32>} : memref<8x128xf32, #tpu.memory_space<vmem>>, vector<1x16xf32>,
      %swap3A_1256 = vector.shape_cast %swap3A_1255 : vector<1x16xf32> to vector<16xf32>
      %swap3A_1257 = vector.shape_cast %select_n3A_1233 : vector<16xf32> to vector<1x16xf32>
      tpu.vector_store %arg6[%swap3A_1253, %swap3A_1254], %swap3A_1257 {strides = array<i32>} : memref<8x128xf32, #tpu.memory_space<vmem>>, vector<1x16xf32>,
      %div3A_1258 = arith.divf %select_n3A_1154, %add3A_1234 : vector<16xf32>
      %swap3A_1259 = arith.constant 2 : i32
      %swap3A_1260 = arith.index_cast %swap3A_1259 : i32 to index
      %swap3A_1261 = arith.constant 80 : index
      %swap3A_1262 = tpu.vector_load %arg6[%swap3A_1260, %swap3A_1261] {strides = array<i32>} : memref<8x128xf32, #tpu.memory_space<vmem>>, vector<1x16xf32>,
      %swap3A_1263 = vector.shape_cast %swap3A_1262 : vector<1x16xf32> to vector<16xf32>
      %swap3A_1264 = vector.shape_cast %div3A_1258 : vector<16xf32> to vector<1x16xf32>
      tpu.vector_store %arg6[%swap3A_1260, %swap3A_1261], %swap3A_1264 {strides = array<i32>} : memref<8x128xf32, #tpu.memory_space<vmem>>, vector<1x16xf32>,
      %div3A_1265 = arith.divf %select_n3A_1230, %add3A_1234 : vector<16xf32>
      %swap3A_1266 = arith.constant 3 : i32
      %swap3A_1267 = arith.index_cast %swap3A_1266 : i32 to index
      %swap3A_1268 = arith.constant 80 : index
      %swap3A_1269 = tpu.vector_load %arg6[%swap3A_1267, %swap3A_1268] {strides = array<i32>} : memref<8x128xf32, #tpu.memory_space<vmem>>, vector<1x16xf32>,
      %swap3A_1270 = vector.shape_cast %swap3A_1269 : vector<1x16xf32> to vector<16xf32>
      %swap3A_1271 = vector.shape_cast %div3A_1265 : vector<16xf32> to vector<1x16xf32>
      tpu.vector_store %arg6[%swap3A_1267, %swap3A_1268], %swap3A_1271 {strides = array<i32>} : memref<8x128xf32, #tpu.memory_space<vmem>>, vector<1x16xf32>,
      %swap3A_1272 = arith.constant 4 : i32
      %swap3A_1273 = arith.index_cast %swap3A_1272 : i32 to index
      %swap3A_1274 = arith.constant 80 : index
      %swap3A_1275 = tpu.vector_load %arg6[%swap3A_1273, %swap3A_1274] {strides = array<i32>} : memref<8x128xf32, #tpu.memory_space<vmem>>, vector<1x16xf32>,
      %swap3A_1276 = vector.shape_cast %swap3A_1275 : vector<1x16xf32> to vector<16xf32>
      %swap3A_1277 = vector.shape_cast %gather3A_1245 : vector<16xf32> to vector<1x16xf32>
      tpu.vector_store %arg6[%swap3A_1273, %swap3A_1274], %swap3A_1277 {strides = array<i32>} : memref<8x128xf32, #tpu.memory_space<vmem>>, vector<1x16xf32>,
      %broadcast_in_dim3A_1278 = arith.constant 0.000000e+00 : f32
      %broadcast_in_dim3A_1279 = vector.broadcast %broadcast_in_dim3A_1278 : f32 to vector<16xf32>
      %swap3A_1280 = arith.constant 5 : i32
      %swap3A_1281 = arith.index_cast %swap3A_1280 : i32 to index
      %swap3A_1282 = arith.constant 80 : index
      %swap3A_1283 = tpu.vector_load %arg6[%swap3A_1281, %swap3A_1282] {strides = array<i32>} : memref<8x128xf32, #tpu.memory_space<vmem>>, vector<1x16xf32>,
      %swap3A_1284 = vector.shape_cast %swap3A_1283 : vector<1x16xf32> to vector<16xf32>
      %swap3A_1285 = vector.shape_cast %broadcast_in_dim3A_1279 : vector<16xf32> to vector<1x16xf32>
      tpu.vector_store %arg6[%swap3A_1281, %swap3A_1282], %swap3A_1285 {strides = array<i32>} : memref<8x128xf32, #tpu.memory_space<vmem>>, vector<1x16xf32>,
      %swap3A_1286 = arith.constant 6 : i32
      %swap3A_1287 = arith.index_cast %swap3A_1286 : i32 to index
      %swap3A_1288 = arith.constant 80 : index
      %swap3A_1289 = tpu.vector_load %arg6[%swap3A_1287, %swap3A_1288] {strides = array<i32>} : memref<8x128xf32, #tpu.memory_space<vmem>>, vector<1x16xf32>,
      %swap3A_1290 = vector.shape_cast %swap3A_1289 : vector<1x16xf32> to vector<16xf32>
      %swap3A_1291 = vector.shape_cast %broadcast_in_dim3A_1279 : vector<16xf32> to vector<1x16xf32>
      tpu.vector_store %arg6[%swap3A_1287, %swap3A_1288], %swap3A_1291 {strides = array<i32>} : memref<8x128xf32, #tpu.memory_space<vmem>>, vector<1x16xf32>,
      %swap3A_1292 = arith.constant 7 : i32
      %swap3A_1293 = arith.index_cast %swap3A_1292 : i32 to index
      %swap3A_1294 = arith.constant 80 : index
      %swap3A_1295 = tpu.vector_load %arg6[%swap3A_1293, %swap3A_1294] {strides = array<i32>} : memref<8x128xf32, #tpu.memory_space<vmem>>, vector<1x16xf32>,
      %swap3A_1296 = vector.shape_cast %swap3A_1295 : vector<1x16xf32> to vector<16xf32>
      %swap3A_1297 = vector.shape_cast %broadcast_in_dim3A_1279 : vector<16xf32> to vector<1x16xf32>
      tpu.vector_store %arg6[%swap3A_1293, %swap3A_1294], %swap3A_1297 {strides = array<i32>} : memref<8x128xf32, #tpu.memory_space<vmem>>, vector<1x16xf32>,
      %get3A_1298 = arith.constant 0 : i32
      %get3A_1299 = arith.index_cast %get3A_1298 : i32 to index
      %get3A_1300 = arith.constant 96 : index
      %get3A_1301 = tpu.vector_load %arg5[%get3A_1299, %get3A_1300] {strides = array<i32>} : memref<8x128xf32, #tpu.memory_space<vmem>>, vector<1x16xf32>,
      %get3A_1302 = vector.shape_cast %get3A_1301 : vector<1x16xf32> to vector<16xf32>
      %get3A_1303 = arith.constant 1 : i32
      %get3A_1304 = arith.index_cast %get3A_1303 : i32 to index
      %get3A_1305 = arith.constant 96 : index
      %get3A_1306 = tpu.vector_load %arg5[%get3A_1304, %get3A_1305] {strides = array<i32>} : memref<8x128xf32, #tpu.memory_space<vmem>>, vector<1x16xf32>,
      %get3A_1307 = vector.shape_cast %get3A_1306 : vector<1x16xf32> to vector<16xf32>
      %get3A_1308 = arith.constant 2 : i32
      %get3A_1309 = arith.index_cast %get3A_1308 : i32 to index
      %get3A_1310 = arith.constant 96 : index
      %get3A_1311 = tpu.vector_load %arg5[%get3A_1309, %get3A_1310] {strides = array<i32>} : memref<8x128xf32, #tpu.memory_space<vmem>>, vector<1x16xf32>,
      %get3A_1312 = vector.shape_cast %get3A_1311 : vector<1x16xf32> to vector<16xf32>
      %get3A_1313 = arith.constant 3 : i32
      %get3A_1314 = arith.index_cast %get3A_1313 : i32 to index
      %get3A_1315 = arith.constant 96 : index
      %get3A_1316 = tpu.vector_load %arg5[%get3A_1314, %get3A_1315] {strides = array<i32>} : memref<8x128xf32, #tpu.memory_space<vmem>>, vector<1x16xf32>,
      %get3A_1317 = vector.shape_cast %get3A_1316 : vector<1x16xf32> to vector<16xf32>
      %get3A_1318 = arith.constant 4 : i32
      %get3A_1319 = arith.index_cast %get3A_1318 : i32 to index
      %get3A_1320 = arith.constant 96 : index
      %get3A_1321 = tpu.vector_load %arg5[%get3A_1319, %get3A_1320] {strides = array<i32>} : memref<8x128xf32, #tpu.memory_space<vmem>>, vector<1x16xf32>,
      %get3A_1322 = vector.shape_cast %get3A_1321 : vector<1x16xf32> to vector<16xf32>
      %get3A_1323 = arith.constant 5 : i32
      %get3A_1324 = arith.index_cast %get3A_1323 : i32 to index
      %get3A_1325 = arith.constant 96 : index
      %get3A_1326 = tpu.vector_load %arg5[%get3A_1324, %get3A_1325] {strides = array<i32>} : memref<8x128xf32, #tpu.memory_space<vmem>>, vector<1x16xf32>,
      %get3A_1327 = vector.shape_cast %get3A_1326 : vector<1x16xf32> to vector<16xf32>
      %get3A_1328 = arith.constant 6 : i32
      %get3A_1329 = arith.index_cast %get3A_1328 : i32 to index
      %get3A_1330 = arith.constant 96 : index
      %get3A_1331 = tpu.vector_load %arg5[%get3A_1329, %get3A_1330] {strides = array<i32>} : memref<8x128xf32, #tpu.memory_space<vmem>>, vector<1x16xf32>,
      %get3A_1332 = vector.shape_cast %get3A_1331 : vector<1x16xf32> to vector<16xf32>
      %get3A_1333 = arith.constant 7 : i32
      %get3A_1334 = arith.index_cast %get3A_1333 : i32 to index
      %get3A_1335 = arith.constant 96 : index
      %get3A_1336 = tpu.vector_load %arg5[%get3A_1334, %get3A_1335] {strides = array<i32>} : memref<8x128xf32, #tpu.memory_space<vmem>>, vector<1x16xf32>,
      %get3A_1337 = vector.shape_cast %get3A_1336 : vector<1x16xf32> to vector<16xf32>
      %broadcast_in_dim3A_1338 = arith.constant 0.000000e+00 : f32
      %broadcast_in_dim3A_1339 = vector.broadcast %broadcast_in_dim3A_1338 : f32 to vector<16xf32>
      %gt3A_1340 = arith.cmpf ogt, %get3A_1307, %get3A_1302 : vector<16xf32>
      %select_n3A_1341 = arith.select %gt3A_1340, %get3A_1307, %get3A_1302 : vector<16xi1>, vector<16xf32>
      %jit3A_1342 = arith.constant 1.000000e+00 : f32
      %broadcast_in_dim3A_1343 = vector.broadcast %jit3A_1342 : f32 to vector<16xf32>
      %select_n3A_1344 = arith.select %gt3A_1340, %broadcast_in_dim3A_1343, %broadcast_in_dim3A_1339 : vector<16xi1>, vector<16xf32>
      %gt3A_1345 = arith.cmpf ogt, %get3A_1312, %select_n3A_1341 : vector<16xf32>
      %select_n3A_1346 = arith.select %gt3A_1345, %get3A_1312, %select_n3A_1341 : vector<16xi1>, vector<16xf32>
      %jit3A_1347 = arith.constant 2.000000e+00 : f32
      %broadcast_in_dim3A_1348 = vector.broadcast %jit3A_1347 : f32 to vector<16xf32>
      %select_n3A_1349 = arith.select %gt3A_1345, %broadcast_in_dim3A_1348, %select_n3A_1344 : vector<16xi1>, vector<16xf32>
      %gt3A_1350 = arith.cmpf ogt, %get3A_1317, %select_n3A_1346 : vector<16xf32>
      %select_n3A_1351 = arith.select %gt3A_1350, %get3A_1317, %select_n3A_1346 : vector<16xi1>, vector<16xf32>
      %jit3A_1352 = arith.constant 3.000000e+00 : f32
      %broadcast_in_dim3A_1353 = vector.broadcast %jit3A_1352 : f32 to vector<16xf32>
      %select_n3A_1354 = arith.select %gt3A_1350, %broadcast_in_dim3A_1353, %select_n3A_1349 : vector<16xi1>, vector<16xf32>
      %gt3A_1355 = arith.cmpf ogt, %get3A_1322, %select_n3A_1351 : vector<16xf32>
      %select_n3A_1356 = arith.select %gt3A_1355, %get3A_1322, %select_n3A_1351 : vector<16xi1>, vector<16xf32>
      %jit3A_1357 = arith.constant 4.000000e+00 : f32
      %broadcast_in_dim3A_1358 = vector.broadcast %jit3A_1357 : f32 to vector<16xf32>
      %select_n3A_1359 = arith.select %gt3A_1355, %broadcast_in_dim3A_1358, %select_n3A_1354 : vector<16xi1>, vector<16xf32>
      %gt3A_1360 = arith.cmpf ogt, %get3A_1327, %select_n3A_1356 : vector<16xf32>
      %select_n3A_1361 = arith.select %gt3A_1360, %get3A_1327, %select_n3A_1356 : vector<16xi1>, vector<16xf32>
      %jit3A_1362 = arith.constant 5.000000e+00 : f32
      %broadcast_in_dim3A_1363 = vector.broadcast %jit3A_1362 : f32 to vector<16xf32>
      %select_n3A_1364 = arith.select %gt3A_1360, %broadcast_in_dim3A_1363, %select_n3A_1359 : vector<16xi1>, vector<16xf32>
      %gt3A_1365 = arith.cmpf ogt, %get3A_1332, %select_n3A_1361 : vector<16xf32>
      %select_n3A_1366 = arith.select %gt3A_1365, %get3A_1332, %select_n3A_1361 : vector<16xi1>, vector<16xf32>
      %jit3A_1367 = arith.constant 6.000000e+00 : f32
      %broadcast_in_dim3A_1368 = vector.broadcast %jit3A_1367 : f32 to vector<16xf32>
      %select_n3A_1369 = arith.select %gt3A_1365, %broadcast_in_dim3A_1368, %select_n3A_1364 : vector<16xi1>, vector<16xf32>
      %gt3A_1370 = arith.cmpf ogt, %get3A_1337, %select_n3A_1366 : vector<16xf32>
      %select_n3A_1371 = arith.select %gt3A_1370, %get3A_1337, %select_n3A_1366 : vector<16xi1>, vector<16xf32>
      %jit3A_1372 = arith.constant 7.000000e+00 : f32
      %broadcast_in_dim3A_1373 = vector.broadcast %jit3A_1372 : f32 to vector<16xf32>
      %select_n3A_1374 = arith.select %gt3A_1370, %broadcast_in_dim3A_1373, %select_n3A_1369 : vector<16xi1>, vector<16xf32>
      %broadcast_in_dim3A_1375 = arith.constant -1.000000e+00 : f32
      %broadcast_in_dim3A_1376 = vector.broadcast %broadcast_in_dim3A_1375 : f32 to vector<16xf32>
      %broadcast_in_dim3A_1377 = arith.constant 0.000000e+00 : f32
      %broadcast_in_dim3A_1378 = vector.broadcast %broadcast_in_dim3A_1377 : f32 to vector<16xf32>
      %ne3A_1379 = arith.constant 0.000000e+00 : f32
      %ne3A_1380 = vector.broadcast %ne3A_1379 : f32 to vector<16xf32>
      %ne3A_1381 = arith.cmpf one, %select_n3A_1374, %ne3A_1380 : vector<16xf32>
      %gt3A_1382 = arith.cmpf ogt, %get3A_1302, %broadcast_in_dim3A_1376 : vector<16xf32>
      %and3A_1383 = arith.andi %ne3A_1381, %gt3A_1382 : vector<16xi1>
      %select_n3A_1384 = arith.select %and3A_1383, %get3A_1302, %broadcast_in_dim3A_1376 : vector<16xi1>, vector<16xf32>
      %jit3A_1385 = arith.constant 0.000000e+00 : f32
      %broadcast_in_dim3A_1386 = vector.broadcast %jit3A_1385 : f32 to vector<16xf32>
      %select_n3A_1387 = arith.select %and3A_1383, %broadcast_in_dim3A_1386, %broadcast_in_dim3A_1378 : vector<16xi1>, vector<16xf32>
      %ne3A_1388 = arith.constant 1.000000e+00 : f32
      %ne3A_1389 = vector.broadcast %ne3A_1388 : f32 to vector<16xf32>
      %ne3A_1390 = arith.cmpf one, %select_n3A_1374, %ne3A_1389 : vector<16xf32>
      %gt3A_1391 = arith.cmpf ogt, %get3A_1307, %select_n3A_1384 : vector<16xf32>
      %and3A_1392 = arith.andi %ne3A_1390, %gt3A_1391 : vector<16xi1>
      %select_n3A_1393 = arith.select %and3A_1392, %get3A_1307, %select_n3A_1384 : vector<16xi1>, vector<16xf32>
      %jit3A_1394 = arith.constant 1.000000e+00 : f32
      %broadcast_in_dim3A_1395 = vector.broadcast %jit3A_1394 : f32 to vector<16xf32>
      %select_n3A_1396 = arith.select %and3A_1392, %broadcast_in_dim3A_1395, %select_n3A_1387 : vector<16xi1>, vector<16xf32>
      %ne3A_1397 = arith.constant 2.000000e+00 : f32
      %ne3A_1398 = vector.broadcast %ne3A_1397 : f32 to vector<16xf32>
      %ne3A_1399 = arith.cmpf one, %select_n3A_1374, %ne3A_1398 : vector<16xf32>
      %gt3A_1400 = arith.cmpf ogt, %get3A_1312, %select_n3A_1393 : vector<16xf32>
      %and3A_1401 = arith.andi %ne3A_1399, %gt3A_1400 : vector<16xi1>
      %select_n3A_1402 = arith.select %and3A_1401, %get3A_1312, %select_n3A_1393 : vector<16xi1>, vector<16xf32>
      %jit3A_1403 = arith.constant 2.000000e+00 : f32
      %broadcast_in_dim3A_1404 = vector.broadcast %jit3A_1403 : f32 to vector<16xf32>
      %select_n3A_1405 = arith.select %and3A_1401, %broadcast_in_dim3A_1404, %select_n3A_1396 : vector<16xi1>, vector<16xf32>
      %ne3A_1406 = arith.constant 3.000000e+00 : f32
      %ne3A_1407 = vector.broadcast %ne3A_1406 : f32 to vector<16xf32>
      %ne3A_1408 = arith.cmpf one, %select_n3A_1374, %ne3A_1407 : vector<16xf32>
      %gt3A_1409 = arith.cmpf ogt, %get3A_1317, %select_n3A_1402 : vector<16xf32>
      %and3A_1410 = arith.andi %ne3A_1408, %gt3A_1409 : vector<16xi1>
      %select_n3A_1411 = arith.select %and3A_1410, %get3A_1317, %select_n3A_1402 : vector<16xi1>, vector<16xf32>
      %jit3A_1412 = arith.constant 3.000000e+00 : f32
      %broadcast_in_dim3A_1413 = vector.broadcast %jit3A_1412 : f32 to vector<16xf32>
      %select_n3A_1414 = arith.select %and3A_1410, %broadcast_in_dim3A_1413, %select_n3A_1405 : vector<16xi1>, vector<16xf32>
      %ne3A_1415 = arith.constant 4.000000e+00 : f32
      %ne3A_1416 = vector.broadcast %ne3A_1415 : f32 to vector<16xf32>
      %ne3A_1417 = arith.cmpf one, %select_n3A_1374, %ne3A_1416 : vector<16xf32>
      %gt3A_1418 = arith.cmpf ogt, %get3A_1322, %select_n3A_1411 : vector<16xf32>
      %and3A_1419 = arith.andi %ne3A_1417, %gt3A_1418 : vector<16xi1>
      %select_n3A_1420 = arith.select %and3A_1419, %get3A_1322, %select_n3A_1411 : vector<16xi1>, vector<16xf32>
      %jit3A_1421 = arith.constant 4.000000e+00 : f32
      %broadcast_in_dim3A_1422 = vector.broadcast %jit3A_1421 : f32 to vector<16xf32>
      %select_n3A_1423 = arith.select %and3A_1419, %broadcast_in_dim3A_1422, %select_n3A_1414 : vector<16xi1>, vector<16xf32>
      %ne3A_1424 = arith.constant 5.000000e+00 : f32
      %ne3A_1425 = vector.broadcast %ne3A_1424 : f32 to vector<16xf32>
      %ne3A_1426 = arith.cmpf one, %select_n3A_1374, %ne3A_1425 : vector<16xf32>
      %gt3A_1427 = arith.cmpf ogt, %get3A_1327, %select_n3A_1420 : vector<16xf32>
      %and3A_1428 = arith.andi %ne3A_1426, %gt3A_1427 : vector<16xi1>
      %select_n3A_1429 = arith.select %and3A_1428, %get3A_1327, %select_n3A_1420 : vector<16xi1>, vector<16xf32>
      %jit3A_1430 = arith.constant 5.000000e+00 : f32
      %broadcast_in_dim3A_1431 = vector.broadcast %jit3A_1430 : f32 to vector<16xf32>
      %select_n3A_1432 = arith.select %and3A_1428, %broadcast_in_dim3A_1431, %select_n3A_1423 : vector<16xi1>, vector<16xf32>
      %ne3A_1433 = arith.constant 6.000000e+00 : f32
      %ne3A_1434 = vector.broadcast %ne3A_1433 : f32 to vector<16xf32>
      %ne3A_1435 = arith.cmpf one, %select_n3A_1374, %ne3A_1434 : vector<16xf32>
      %gt3A_1436 = arith.cmpf ogt, %get3A_1332, %select_n3A_1429 : vector<16xf32>
      %and3A_1437 = arith.andi %ne3A_1435, %gt3A_1436 : vector<16xi1>
      %select_n3A_1438 = arith.select %and3A_1437, %get3A_1332, %select_n3A_1429 : vector<16xi1>, vector<16xf32>
      %jit3A_1439 = arith.constant 6.000000e+00 : f32
      %broadcast_in_dim3A_1440 = vector.broadcast %jit3A_1439 : f32 to vector<16xf32>
      %select_n3A_1441 = arith.select %and3A_1437, %broadcast_in_dim3A_1440, %select_n3A_1432 : vector<16xi1>, vector<16xf32>
      %ne3A_1442 = arith.constant 7.000000e+00 : f32
      %ne3A_1443 = vector.broadcast %ne3A_1442 : f32 to vector<16xf32>
      %ne3A_1444 = arith.cmpf one, %select_n3A_1374, %ne3A_1443 : vector<16xf32>
      %gt3A_1445 = arith.cmpf ogt, %get3A_1337, %select_n3A_1438 : vector<16xf32>
      %and3A_1446 = arith.andi %ne3A_1444, %gt3A_1445 : vector<16xi1>
      %select_n3A_1447 = arith.select %and3A_1446, %get3A_1337, %select_n3A_1438 : vector<16xi1>, vector<16xf32>
      %jit3A_1448 = arith.constant 7.000000e+00 : f32
      %broadcast_in_dim3A_1449 = vector.broadcast %jit3A_1448 : f32 to vector<16xf32>
      %select_n3A_1450 = arith.select %and3A_1446, %broadcast_in_dim3A_1449, %select_n3A_1441 : vector<16xi1>, vector<16xf32>
      %add3A_1451 = arith.addf %select_n3A_1371, %select_n3A_1447 : vector<16xf32>
      %convert_element_type3A_1452 = arith.fptosi %select_n3A_1450 : vector<16xf32> to vector<16xi32>
      %lt3A_1453 = arith.constant 0 : i32
      %lt3A_1454 = vector.broadcast %lt3A_1453 : i32 to vector<16xi32>
      %lt3A_1455 = arith.cmpi slt, %convert_element_type3A_1452, %lt3A_1454 : vector<16xi32>
      %add3A_1456 = arith.constant 16 : i32
      %add3A_1457 = vector.broadcast %add3A_1456 : i32 to vector<16xi32>
      %add3A_1458 = arith.addi %convert_element_type3A_1452, %add3A_1457 : vector<16xi32>
      %select_n3A_1459 = arith.select %lt3A_1455, %add3A_1458, %convert_element_type3A_1452 : vector<16xi1>, vector<16xi32>
      %broadcast_in_dim3A_1460 = vector.shape_cast %select_n3A_1459 : vector<16xi32> to vector<16x1xi32>
      %gather3A_1461 = vector.shape_cast %broadcast_in_dim3A_1460 : vector<16x1xi32> to vector<16xi32>
      %gather3A_1462 = tpu.dynamic_gather %get3A_4[%gather3A_1461] in [0] : vector<16xf32>, vector<16xi32> -> vector<16xf32>
      %swap3A_1463 = arith.constant 0 : i32
      %swap3A_1464 = arith.index_cast %swap3A_1463 : i32 to index
      %swap3A_1465 = arith.constant 96 : index
      %swap3A_1466 = tpu.vector_load %arg6[%swap3A_1464, %swap3A_1465] {strides = array<i32>} : memref<8x128xf32, #tpu.memory_space<vmem>>, vector<1x16xf32>,
      %swap3A_1467 = vector.shape_cast %swap3A_1466 : vector<1x16xf32> to vector<16xf32>
      %swap3A_1468 = vector.shape_cast %select_n3A_1374 : vector<16xf32> to vector<1x16xf32>
      tpu.vector_store %arg6[%swap3A_1464, %swap3A_1465], %swap3A_1468 {strides = array<i32>} : memref<8x128xf32, #tpu.memory_space<vmem>>, vector<1x16xf32>,
      %swap3A_1469 = arith.constant 1 : i32
      %swap3A_1470 = arith.index_cast %swap3A_1469 : i32 to index
      %swap3A_1471 = arith.constant 96 : index
      %swap3A_1472 = tpu.vector_load %arg6[%swap3A_1470, %swap3A_1471] {strides = array<i32>} : memref<8x128xf32, #tpu.memory_space<vmem>>, vector<1x16xf32>,
      %swap3A_1473 = vector.shape_cast %swap3A_1472 : vector<1x16xf32> to vector<16xf32>
      %swap3A_1474 = vector.shape_cast %select_n3A_1450 : vector<16xf32> to vector<1x16xf32>
      tpu.vector_store %arg6[%swap3A_1470, %swap3A_1471], %swap3A_1474 {strides = array<i32>} : memref<8x128xf32, #tpu.memory_space<vmem>>, vector<1x16xf32>,
      %div3A_1475 = arith.divf %select_n3A_1371, %add3A_1451 : vector<16xf32>
      %swap3A_1476 = arith.constant 2 : i32
      %swap3A_1477 = arith.index_cast %swap3A_1476 : i32 to index
      %swap3A_1478 = arith.constant 96 : index
      %swap3A_1479 = tpu.vector_load %arg6[%swap3A_1477, %swap3A_1478] {strides = array<i32>} : memref<8x128xf32, #tpu.memory_space<vmem>>, vector<1x16xf32>,
      %swap3A_1480 = vector.shape_cast %swap3A_1479 : vector<1x16xf32> to vector<16xf32>
      %swap3A_1481 = vector.shape_cast %div3A_1475 : vector<16xf32> to vector<1x16xf32>
      tpu.vector_store %arg6[%swap3A_1477, %swap3A_1478], %swap3A_1481 {strides = array<i32>} : memref<8x128xf32, #tpu.memory_space<vmem>>, vector<1x16xf32>,
      %div3A_1482 = arith.divf %select_n3A_1447, %add3A_1451 : vector<16xf32>
      %swap3A_1483 = arith.constant 3 : i32
      %swap3A_1484 = arith.index_cast %swap3A_1483 : i32 to index
      %swap3A_1485 = arith.constant 96 : index
      %swap3A_1486 = tpu.vector_load %arg6[%swap3A_1484, %swap3A_1485] {strides = array<i32>} : memref<8x128xf32, #tpu.memory_space<vmem>>, vector<1x16xf32>,
      %swap3A_1487 = vector.shape_cast %swap3A_1486 : vector<1x16xf32> to vector<16xf32>
      %swap3A_1488 = vector.shape_cast %div3A_1482 : vector<16xf32> to vector<1x16xf32>
      tpu.vector_store %arg6[%swap3A_1484, %swap3A_1485], %swap3A_1488 {strides = array<i32>} : memref<8x128xf32, #tpu.memory_space<vmem>>, vector<1x16xf32>,
      %swap3A_1489 = arith.constant 4 : i32
      %swap3A_1490 = arith.index_cast %swap3A_1489 : i32 to index
      %swap3A_1491 = arith.constant 96 : index
      %swap3A_1492 = tpu.vector_load %arg6[%swap3A_1490, %swap3A_1491] {strides = array<i32>} : memref<8x128xf32, #tpu.memory_space<vmem>>, vector<1x16xf32>,
      %swap3A_1493 = vector.shape_cast %swap3A_1492 : vector<1x16xf32> to vector<16xf32>
      %swap3A_1494 = vector.shape_cast %gather3A_1462 : vector<16xf32> to vector<1x16xf32>
      tpu.vector_store %arg6[%swap3A_1490, %swap3A_1491], %swap3A_1494 {strides = array<i32>} : memref<8x128xf32, #tpu.memory_space<vmem>>, vector<1x16xf32>,
      %broadcast_in_dim3A_1495 = arith.constant 0.000000e+00 : f32
      %broadcast_in_dim3A_1496 = vector.broadcast %broadcast_in_dim3A_1495 : f32 to vector<16xf32>
      %swap3A_1497 = arith.constant 5 : i32
      %swap3A_1498 = arith.index_cast %swap3A_1497 : i32 to index
      %swap3A_1499 = arith.constant 96 : index
      %swap3A_1500 = tpu.vector_load %arg6[%swap3A_1498, %swap3A_1499] {strides = array<i32>} : memref<8x128xf32, #tpu.memory_space<vmem>>, vector<1x16xf32>,
      %swap3A_1501 = vector.shape_cast %swap3A_1500 : vector<1x16xf32> to vector<16xf32>
      %swap3A_1502 = vector.shape_cast %broadcast_in_dim3A_1496 : vector<16xf32> to vector<1x16xf32>
      tpu.vector_store %arg6[%swap3A_1498, %swap3A_1499], %swap3A_1502 {strides = array<i32>} : memref<8x128xf32, #tpu.memory_space<vmem>>, vector<1x16xf32>,
      %swap3A_1503 = arith.constant 6 : i32
      %swap3A_1504 = arith.index_cast %swap3A_1503 : i32 to index
      %swap3A_1505 = arith.constant 96 : index
      %swap3A_1506 = tpu.vector_load %arg6[%swap3A_1504, %swap3A_1505] {strides = array<i32>} : memref<8x128xf32, #tpu.memory_space<vmem>>, vector<1x16xf32>,
      %swap3A_1507 = vector.shape_cast %swap3A_1506 : vector<1x16xf32> to vector<16xf32>
      %swap3A_1508 = vector.shape_cast %broadcast_in_dim3A_1496 : vector<16xf32> to vector<1x16xf32>
      tpu.vector_store %arg6[%swap3A_1504, %swap3A_1505], %swap3A_1508 {strides = array<i32>} : memref<8x128xf32, #tpu.memory_space<vmem>>, vector<1x16xf32>,
      %swap3A_1509 = arith.constant 7 : i32
      %swap3A_1510 = arith.index_cast %swap3A_1509 : i32 to index
      %swap3A_1511 = arith.constant 96 : index
      %swap3A_1512 = tpu.vector_load %arg6[%swap3A_1510, %swap3A_1511] {strides = array<i32>} : memref<8x128xf32, #tpu.memory_space<vmem>>, vector<1x16xf32>,
      %swap3A_1513 = vector.shape_cast %swap3A_1512 : vector<1x16xf32> to vector<16xf32>
      %swap3A_1514 = vector.shape_cast %broadcast_in_dim3A_1496 : vector<16xf32> to vector<1x16xf32>
      tpu.vector_store %arg6[%swap3A_1510, %swap3A_1511], %swap3A_1514 {strides = array<i32>} : memref<8x128xf32, #tpu.memory_space<vmem>>, vector<1x16xf32>,
      %get3A_1515 = arith.constant 0 : i32
      %get3A_1516 = arith.index_cast %get3A_1515 : i32 to index
      %get3A_1517 = arith.constant 112 : index
      %get3A_1518 = tpu.vector_load %arg5[%get3A_1516, %get3A_1517] {strides = array<i32>} : memref<8x128xf32, #tpu.memory_space<vmem>>, vector<1x16xf32>,
      %get3A_1519 = vector.shape_cast %get3A_1518 : vector<1x16xf32> to vector<16xf32>
      %get3A_1520 = arith.constant 1 : i32
      %get3A_1521 = arith.index_cast %get3A_1520 : i32 to index
      %get3A_1522 = arith.constant 112 : index
      %get3A_1523 = tpu.vector_load %arg5[%get3A_1521, %get3A_1522] {strides = array<i32>} : memref<8x128xf32, #tpu.memory_space<vmem>>, vector<1x16xf32>,
      %get3A_1524 = vector.shape_cast %get3A_1523 : vector<1x16xf32> to vector<16xf32>
      %get3A_1525 = arith.constant 2 : i32
      %get3A_1526 = arith.index_cast %get3A_1525 : i32 to index
      %get3A_1527 = arith.constant 112 : index
      %get3A_1528 = tpu.vector_load %arg5[%get3A_1526, %get3A_1527] {strides = array<i32>} : memref<8x128xf32, #tpu.memory_space<vmem>>, vector<1x16xf32>,
      %get3A_1529 = vector.shape_cast %get3A_1528 : vector<1x16xf32> to vector<16xf32>
      %get3A_1530 = arith.constant 3 : i32
      %get3A_1531 = arith.index_cast %get3A_1530 : i32 to index
      %get3A_1532 = arith.constant 112 : index
      %get3A_1533 = tpu.vector_load %arg5[%get3A_1531, %get3A_1532] {strides = array<i32>} : memref<8x128xf32, #tpu.memory_space<vmem>>, vector<1x16xf32>,
      %get3A_1534 = vector.shape_cast %get3A_1533 : vector<1x16xf32> to vector<16xf32>
      %get3A_1535 = arith.constant 4 : i32
      %get3A_1536 = arith.index_cast %get3A_1535 : i32 to index
      %get3A_1537 = arith.constant 112 : index
      %get3A_1538 = tpu.vector_load %arg5[%get3A_1536, %get3A_1537] {strides = array<i32>} : memref<8x128xf32, #tpu.memory_space<vmem>>, vector<1x16xf32>,
      %get3A_1539 = vector.shape_cast %get3A_1538 : vector<1x16xf32> to vector<16xf32>
      %get3A_1540 = arith.constant 5 : i32
      %get3A_1541 = arith.index_cast %get3A_1540 : i32 to index
      %get3A_1542 = arith.constant 112 : index
      %get3A_1543 = tpu.vector_load %arg5[%get3A_1541, %get3A_1542] {strides = array<i32>} : memref<8x128xf32, #tpu.memory_space<vmem>>, vector<1x16xf32>,
      %get3A_1544 = vector.shape_cast %get3A_1543 : vector<1x16xf32> to vector<16xf32>
      %get3A_1545 = arith.constant 6 : i32
      %get3A_1546 = arith.index_cast %get3A_1545 : i32 to index
      %get3A_1547 = arith.constant 112 : index
      %get3A_1548 = tpu.vector_load %arg5[%get3A_1546, %get3A_1547] {strides = array<i32>} : memref<8x128xf32, #tpu.memory_space<vmem>>, vector<1x16xf32>,
      %get3A_1549 = vector.shape_cast %get3A_1548 : vector<1x16xf32> to vector<16xf32>
      %get3A_1550 = arith.constant 7 : i32
      %get3A_1551 = arith.index_cast %get3A_1550 : i32 to index
      %get3A_1552 = arith.constant 112 : index
      %get3A_1553 = tpu.vector_load %arg5[%get3A_1551, %get3A_1552] {strides = array<i32>} : memref<8x128xf32, #tpu.memory_space<vmem>>, vector<1x16xf32>,
      %get3A_1554 = vector.shape_cast %get3A_1553 : vector<1x16xf32> to vector<16xf32>
      %broadcast_in_dim3A_1555 = arith.constant 0.000000e+00 : f32
      %broadcast_in_dim3A_1556 = vector.broadcast %broadcast_in_dim3A_1555 : f32 to vector<16xf32>
      %gt3A_1557 = arith.cmpf ogt, %get3A_1524, %get3A_1519 : vector<16xf32>
      %select_n3A_1558 = arith.select %gt3A_1557, %get3A_1524, %get3A_1519 : vector<16xi1>, vector<16xf32>
      %jit3A_1559 = arith.constant 1.000000e+00 : f32
      %broadcast_in_dim3A_1560 = vector.broadcast %jit3A_1559 : f32 to vector<16xf32>
      %select_n3A_1561 = arith.select %gt3A_1557, %broadcast_in_dim3A_1560, %broadcast_in_dim3A_1556 : vector<16xi1>, vector<16xf32>
      %gt3A_1562 = arith.cmpf ogt, %get3A_1529, %select_n3A_1558 : vector<16xf32>
      %select_n3A_1563 = arith.select %gt3A_1562, %get3A_1529, %select_n3A_1558 : vector<16xi1>, vector<16xf32>
      %jit3A_1564 = arith.constant 2.000000e+00 : f32
      %broadcast_in_dim3A_1565 = vector.broadcast %jit3A_1564 : f32 to vector<16xf32>
      %select_n3A_1566 = arith.select %gt3A_1562, %broadcast_in_dim3A_1565, %select_n3A_1561 : vector<16xi1>, vector<16xf32>
      %gt3A_1567 = arith.cmpf ogt, %get3A_1534, %select_n3A_1563 : vector<16xf32>
      %select_n3A_1568 = arith.select %gt3A_1567, %get3A_1534, %select_n3A_1563 : vector<16xi1>, vector<16xf32>
      %jit3A_1569 = arith.constant 3.000000e+00 : f32
      %broadcast_in_dim3A_1570 = vector.broadcast %jit3A_1569 : f32 to vector<16xf32>
      %select_n3A_1571 = arith.select %gt3A_1567, %broadcast_in_dim3A_1570, %select_n3A_1566 : vector<16xi1>, vector<16xf32>
      %gt3A_1572 = arith.cmpf ogt, %get3A_1539, %select_n3A_1568 : vector<16xf32>
      %select_n3A_1573 = arith.select %gt3A_1572, %get3A_1539, %select_n3A_1568 : vector<16xi1>, vector<16xf32>
      %jit3A_1574 = arith.constant 4.000000e+00 : f32
      %broadcast_in_dim3A_1575 = vector.broadcast %jit3A_1574 : f32 to vector<16xf32>
      %select_n3A_1576 = arith.select %gt3A_1572, %broadcast_in_dim3A_1575, %select_n3A_1571 : vector<16xi1>, vector<16xf32>
      %gt3A_1577 = arith.cmpf ogt, %get3A_1544, %select_n3A_1573 : vector<16xf32>
      %select_n3A_1578 = arith.select %gt3A_1577, %get3A_1544, %select_n3A_1573 : vector<16xi1>, vector<16xf32>
      %jit3A_1579 = arith.constant 5.000000e+00 : f32
      %broadcast_in_dim3A_1580 = vector.broadcast %jit3A_1579 : f32 to vector<16xf32>
      %select_n3A_1581 = arith.select %gt3A_1577, %broadcast_in_dim3A_1580, %select_n3A_1576 : vector<16xi1>, vector<16xf32>
      %gt3A_1582 = arith.cmpf ogt, %get3A_1549, %select_n3A_1578 : vector<16xf32>
      %select_n3A_1583 = arith.select %gt3A_1582, %get3A_1549, %select_n3A_1578 : vector<16xi1>, vector<16xf32>
      %jit3A_1584 = arith.constant 6.000000e+00 : f32
      %broadcast_in_dim3A_1585 = vector.broadcast %jit3A_1584 : f32 to vector<16xf32>
      %select_n3A_1586 = arith.select %gt3A_1582, %broadcast_in_dim3A_1585, %select_n3A_1581 : vector<16xi1>, vector<16xf32>
      %gt3A_1587 = arith.cmpf ogt, %get3A_1554, %select_n3A_1583 : vector<16xf32>
      %select_n3A_1588 = arith.select %gt3A_1587, %get3A_1554, %select_n3A_1583 : vector<16xi1>, vector<16xf32>
      %jit3A_1589 = arith.constant 7.000000e+00 : f32
      %broadcast_in_dim3A_1590 = vector.broadcast %jit3A_1589 : f32 to vector<16xf32>
      %select_n3A_1591 = arith.select %gt3A_1587, %broadcast_in_dim3A_1590, %select_n3A_1586 : vector<16xi1>, vector<16xf32>
      %broadcast_in_dim3A_1592 = arith.constant -1.000000e+00 : f32
      %broadcast_in_dim3A_1593 = vector.broadcast %broadcast_in_dim3A_1592 : f32 to vector<16xf32>
      %broadcast_in_dim3A_1594 = arith.constant 0.000000e+00 : f32
      %broadcast_in_dim3A_1595 = vector.broadcast %broadcast_in_dim3A_1594 : f32 to vector<16xf32>
      %ne3A_1596 = arith.constant 0.000000e+00 : f32
      %ne3A_1597 = vector.broadcast %ne3A_1596 : f32 to vector<16xf32>
      %ne3A_1598 = arith.cmpf one, %select_n3A_1591, %ne3A_1597 : vector<16xf32>
      %gt3A_1599 = arith.cmpf ogt, %get3A_1519, %broadcast_in_dim3A_1593 : vector<16xf32>
      %and3A_1600 = arith.andi %ne3A_1598, %gt3A_1599 : vector<16xi1>
      %select_n3A_1601 = arith.select %and3A_1600, %get3A_1519, %broadcast_in_dim3A_1593 : vector<16xi1>, vector<16xf32>
      %jit3A_1602 = arith.constant 0.000000e+00 : f32
      %broadcast_in_dim3A_1603 = vector.broadcast %jit3A_1602 : f32 to vector<16xf32>
      %select_n3A_1604 = arith.select %and3A_1600, %broadcast_in_dim3A_1603, %broadcast_in_dim3A_1595 : vector<16xi1>, vector<16xf32>
      %ne3A_1605 = arith.constant 1.000000e+00 : f32
      %ne3A_1606 = vector.broadcast %ne3A_1605 : f32 to vector<16xf32>
      %ne3A_1607 = arith.cmpf one, %select_n3A_1591, %ne3A_1606 : vector<16xf32>
      %gt3A_1608 = arith.cmpf ogt, %get3A_1524, %select_n3A_1601 : vector<16xf32>
      %and3A_1609 = arith.andi %ne3A_1607, %gt3A_1608 : vector<16xi1>
      %select_n3A_1610 = arith.select %and3A_1609, %get3A_1524, %select_n3A_1601 : vector<16xi1>, vector<16xf32>
      %jit3A_1611 = arith.constant 1.000000e+00 : f32
      %broadcast_in_dim3A_1612 = vector.broadcast %jit3A_1611 : f32 to vector<16xf32>
      %select_n3A_1613 = arith.select %and3A_1609, %broadcast_in_dim3A_1612, %select_n3A_1604 : vector<16xi1>, vector<16xf32>
      %ne3A_1614 = arith.constant 2.000000e+00 : f32
      %ne3A_1615 = vector.broadcast %ne3A_1614 : f32 to vector<16xf32>
      %ne3A_1616 = arith.cmpf one, %select_n3A_1591, %ne3A_1615 : vector<16xf32>
      %gt3A_1617 = arith.cmpf ogt, %get3A_1529, %select_n3A_1610 : vector<16xf32>
      %and3A_1618 = arith.andi %ne3A_1616, %gt3A_1617 : vector<16xi1>
      %select_n3A_1619 = arith.select %and3A_1618, %get3A_1529, %select_n3A_1610 : vector<16xi1>, vector<16xf32>
      %jit3A_1620 = arith.constant 2.000000e+00 : f32
      %broadcast_in_dim3A_1621 = vector.broadcast %jit3A_1620 : f32 to vector<16xf32>
      %select_n3A_1622 = arith.select %and3A_1618, %broadcast_in_dim3A_1621, %select_n3A_1613 : vector<16xi1>, vector<16xf32>
      %ne3A_1623 = arith.constant 3.000000e+00 : f32
      %ne3A_1624 = vector.broadcast %ne3A_1623 : f32 to vector<16xf32>
      %ne3A_1625 = arith.cmpf one, %select_n3A_1591, %ne3A_1624 : vector<16xf32>
      %gt3A_1626 = arith.cmpf ogt, %get3A_1534, %select_n3A_1619 : vector<16xf32>
      %and3A_1627 = arith.andi %ne3A_1625, %gt3A_1626 : vector<16xi1>
      %select_n3A_1628 = arith.select %and3A_1627, %get3A_1534, %select_n3A_1619 : vector<16xi1>, vector<16xf32>
      %jit3A_1629 = arith.constant 3.000000e+00 : f32
      %broadcast_in_dim3A_1630 = vector.broadcast %jit3A_1629 : f32 to vector<16xf32>
      %select_n3A_1631 = arith.select %and3A_1627, %broadcast_in_dim3A_1630, %select_n3A_1622 : vector<16xi1>, vector<16xf32>
      %ne3A_1632 = arith.constant 4.000000e+00 : f32
      %ne3A_1633 = vector.broadcast %ne3A_1632 : f32 to vector<16xf32>
      %ne3A_1634 = arith.cmpf one, %select_n3A_1591, %ne3A_1633 : vector<16xf32>
      %gt3A_1635 = arith.cmpf ogt, %get3A_1539, %select_n3A_1628 : vector<16xf32>
      %and3A_1636 = arith.andi %ne3A_1634, %gt3A_1635 : vector<16xi1>
      %select_n3A_1637 = arith.select %and3A_1636, %get3A_1539, %select_n3A_1628 : vector<16xi1>, vector<16xf32>
      %jit3A_1638 = arith.constant 4.000000e+00 : f32
      %broadcast_in_dim3A_1639 = vector.broadcast %jit3A_1638 : f32 to vector<16xf32>
      %select_n3A_1640 = arith.select %and3A_1636, %broadcast_in_dim3A_1639, %select_n3A_1631 : vector<16xi1>, vector<16xf32>
      %ne3A_1641 = arith.constant 5.000000e+00 : f32
      %ne3A_1642 = vector.broadcast %ne3A_1641 : f32 to vector<16xf32>
      %ne3A_1643 = arith.cmpf one, %select_n3A_1591, %ne3A_1642 : vector<16xf32>
      %gt3A_1644 = arith.cmpf ogt, %get3A_1544, %select_n3A_1637 : vector<16xf32>
      %and3A_1645 = arith.andi %ne3A_1643, %gt3A_1644 : vector<16xi1>
      %select_n3A_1646 = arith.select %and3A_1645, %get3A_1544, %select_n3A_1637 : vector<16xi1>, vector<16xf32>
      %jit3A_1647 = arith.constant 5.000000e+00 : f32
      %broadcast_in_dim3A_1648 = vector.broadcast %jit3A_1647 : f32 to vector<16xf32>
      %select_n3A_1649 = arith.select %and3A_1645, %broadcast_in_dim3A_1648, %select_n3A_1640 : vector<16xi1>, vector<16xf32>
      %ne3A_1650 = arith.constant 6.000000e+00 : f32
      %ne3A_1651 = vector.broadcast %ne3A_1650 : f32 to vector<16xf32>
      %ne3A_1652 = arith.cmpf one, %select_n3A_1591, %ne3A_1651 : vector<16xf32>
      %gt3A_1653 = arith.cmpf ogt, %get3A_1549, %select_n3A_1646 : vector<16xf32>
      %and3A_1654 = arith.andi %ne3A_1652, %gt3A_1653 : vector<16xi1>
      %select_n3A_1655 = arith.select %and3A_1654, %get3A_1549, %select_n3A_1646 : vector<16xi1>, vector<16xf32>
      %jit3A_1656 = arith.constant 6.000000e+00 : f32
      %broadcast_in_dim3A_1657 = vector.broadcast %jit3A_1656 : f32 to vector<16xf32>
      %select_n3A_1658 = arith.select %and3A_1654, %broadcast_in_dim3A_1657, %select_n3A_1649 : vector<16xi1>, vector<16xf32>
      %ne3A_1659 = arith.constant 7.000000e+00 : f32
      %ne3A_1660 = vector.broadcast %ne3A_1659 : f32 to vector<16xf32>
      %ne3A_1661 = arith.cmpf one, %select_n3A_1591, %ne3A_1660 : vector<16xf32>
      %gt3A_1662 = arith.cmpf ogt, %get3A_1554, %select_n3A_1655 : vector<16xf32>
      %and3A_1663 = arith.andi %ne3A_1661, %gt3A_1662 : vector<16xi1>
      %select_n3A_1664 = arith.select %and3A_1663, %get3A_1554, %select_n3A_1655 : vector<16xi1>, vector<16xf32>
      %jit3A_1665 = arith.constant 7.000000e+00 : f32
      %broadcast_in_dim3A_1666 = vector.broadcast %jit3A_1665 : f32 to vector<16xf32>
      %select_n3A_1667 = arith.select %and3A_1663, %broadcast_in_dim3A_1666, %select_n3A_1658 : vector<16xi1>, vector<16xf32>
      %add3A_1668 = arith.addf %select_n3A_1588, %select_n3A_1664 : vector<16xf32>
      %convert_element_type3A_1669 = arith.fptosi %select_n3A_1667 : vector<16xf32> to vector<16xi32>
      %lt3A_1670 = arith.constant 0 : i32
      %lt3A_1671 = vector.broadcast %lt3A_1670 : i32 to vector<16xi32>
      %lt3A_1672 = arith.cmpi slt, %convert_element_type3A_1669, %lt3A_1671 : vector<16xi32>
      %add3A_1673 = arith.constant 16 : i32
      %add3A_1674 = vector.broadcast %add3A_1673 : i32 to vector<16xi32>
      %add3A_1675 = arith.addi %convert_element_type3A_1669, %add3A_1674 : vector<16xi32>
      %select_n3A_1676 = arith.select %lt3A_1672, %add3A_1675, %convert_element_type3A_1669 : vector<16xi1>, vector<16xi32>
      %broadcast_in_dim3A_1677 = vector.shape_cast %select_n3A_1676 : vector<16xi32> to vector<16x1xi32>
      %gather3A_1678 = vector.shape_cast %broadcast_in_dim3A_1677 : vector<16x1xi32> to vector<16xi32>
      %gather3A_1679 = tpu.dynamic_gather %get3A_4[%gather3A_1678] in [0] : vector<16xf32>, vector<16xi32> -> vector<16xf32>
      %swap3A_1680 = arith.constant 0 : i32
      %swap3A_1681 = arith.index_cast %swap3A_1680 : i32 to index
      %swap3A_1682 = arith.constant 112 : index
      %swap3A_1683 = tpu.vector_load %arg6[%swap3A_1681, %swap3A_1682] {strides = array<i32>} : memref<8x128xf32, #tpu.memory_space<vmem>>, vector<1x16xf32>,
      %swap3A_1684 = vector.shape_cast %swap3A_1683 : vector<1x16xf32> to vector<16xf32>
      %swap3A_1685 = vector.shape_cast %select_n3A_1591 : vector<16xf32> to vector<1x16xf32>
      tpu.vector_store %arg6[%swap3A_1681, %swap3A_1682], %swap3A_1685 {strides = array<i32>} : memref<8x128xf32, #tpu.memory_space<vmem>>, vector<1x16xf32>,
      %swap3A_1686 = arith.constant 1 : i32
      %swap3A_1687 = arith.index_cast %swap3A_1686 : i32 to index
      %swap3A_1688 = arith.constant 112 : index
      %swap3A_1689 = tpu.vector_load %arg6[%swap3A_1687, %swap3A_1688] {strides = array<i32>} : memref<8x128xf32, #tpu.memory_space<vmem>>, vector<1x16xf32>,
      %swap3A_1690 = vector.shape_cast %swap3A_1689 : vector<1x16xf32> to vector<16xf32>
      %swap3A_1691 = vector.shape_cast %select_n3A_1667 : vector<16xf32> to vector<1x16xf32>
      tpu.vector_store %arg6[%swap3A_1687, %swap3A_1688], %swap3A_1691 {strides = array<i32>} : memref<8x128xf32, #tpu.memory_space<vmem>>, vector<1x16xf32>,
      %div3A_1692 = arith.divf %select_n3A_1588, %add3A_1668 : vector<16xf32>
      %swap3A_1693 = arith.constant 2 : i32
      %swap3A_1694 = arith.index_cast %swap3A_1693 : i32 to index
      %swap3A_1695 = arith.constant 112 : index
      %swap3A_1696 = tpu.vector_load %arg6[%swap3A_1694, %swap3A_1695] {strides = array<i32>} : memref<8x128xf32, #tpu.memory_space<vmem>>, vector<1x16xf32>,
      %swap3A_1697 = vector.shape_cast %swap3A_1696 : vector<1x16xf32> to vector<16xf32>
      %swap3A_1698 = vector.shape_cast %div3A_1692 : vector<16xf32> to vector<1x16xf32>
      tpu.vector_store %arg6[%swap3A_1694, %swap3A_1695], %swap3A_1698 {strides = array<i32>} : memref<8x128xf32, #tpu.memory_space<vmem>>, vector<1x16xf32>,
      %div3A_1699 = arith.divf %select_n3A_1664, %add3A_1668 : vector<16xf32>
      %swap3A_1700 = arith.constant 3 : i32
      %swap3A_1701 = arith.index_cast %swap3A_1700 : i32 to index
      %swap3A_1702 = arith.constant 112 : index
      %swap3A_1703 = tpu.vector_load %arg6[%swap3A_1701, %swap3A_1702] {strides = array<i32>} : memref<8x128xf32, #tpu.memory_space<vmem>>, vector<1x16xf32>,
      %swap3A_1704 = vector.shape_cast %swap3A_1703 : vector<1x16xf32> to vector<16xf32>
      %swap3A_1705 = vector.shape_cast %div3A_1699 : vector<16xf32> to vector<1x16xf32>
      tpu.vector_store %arg6[%swap3A_1701, %swap3A_1702], %swap3A_1705 {strides = array<i32>} : memref<8x128xf32, #tpu.memory_space<vmem>>, vector<1x16xf32>,
      %swap3A_1706 = arith.constant 4 : i32
      %swap3A_1707 = arith.index_cast %swap3A_1706 : i32 to index
      %swap3A_1708 = arith.constant 112 : index
      %swap3A_1709 = tpu.vector_load %arg6[%swap3A_1707, %swap3A_1708] {strides = array<i32>} : memref<8x128xf32, #tpu.memory_space<vmem>>, vector<1x16xf32>,
      %swap3A_1710 = vector.shape_cast %swap3A_1709 : vector<1x16xf32> to vector<16xf32>
      %swap3A_1711 = vector.shape_cast %gather3A_1679 : vector<16xf32> to vector<1x16xf32>
      tpu.vector_store %arg6[%swap3A_1707, %swap3A_1708], %swap3A_1711 {strides = array<i32>} : memref<8x128xf32, #tpu.memory_space<vmem>>, vector<1x16xf32>,
      %broadcast_in_dim3A_1712 = arith.constant 0.000000e+00 : f32
      %broadcast_in_dim3A_1713 = vector.broadcast %broadcast_in_dim3A_1712 : f32 to vector<16xf32>
      %swap3A_1714 = arith.constant 5 : i32
      %swap3A_1715 = arith.index_cast %swap3A_1714 : i32 to index
      %swap3A_1716 = arith.constant 112 : index
      %swap3A_1717 = tpu.vector_load %arg6[%swap3A_1715, %swap3A_1716] {strides = array<i32>} : memref<8x128xf32, #tpu.memory_space<vmem>>, vector<1x16xf32>,
      %swap3A_1718 = vector.shape_cast %swap3A_1717 : vector<1x16xf32> to vector<16xf32>
      %swap3A_1719 = vector.shape_cast %broadcast_in_dim3A_1713 : vector<16xf32> to vector<1x16xf32>
      tpu.vector_store %arg6[%swap3A_1715, %swap3A_1716], %swap3A_1719 {strides = array<i32>} : memref<8x128xf32, #tpu.memory_space<vmem>>, vector<1x16xf32>,
      %swap3A_1720 = arith.constant 6 : i32
      %swap3A_1721 = arith.index_cast %swap3A_1720 : i32 to index
      %swap3A_1722 = arith.constant 112 : index
      %swap3A_1723 = tpu.vector_load %arg6[%swap3A_1721, %swap3A_1722] {strides = array<i32>} : memref<8x128xf32, #tpu.memory_space<vmem>>, vector<1x16xf32>,
      %swap3A_1724 = vector.shape_cast %swap3A_1723 : vector<1x16xf32> to vector<16xf32>
      %swap3A_1725 = vector.shape_cast %broadcast_in_dim3A_1713 : vector<16xf32> to vector<1x16xf32>
      tpu.vector_store %arg6[%swap3A_1721, %swap3A_1722], %swap3A_1725 {strides = array<i32>} : memref<8x128xf32, #tpu.memory_space<vmem>>, vector<1x16xf32>,
      %swap3A_1726 = arith.constant 7 : i32
      %swap3A_1727 = arith.index_cast %swap3A_1726 : i32 to index
      %swap3A_1728 = arith.constant 112 : index
      %swap3A_1729 = tpu.vector_load %arg6[%swap3A_1727, %swap3A_1728] {strides = array<i32>} : memref<8x128xf32, #tpu.memory_space<vmem>>, vector<1x16xf32>,
      %swap3A_1730 = vector.shape_cast %swap3A_1729 : vector<1x16xf32> to vector<16xf32>
      %swap3A_1731 = vector.shape_cast %broadcast_in_dim3A_1713 : vector<16xf32> to vector<1x16xf32>
      tpu.vector_store %arg6[%swap3A_1727, %swap3A_1728], %swap3A_1731 {strides = array<i32>} : memref<8x128xf32, #tpu.memory_space<vmem>>, vector<1x16xf32>,
      "tpu.region"() ({
        %run_scoped3A_1732 = tpu.sem_alloc : memref<!tpu.dma_semaphore, #tpu.memory_space<semaphore_mem>>
        %dma_start3A = arith.constant 0 : i32
        %dma_start3A_1733 = arith.constant 0 : i32
        %dma_start3A_1734 = tpu.memref_slice %arg4[%add3A, %dma_start3A, %dma_start3A_1733] : memref<16x8x128xf32, #tpu.memory_space<hbm>> -> memref<1x8x128xf32, #tpu.memory_space<hbm>>
        %dma_start3A_1735 = tpu.memref_squeeze %dma_start3A_1734 : memref<1x8x128xf32, #tpu.memory_space<hbm>> -> memref<8x128xf32, #tpu.memory_space<hbm>>
        %dma_start3A_1736 = arith.constant 0 : i32
        %dma_start3A_1737 = arith.constant 0 : i32
        %dma_start3A_1738 = tpu.memref_slice %arg4[%add3A, %dma_start3A_1736, %dma_start3A_1737] : memref<16x8x128xf32, #tpu.memory_space<hbm>> -> memref<1x8x128xf32, #tpu.memory_space<hbm>>
        %dma_start3A_1739 = tpu.memref_squeeze %dma_start3A_1738 : memref<1x8x128xf32, #tpu.memory_space<hbm>> -> memref<8x128xf32, #tpu.memory_space<hbm>>
        tpu.enqueue_dma source(%arg6 : memref<8x128xf32, #tpu.memory_space<vmem>>) target(%dma_start3A_1739 : memref<8x128xf32, #tpu.memory_space<hbm>>) target_semaphore(%run_scoped3A_1732 : memref<!tpu.dma_semaphore, #tpu.memory_space<semaphore_mem>>)
        %dma_wait3A = arith.constant 0 : i32
        %dma_wait3A_1740 = arith.constant 0 : i32
        %dma_wait3A_1741 = tpu.memref_slice %arg4[%add3A, %dma_wait3A, %dma_wait3A_1740] : memref<16x8x128xf32, #tpu.memory_space<hbm>> -> memref<1x8x128xf32, #tpu.memory_space<hbm>>
        %dma_wait3A_1742 = tpu.memref_squeeze %dma_wait3A_1741 : memref<1x8x128xf32, #tpu.memory_space<hbm>> -> memref<8x128xf32, #tpu.memory_space<hbm>>
        %dma_wait3A_1743 = arith.constant 0 : i32
        %dma_wait3A_1744 = arith.constant 0 : i32
        %dma_wait3A_1745 = tpu.memref_slice %arg4[%add3A, %dma_wait3A_1743, %dma_wait3A_1744] : memref<16x8x128xf32, #tpu.memory_space<hbm>> -> memref<1x8x128xf32, #tpu.memory_space<hbm>>
        %dma_wait3A_1746 = tpu.memref_squeeze %dma_wait3A_1745 : memref<1x8x128xf32, #tpu.memory_space<hbm>> -> memref<8x128xf32, #tpu.memory_space<hbm>>
        tpu.wait_dma2 semaphore(%run_scoped3A_1732 : memref<!tpu.dma_semaphore, #tpu.memory_space<semaphore_mem>>) src(%arg6 : memref<8x128xf32, #tpu.memory_space<vmem>>) dst(%dma_wait3A_1746 : memref<8x128xf32, #tpu.memory_space<hbm>>)
        tpu.yield
      }) : () -> ()
    } else {
    }
    return
  }
}

module attributes {stable_mosaic.version = 14 : i64} {
  func.func @_router_body(%arg0: i32, %arg1: memref<256x1024xf32, #tpu.memory_space<vmem>>, %arg2: memref<1024x1024xf32, #tpu.memory_space<vmem>>, %arg3: memref<1x1024xf32, #tpu.memory_space<vmem>>, %arg4: memref<1024x8xf32, #tpu.memory_space<vmem>>, %arg5: memref<1x8xf32, #tpu.memory_space<vmem>>, %arg6: memref<256x8xf32, #tpu.memory_space<vmem>>, %arg7: memref<2x8x128xf32, #tpu.memory_space<vmem>>, %arg8: memref<1x16xf32, #tpu.memory_space<vmem>>, %arg9: memref<1x8xf32, #tpu.memory_space<vmem>>) attributes {dimension_semantics = [#tpu.dimension_semantics<arbitrary>], iteration_bounds = array<i64: 8>, scalar_prefetch = 0 : i64, scratch_operands = 0 : i64, tpu.core_type = #tpu.core_type<tc>, window_params = [{transform_indices = @transform_0, window_bounds = array<i64: 256, 1024>}, {pipeline_mode = #tpu.pipeline_mode<synchronous>, transform_indices = @transform_1, window_bounds = array<i64: 1024, 1024>}, {pipeline_mode = #tpu.pipeline_mode<synchronous>, transform_indices = @transform_2, window_bounds = array<i64: 1, 1024>}, {pipeline_mode = #tpu.pipeline_mode<synchronous>, transform_indices = @transform_3, window_bounds = array<i64: 1024, 8>}, {pipeline_mode = #tpu.pipeline_mode<synchronous>, transform_indices = @transform_4, window_bounds = array<i64: 1, 8>}, {transform_indices = @transform_5, window_bounds = array<i64: 256, 8>}, {transform_indices = @transform_6, window_bounds = array<i64: 2, 8, 128>}, {pipeline_mode = #tpu.pipeline_mode<synchronous>, transform_indices = @transform_7, window_bounds = array<i64: 1, 16>}, {pipeline_mode = #tpu.pipeline_mode<synchronous>, transform_indices = @transform_8, window_bounds = array<i64: 1, 8>}]} {
    %get3A = arith.constant 0 : index
    %get3A_0 = arith.constant 0 : index
    %get3A_1 = vector.load %arg1[%get3A, %get3A_0] : memref<256x1024xf32, #tpu.memory_space<vmem>>, vector<256x1024xf32>
    %get3A_2 = arith.constant 0 : index
    %get3A_3 = arith.constant 0 : index
    %get3A_4 = vector.load %arg2[%get3A_2, %get3A_3] : memref<1024x1024xf32, #tpu.memory_space<vmem>>, vector<1024x1024xf32>
    %dot_general3A = arith.constant dense<0.000000e+00> : vector<256x1024xf32>
    %dot_general3A_5 = tpu.matmul %get3A_1, %get3A_4, %dot_general3A {dimension_numbers = #tpu.dot_dimension_numbers<[1], [0], [0], [1], [0, 0, 1, 1], [], []>, transpose_lhs_hint = false} : vector<256x1024xf32>, vector<1024x1024xf32>, vector<256x1024xf32> -> vector<256x1024xf32>
    %get3A_6 = arith.constant 0 : index
    %get3A_7 = arith.constant 0 : index
    %get3A_8 = vector.load %arg3[%get3A_6, %get3A_7] : memref<1x1024xf32, #tpu.memory_space<vmem>>, vector<1x1024xf32>
    %add3A = vector.broadcast %get3A_8 : vector<1x1024xf32> to vector<256x1024xf32>
    %add3A_9 = arith.addf %dot_general3A_5, %add3A : vector<256x1024xf32>
    %max3A = arith.constant 0.000000e+00 : f32
    %max3A_10 = vector.broadcast %max3A : f32 to vector<256x1024xf32>
    %max3A_11 = arith.maximumf %add3A_9, %max3A_10 : vector<256x1024xf32>
    %get3A_12 = arith.constant 0 : index
    %get3A_13 = arith.constant 0 : index
    %get3A_14 = vector.load %arg4[%get3A_12, %get3A_13] : memref<1024x8xf32, #tpu.memory_space<vmem>>, vector<1024x8xf32>
    %dot_general3A_15 = arith.constant dense<0.000000e+00> : vector<256x8xf32>
    %dot_general3A_16 = tpu.matmul %max3A_11, %get3A_14, %dot_general3A_15 {dimension_numbers = #tpu.dot_dimension_numbers<[1], [0], [0], [1], [0, 0, 1, 1], [], []>, transpose_lhs_hint = false} : vector<256x1024xf32>, vector<1024x8xf32>, vector<256x8xf32> -> vector<256x8xf32>
    %get3A_17 = arith.constant 0 : index
    %get3A_18 = arith.constant 0 : index
    %get3A_19 = vector.load %arg5[%get3A_17, %get3A_18] : memref<1x8xf32, #tpu.memory_space<vmem>>, vector<1x8xf32>
    %add3A_20 = vector.broadcast %get3A_19 : vector<1x8xf32> to vector<256x8xf32>
    %add3A_21 = arith.addf %dot_general3A_16, %add3A_20 : vector<256x8xf32>
    %reduce_max3A = arith.constant dense<0xFF800000> : vector<256xf32>
    %reduce_max3A_22 = vector.multi_reduction <maximumf>, %add3A_21, %reduce_max3A [1] : vector<256x8xf32> to vector<256xf32>
    %broadcast_in_dim3A = vector.shape_cast %reduce_max3A_22 : vector<256xf32> to vector<256x1xf32>
    %sub3A = vector.broadcast %broadcast_in_dim3A : vector<256x1xf32> to vector<256x8xf32>
    %sub3A_23 = arith.subf %add3A_21, %sub3A : vector<256x8xf32>
    %exp3A = math.exp %sub3A_23 : vector<256x8xf32>
    %reduce_sum3A = arith.constant dense<0.000000e+00> : vector<256xf32>
    %reduce_sum3A_24 = vector.multi_reduction <add>, %exp3A, %reduce_sum3A [1] : vector<256x8xf32> to vector<256xf32>
    %broadcast_in_dim3A_25 = vector.shape_cast %reduce_sum3A_24 : vector<256xf32> to vector<256x1xf32>
    %div3A = vector.broadcast %broadcast_in_dim3A_25 : vector<256x1xf32> to vector<256x8xf32>
    %div3A_26 = arith.divf %exp3A, %div3A : vector<256x8xf32>
    %swap3A = arith.constant 0 : index
    %swap3A_27 = arith.constant 0 : index
    %swap3A_28 = vector.load %arg6[%swap3A, %swap3A_27] : memref<256x8xf32, #tpu.memory_space<vmem>>, vector<256x8xf32>
    tpu.vector_store %arg6[%swap3A, %swap3A_27], %div3A_26 {strides = array<i32>} : memref<256x8xf32, #tpu.memory_space<vmem>>, vector<256x8xf32>,
    %iota3A = tpu.iota {dimensions = array<i32: 1>} : vector<256x8xi32>
    %convert_element_type3A = arith.sitofp %iota3A : vector<256x8xi32> to vector<256x8xf32>
    %reduce_max3A_29 = arith.constant dense<0xFF800000> : vector<256xf32>
    %reduce_max3A_30 = vector.multi_reduction <maximumf>, %div3A_26, %reduce_max3A_29 [1] : vector<256x8xf32> to vector<256xf32>
    %broadcast_in_dim3A_31 = vector.shape_cast %reduce_max3A_30 : vector<256xf32> to vector<256x1xf32>
    %eq3A = vector.broadcast %broadcast_in_dim3A_31 : vector<256x1xf32> to vector<256x8xf32>
    %eq3A_32 = arith.cmpf oeq, %div3A_26, %eq3A : vector<256x8xf32>
    %jit3A = arith.constant 8.000000e+00 : f32
    %broadcast_in_dim3A_33 = vector.broadcast %jit3A : f32 to vector<256x8xf32>
    %select_n3A = arith.select %eq3A_32, %convert_element_type3A, %broadcast_in_dim3A_33 : vector<256x8xi1>, vector<256x8xf32>
    %reduce_min3A = arith.constant dense<0x7F800000> : vector<256xf32>
    %reduce_min3A_34 = vector.multi_reduction <minimumf>, %select_n3A, %reduce_min3A [1] : vector<256x8xf32> to vector<256xf32>
    %broadcast_in_dim3A_35 = vector.shape_cast %reduce_min3A_34 : vector<256xf32> to vector<256x1xf32>
    %eq3A_36 = vector.broadcast %broadcast_in_dim3A_35 : vector<256x1xf32> to vector<256x8xf32>
    %eq3A_37 = arith.cmpf oeq, %convert_element_type3A, %eq3A_36 : vector<256x8xf32>
    %convert_element_type3A_38 = arith.extui %eq3A_37 : vector<256x8xi1> to vector<256x8xi32>
    %convert_element_type3A_39 = arith.sitofp %convert_element_type3A_38 : vector<256x8xi32> to vector<256x8xf32>
    %reduce_max3A_40 = arith.constant dense<0xFF800000> : vector<8xf32>
    %reduce_max3A_41 = vector.multi_reduction <maximumf>, %convert_element_type3A_39, %reduce_max3A_40 [0] : vector<256x8xf32> to vector<8xf32>
    %broadcast_in_dim3A_42 = vector.shape_cast %reduce_max3A_41 : vector<8xf32> to vector<1x8xf32>
    %reduce_sum3A_43 = arith.constant dense<0.000000e+00> : vector<8xf32>
    %reduce_sum3A_44 = vector.multi_reduction <add>, %div3A_26, %reduce_sum3A_43 [0] : vector<256x8xf32> to vector<8xf32>
    %broadcast_in_dim3A_45 = vector.shape_cast %reduce_sum3A_44 : vector<8xf32> to vector<1x8xf32>
    %broadcast_in_dim3A_46 = arith.constant 0.000000e+00 : f32
    %broadcast_in_dim3A_47 = vector.broadcast %broadcast_in_dim3A_46 : f32 to vector<1x8xf32>
    %concatenate3A = tpu.concatenate %broadcast_in_dim3A_42, %broadcast_in_dim3A_47 in 1 : vector<1x8xf32>, vector<1x8xf32> -> vector<1x16xf32>
    %reshape3A = vector.shape_cast %div3A_26 : vector<256x8xf32> to vector<2x128x8xf32>
    %transpose3A = tpu.transpose %reshape3A, [0, 2, 1] : vector<2x128x8xf32> -> vector<2x8x128xf32>
    %swap3A_48 = arith.constant 0 : index
    %swap3A_49 = arith.constant 0 : index
    %swap3A_50 = arith.constant 0 : index
    %swap3A_51 = vector.load %arg7[%swap3A_48, %swap3A_49, %swap3A_50] : memref<2x8x128xf32, #tpu.memory_space<vmem>>, vector<2x8x128xf32>
    tpu.vector_store %arg7[%swap3A_48, %swap3A_49, %swap3A_50], %transpose3A {strides = array<i32>} : memref<2x8x128xf32, #tpu.memory_space<vmem>>, vector<2x8x128xf32>,
    %eq3A_52 = arith.constant 0 : i32
    %eq3A_53 = arith.cmpi eq, %arg0, %eq3A_52 : i32
    %convert_element_type3A_54 = arith.extui %eq3A_53 : i1 to i32
    %cond3A = arith.constant 0 : i32
    %cond3A_55 = arith.cmpi ne, %convert_element_type3A_54, %cond3A : i32
    scf.if %cond3A_55 {
      %swap3A_60 = arith.constant 0 : index
      %swap3A_61 = arith.constant 0 : index
      %swap3A_62 = vector.load %arg8[%swap3A_60, %swap3A_61] : memref<1x16xf32, #tpu.memory_space<vmem>>, vector<1x16xf32>
      tpu.vector_store %arg8[%swap3A_60, %swap3A_61], %concatenate3A {strides = array<i32>} : memref<1x16xf32, #tpu.memory_space<vmem>>, vector<1x16xf32>,
      %swap3A_63 = arith.constant 0 : index
      %swap3A_64 = arith.constant 0 : index
      %swap3A_65 = vector.load %arg9[%swap3A_63, %swap3A_64] : memref<1x8xf32, #tpu.memory_space<vmem>>, vector<1x8xf32>
      tpu.vector_store %arg9[%swap3A_63, %swap3A_64], %broadcast_in_dim3A_45 {strides = array<i32>} : memref<1x8xf32, #tpu.memory_space<vmem>>, vector<1x8xf32>,
    } else {
    }
    %gt3A = arith.constant 0 : i32
    %gt3A_56 = arith.cmpi sgt, %arg0, %gt3A : i32
    %convert_element_type3A_57 = arith.extui %gt3A_56 : i1 to i32
    %cond3A_58 = arith.constant 0 : i32
    %cond3A_59 = arith.cmpi ne, %convert_element_type3A_57, %cond3A_58 : i32
    scf.if %cond3A_59 {
      %get3A_60 = arith.constant 0 : index
      %get3A_61 = arith.constant 0 : index
      %get3A_62 = vector.load %arg8[%get3A_60, %get3A_61] : memref<1x16xf32, #tpu.memory_space<vmem>>, vector<1x16xf32>
      %max3A_63 = arith.maximumf %get3A_62, %concatenate3A : vector<1x16xf32>
      %swap3A_64 = arith.constant 0 : index
      %swap3A_65 = arith.constant 0 : index
      %swap3A_66 = vector.load %arg8[%swap3A_64, %swap3A_65] : memref<1x16xf32, #tpu.memory_space<vmem>>, vector<1x16xf32>
      tpu.vector_store %arg8[%swap3A_64, %swap3A_65], %max3A_63 {strides = array<i32>} : memref<1x16xf32, #tpu.memory_space<vmem>>, vector<1x16xf32>,
      %get3A_67 = arith.constant 0 : index
      %get3A_68 = arith.constant 0 : index
      %get3A_69 = vector.load %arg9[%get3A_67, %get3A_68] : memref<1x8xf32, #tpu.memory_space<vmem>>, vector<1x8xf32>
      %add3A_70 = arith.addf %get3A_69, %broadcast_in_dim3A_45 : vector<1x8xf32>
      %swap3A_71 = arith.constant 0 : index
      %swap3A_72 = arith.constant 0 : index
      %swap3A_73 = vector.load %arg9[%swap3A_71, %swap3A_72] : memref<1x8xf32, #tpu.memory_space<vmem>>, vector<1x8xf32>
      tpu.vector_store %arg9[%swap3A_71, %swap3A_72], %add3A_70 {strides = array<i32>} : memref<1x8xf32, #tpu.memory_space<vmem>>, vector<1x8xf32>,
    } else {
    }
    return
  }
  func.func @transform_0(%arg0: i32) -> (i32, i32) {
    %c0_i32 = arith.constant 0 : i32
    %c0_i32_0 = arith.constant 0 : i32
    return %arg0, %c0_i32 : i32, i32
  }
  func.func @transform_1(%arg0: i32) -> (i32, i32) {
    %c0_i32 = arith.constant 0 : i32
    %c0_i32_0 = arith.constant 0 : i32
    %c0_i32_1 = arith.constant 0 : i32
    return %c0_i32, %c0_i32_0 : i32, i32
  }
  func.func @transform_2(%arg0: i32) -> (i32, i32) {
    %c0_i32 = arith.constant 0 : i32
    %c0_i32_0 = arith.constant 0 : i32
    %c0_i32_1 = arith.constant 0 : i32
    return %c0_i32, %c0_i32_0 : i32, i32
  }
  func.func @transform_3(%arg0: i32) -> (i32, i32) {
    %c0_i32 = arith.constant 0 : i32
    %c0_i32_0 = arith.constant 0 : i32
    %c0_i32_1 = arith.constant 0 : i32
    return %c0_i32, %c0_i32_0 : i32, i32
  }
  func.func @transform_4(%arg0: i32) -> (i32, i32) {
    %c0_i32 = arith.constant 0 : i32
    %c0_i32_0 = arith.constant 0 : i32
    %c0_i32_1 = arith.constant 0 : i32
    return %c0_i32, %c0_i32_0 : i32, i32
  }
  func.func @transform_5(%arg0: i32) -> (i32, i32) {
    %c0_i32 = arith.constant 0 : i32
    %c0_i32_0 = arith.constant 0 : i32
    return %arg0, %c0_i32 : i32, i32
  }
  func.func @transform_6(%arg0: i32) -> (i32, i32, i32) {
    %c0_i32 = arith.constant 0 : i32
    %c0_i32_0 = arith.constant 0 : i32
    %c0_i32_1 = arith.constant 0 : i32
    return %arg0, %c0_i32, %c0_i32_0 : i32, i32, i32
  }
  func.func @transform_7(%arg0: i32) -> (i32, i32) {
    %c0_i32 = arith.constant 0 : i32
    %c0_i32_0 = arith.constant 0 : i32
    %c0_i32_1 = arith.constant 0 : i32
    return %c0_i32, %c0_i32_0 : i32, i32
  }
  func.func @transform_8(%arg0: i32) -> (i32, i32) {
    %c0_i32 = arith.constant 0 : i32
    %c0_i32_0 = arith.constant 0 : i32
    %c0_i32_1 = arith.constant 0 : i32
    return %c0_i32, %c0_i32_0 : i32, i32
  }
}

module attributes {stable_mosaic.version = 14 : i64} {
  func.func @_scatter_body(%arg0: i32, %arg1: memref<1x8x128xf32, #tpu.memory_space<vmem>>, %arg2: memref<1x8xf32, #tpu.memory_space<vmem>>, %arg3: memref<128x8x768xf32, #tpu.memory_space<vmem>>, %arg4: memref<128x8x768xf32, #tpu.memory_space<vmem>>, %arg5: memref<1x1xf32, #tpu.memory_space<vmem>>) attributes {dimension_semantics = [#tpu.dimension_semantics<arbitrary>], iteration_bounds = array<i64: 16>, scalar_prefetch = 0 : i64, scratch_operands = 0 : i64, tpu.core_type = #tpu.core_type<tc>, window_params = [{transform_indices = @transform_0, window_bounds = array<i64: 1, 8, 128>}, {pipeline_mode = #tpu.pipeline_mode<synchronous>, transform_indices = @transform_1, window_bounds = array<i64: 1, 8>}, {transform_indices = @transform_2, window_bounds = array<i64: 128, 8, 768>}, {transform_indices = @transform_3, window_bounds = array<i64: 128, 8, 768>}, {pipeline_mode = #tpu.pipeline_mode<synchronous>, transform_indices = @transform_4, window_bounds = array<i64: 1, 1>}]} {
    %get3A = arith.constant 0 : index
    %get3A_0 = arith.constant 0 : index
    %get3A_1 = arith.constant 0 : index
    %get3A_2 = vector.load %arg1[%get3A, %get3A_0, %get3A_1] : memref<1x8x128xf32, #tpu.memory_space<vmem>>, vector<1x8x128xf32>
    %get3A_3 = vector.shape_cast %get3A_2 : vector<1x8x128xf32> to vector<8x128xf32>
    %transpose3A = tpu.transpose %get3A_3, [1, 0] : vector<8x128xf32> -> vector<128x8xf32>
    %slice3A = vector.extract_strided_slice %transpose3A {offsets = [0, 0], sizes = [128, 1], strides = [1, 1]} : vector<128x8xf32> to vector<128x1xf32>
    %squeeze3A = vector.shape_cast %slice3A : vector<128x1xf32> to vector<128xf32>
    %reshape3A = vector.shape_cast %squeeze3A : vector<128xf32> to vector<128x1x1xf32>
    %slice3A_4 = vector.extract_strided_slice %transpose3A {offsets = [0, 1], sizes = [128, 1], strides = [1, 1]} : vector<128x8xf32> to vector<128x1xf32>
    %squeeze3A_5 = vector.shape_cast %slice3A_4 : vector<128x1xf32> to vector<128xf32>
    %reshape3A_6 = vector.shape_cast %squeeze3A_5 : vector<128xf32> to vector<128x1x1xf32>
    %slice3A_7 = vector.extract_strided_slice %transpose3A {offsets = [0, 2], sizes = [128, 1], strides = [1, 1]} : vector<128x8xf32> to vector<128x1xf32>
    %squeeze3A_8 = vector.shape_cast %slice3A_7 : vector<128x1xf32> to vector<128xf32>
    %reshape3A_9 = vector.shape_cast %squeeze3A_8 : vector<128xf32> to vector<128x1x1xf32>
    %slice3A_10 = vector.extract_strided_slice %transpose3A {offsets = [0, 3], sizes = [128, 1], strides = [1, 1]} : vector<128x8xf32> to vector<128x1xf32>
    %squeeze3A_11 = vector.shape_cast %slice3A_10 : vector<128x1xf32> to vector<128xf32>
    %reshape3A_12 = vector.shape_cast %squeeze3A_11 : vector<128xf32> to vector<128x1x1xf32>
    %slice3A_13 = vector.extract_strided_slice %transpose3A {offsets = [0, 4], sizes = [128, 1], strides = [1, 1]} : vector<128x8xf32> to vector<128x1xf32>
    %squeeze3A_14 = vector.shape_cast %slice3A_13 : vector<128x1xf32> to vector<128xf32>
    %reshape3A_15 = vector.shape_cast %squeeze3A_14 : vector<128xf32> to vector<128x1x1xf32>
    %iota3A = tpu.iota {dimensions = array<i32: 1>} : vector<128x8x128xi32>
    %convert_element_type3A = arith.sitofp %iota3A : vector<128x8x128xi32> to vector<128x8x128xf32>
    %iota3A_16 = tpu.iota {dimensions = array<i32: 2>} : vector<128x8x128xi32>
    %convert_element_type3A_17 = arith.sitofp %iota3A_16 : vector<128x8x128xi32> to vector<128x8x128xf32>
    %eq3A = vector.broadcast %reshape3A : vector<128x1x1xf32> to vector<128x8x128xf32>
    %eq3A_18 = arith.cmpf oeq, %convert_element_type3A, %eq3A : vector<128x8x128xf32>
    %eq3A_19 = arith.constant 0.000000e+00 : f32
    %eq3A_20 = vector.broadcast %eq3A_19 : f32 to vector<128x8x128xf32>
    %eq3A_21 = arith.cmpf oeq, %convert_element_type3A_17, %eq3A_20 : vector<128x8x128xf32>
    %and3A = arith.andi %eq3A_18, %eq3A_21 : vector<128x8x128xi1>
    %eq3A_22 = vector.broadcast %reshape3A_6 : vector<128x1x1xf32> to vector<128x8x128xf32>
    %eq3A_23 = arith.cmpf oeq, %convert_element_type3A, %eq3A_22 : vector<128x8x128xf32>
    %eq3A_24 = vector.broadcast %reshape3A_15 : vector<128x1x1xf32> to vector<128x8x128xf32>
    %eq3A_25 = arith.cmpf oeq, %convert_element_type3A_17, %eq3A_24 : vector<128x8x128xf32>
    %and3A_26 = arith.andi %eq3A_23, %eq3A_25 : vector<128x8x128xi1>
    %convert_element_type3A_27 = arith.extui %and3A : vector<128x8x128xi1> to vector<128x8x128xi32>
    %convert_element_type3A_28 = arith.sitofp %convert_element_type3A_27 : vector<128x8x128xi32> to vector<128x8x128xf32>
    %convert_element_type3A_29 = arith.extui %and3A_26 : vector<128x8x128xi1> to vector<128x8x128xi32>
    %convert_element_type3A_30 = arith.sitofp %convert_element_type3A_29 : vector<128x8x128xi32> to vector<128x8x128xf32>
    %add3A = arith.addf %convert_element_type3A_28, %convert_element_type3A_30 : vector<128x8x128xf32>
    %swap3A = arith.constant 0 : index
    %swap3A_31 = arith.constant 0 : index
    %swap3A_32 = arith.constant 0 : index
    %swap3A_33 = vector.load %arg3[%swap3A, %swap3A_31, %swap3A_32] : memref<128x8x768xf32, #tpu.memory_space<vmem>>, vector<128x8x128xf32>
    tpu.vector_store %arg3[%swap3A, %swap3A_31, %swap3A_32], %add3A {strides = array<i32>} : memref<128x8x768xf32, #tpu.memory_space<vmem>>, vector<128x8x128xf32>,
    %jit3A = arith.constant 0.000000e+00 : f32
    %broadcast_in_dim3A = vector.shape_cast %reshape3A_9 : vector<128x1x1xf32> to vector<128x1x1xf32>
    %broadcast_in_dim3A_34 = vector.broadcast %broadcast_in_dim3A : vector<128x1x1xf32> to vector<128x8x128xf32>
    %broadcast_in_dim3A_35 = vector.broadcast %jit3A : f32 to vector<128x8x128xf32>
    %select_n3A = arith.select %and3A, %broadcast_in_dim3A_34, %broadcast_in_dim3A_35 : vector<128x8x128xi1>, vector<128x8x128xf32>
    %jit3A_36 = arith.constant 0.000000e+00 : f32
    %broadcast_in_dim3A_37 = vector.shape_cast %reshape3A_12 : vector<128x1x1xf32> to vector<128x1x1xf32>
    %broadcast_in_dim3A_38 = vector.broadcast %broadcast_in_dim3A_37 : vector<128x1x1xf32> to vector<128x8x128xf32>
    %broadcast_in_dim3A_39 = vector.broadcast %jit3A_36 : f32 to vector<128x8x128xf32>
    %select_n3A_40 = arith.select %and3A_26, %broadcast_in_dim3A_38, %broadcast_in_dim3A_39 : vector<128x8x128xi1>, vector<128x8x128xf32>
    %add3A_41 = arith.addf %select_n3A, %select_n3A_40 : vector<128x8x128xf32>
    %swap3A_42 = arith.constant 0 : index
    %swap3A_43 = arith.constant 0 : index
    %swap3A_44 = arith.constant 0 : index
    %swap3A_45 = vector.load %arg4[%swap3A_42, %swap3A_43, %swap3A_44] : memref<128x8x768xf32, #tpu.memory_space<vmem>>, vector<128x8x128xf32>
    tpu.vector_store %arg4[%swap3A_42, %swap3A_43, %swap3A_44], %add3A_41 {strides = array<i32>} : memref<128x8x768xf32, #tpu.memory_space<vmem>>, vector<128x8x128xf32>,
    %broadcast_in_dim3A_46 = arith.constant 0.000000e+00 : f32
    %broadcast_in_dim3A_47 = vector.broadcast %broadcast_in_dim3A_46 : f32 to vector<128x8x640xf32>
    %swap3A_48 = arith.constant 0 : index
    %swap3A_49 = arith.constant 0 : index
    %swap3A_50 = arith.constant 128 : index
    %swap3A_51 = vector.load %arg3[%swap3A_48, %swap3A_49, %swap3A_50] : memref<128x8x768xf32, #tpu.memory_space<vmem>>, vector<128x8x640xf32>
    tpu.vector_store %arg3[%swap3A_48, %swap3A_49, %swap3A_50], %broadcast_in_dim3A_47 {strides = array<i32>} : memref<128x8x768xf32, #tpu.memory_space<vmem>>, vector<128x8x640xf32>,
    %swap3A_52 = arith.constant 0 : index
    %swap3A_53 = arith.constant 0 : index
    %swap3A_54 = arith.constant 128 : index
    %swap3A_55 = vector.load %arg4[%swap3A_52, %swap3A_53, %swap3A_54] : memref<128x8x768xf32, #tpu.memory_space<vmem>>, vector<128x8x640xf32>
    tpu.vector_store %arg4[%swap3A_52, %swap3A_53, %swap3A_54], %broadcast_in_dim3A_47 {strides = array<i32>} : memref<128x8x768xf32, #tpu.memory_space<vmem>>, vector<128x8x640xf32>,
    %eq3A_56 = arith.constant 0 : i32
    %eq3A_57 = arith.cmpi eq, %arg0, %eq3A_56 : i32
    %convert_element_type3A_58 = arith.extui %eq3A_57 : i1 to i32
    %cond3A = arith.constant 0 : i32
    %cond3A_59 = arith.cmpi ne, %convert_element_type3A_58, %cond3A : i32
    scf.if %cond3A_59 {
      %get3A_60 = arith.constant 0 : index
      %get3A_61 = arith.constant 0 : index
      %get3A_62 = vector.load %arg2[%get3A_60, %get3A_61] : memref<1x8xf32, #tpu.memory_space<vmem>>, vector<1x8xf32>
      %mul3A = arith.constant 4.8828125E-4 : f32
      %mul3A_63 = vector.broadcast %mul3A : f32 to vector<1x8xf32>
      %mul3A_64 = arith.mulf %get3A_62, %mul3A_63 : vector<1x8xf32>
      %mul3A_65 = arith.constant 8.000000e+00 : f32
      %mul3A_66 = vector.broadcast %mul3A_65 : f32 to vector<1x8xf32>
      %mul3A_67 = arith.mulf %mul3A_64, %mul3A_66 : vector<1x8xf32>
      %add3A_68 = arith.constant 9.99999971E-10 : f32
      %add3A_69 = vector.broadcast %add3A_68 : f32 to vector<1x8xf32>
      %add3A_70 = arith.addf %mul3A_67, %add3A_69 : vector<1x8xf32>
      %log3A = math.log %add3A_70 : vector<1x8xf32>
      %mul3A_71 = arith.mulf %mul3A_64, %log3A : vector<1x8xf32>
      %reduce_sum3A = vector.shape_cast %mul3A_71 : vector<1x8xf32> to vector<1x1x8xf32>
      %reduce_sum3A_72 = arith.constant dense<0.000000e+00> : vector<1xf32>
      %reduce_sum3A_73 = vector.multi_reduction <add>, %reduce_sum3A, %reduce_sum3A_72 [1, 2] : vector<1x1x8xf32> to vector<1xf32>
      %reduce_sum3A_74 = vector.shape_cast %reduce_sum3A_73 : vector<1xf32> to vector<1x1x1xf32>
      %reduce_sum3A_75 = vector.extract %reduce_sum3A_74[0, 0, 0] : f32 from vector<1x1x1xf32>
      %reshape3A_76 = vector.broadcast %reduce_sum3A_75 : f32 to vector<1x1xf32>
      %swap3A_77 = arith.constant 0 : index
      %swap3A_78 = arith.constant 0 : index
      %swap3A_79 = vector.load %arg5[%swap3A_77, %swap3A_78] : memref<1x1xf32, #tpu.memory_space<vmem>>, vector<1x1xf32>
      tpu.vector_store %arg5[%swap3A_77, %swap3A_78], %reshape3A_76 {strides = array<i32>} : memref<1x1xf32, #tpu.memory_space<vmem>>, vector<1x1xf32>,
    } else {
    }
    return
  }
  func.func @transform_0(%arg0: i32) -> (i32, i32, i32) {
    %c0_i32 = arith.constant 0 : i32
    %c0_i32_0 = arith.constant 0 : i32
    %c0_i32_1 = arith.constant 0 : i32
    return %arg0, %c0_i32, %c0_i32_0 : i32, i32, i32
  }
  func.func @transform_1(%arg0: i32) -> (i32, i32) {
    %c0_i32 = arith.constant 0 : i32
    %c0_i32_0 = arith.constant 0 : i32
    %c0_i32_1 = arith.constant 0 : i32
    return %c0_i32, %c0_i32_0 : i32, i32
  }
  func.func @transform_2(%arg0: i32) -> (i32, i32, i32) {
    %c0_i32 = arith.constant 0 : i32
    %c0_i32_0 = arith.constant 0 : i32
    %c0_i32_1 = arith.constant 0 : i32
    return %arg0, %c0_i32, %c0_i32_0 : i32, i32, i32
  }
  func.func @transform_3(%arg0: i32) -> (i32, i32, i32) {
    %c0_i32 = arith.constant 0 : i32
    %c0_i32_0 = arith.constant 0 : i32
    %c0_i32_1 = arith.constant 0 : i32
    return %arg0, %c0_i32, %c0_i32_0 : i32, i32, i32
  }
  func.func @transform_4(%arg0: i32) -> (i32, i32) {
    %c0_i32 = arith.constant 0 : i32
    %c0_i32_0 = arith.constant 0 : i32
    %c0_i32_1 = arith.constant 0 : i32
    return %c0_i32, %c0_i32_0 : i32, i32
  }
}

</mosaic_0001>

<sc_bundles>
// kernel: kernel.5.cloned.1.call-start
scs
__scs_entry_jumppad:
0x0: {  	(pc) =	sbr.rel $0x88, $3  }
0x1: {  	(tag) =	ssettag $0x0;
	lr =	simm.s32 $0x1  }
0x2: {  	[smem:$0x3F9C] =	sst lr;
	_ =	strace $0xD0000000  }
0x3: {  	_ = 	snop  }
0x4: {  	_ = 	snop  }
0x5: {  	_ = 	snop  }
0x6: {  	_ = 	snop  }
0x7: {  	_ = 	snop  }
__scs_overlays_trampoline_lowered:
0x8: {  	[smem:$0x3FAB] =	sst s0  }
0x9: {  	[smem:$0x3FAC] =	sst s1  }
0xa: {  	[smem:$0x3FAD] =	sst s2  }
0xb: {  	[smem:$0x3FAE] =	sst s3  }
0xc: {  	[smem:$0x3FAF] =	sst s4  }
0xd: {  	[smem:$0x3FB0] =	sst s5  }
0xe: {  	[smem:$0x3FB1] =	sst s6  }
0xf: {  	[smem:$0x3FB2] =	sst s7  }
0x10: {  	[smem:$0x3FB3] =	sst s8  }
0x11: {  	[smem:$0x3FB4] =	sst s9;
	s0 =	simm.s32 @!p0 $0x0  }
0x12: {  	s1 =	sld [smem:$0x3F9A];
	s0 =	simm.s32 @p0 $0x1  }
0x13: {  	[smem:$0x3FB5] =	sst s0;
	s0 =	simm.s32 @!p1 $0x0  }
0x14: {  	s2 =	sld [smem:$0x3F99];
	s0 =	simm.s32 @p1 $0x1  }
0x15: {  	[smem:$0x3FB6] =	sst s0;
	s0 =	simm.s32 @!p2 $0x0  }
0x16: {  	s3 =	sld [smem:$0x3FDB];
	s0 =	simm.s32 @p2 $0x1  }
0x17: {  	s4 =	simm.s32 $0x1BF5;
	[smem:$0x3FB8] =	sst s0  }
0x18: {  	s0 =	sld [smem:$0x3F9B];
	_ =	swait.ge [sflag:s4], $0x0  }
0x19: {  	s7 =	sld [smem:$0x3F9C]  }
0x1a: {  	s8 =	sadd.s32 $0xFFFFE003, lr  }
0x1b: {  	s9 =	sadd.s32 $0xFFFFFEF7, lr;
	s5 =	simm.s32 $0xFFFFFFFF;
	p2 =	slt.u32 s8, $0xFFFFF086  }
0x1c: {  	p1 =	slt.u32 s9, $0xF7A;
	s5 =	simm.s32 @!p2 $0x0  }
0x1d: {  	s5 =	simm.s32 @p1 $0x1;
	p0 =	seq.s32 s7, s2  }
0x1e: {  	s7 =	smul.u32 @!p0 $0xF7A, s2;
	p2 =	seq.s32 @!p0 s5, $0x0  }
0x1f: {  	s9 =	smul.u32 $0xF7A, s1;
	s8 =	simm.s32 @!p0 $0x1BF5;
	p2 =	por !p2, p0  }
0x20: {  	[sflag:s8] =	ssyncset.s32 @!p0 $0xFFFFF086;
	s6 =	sadd.s32 @!p0 s3, s7;
	s7 =	simm.s32 @!p0 $0x108  }
0x21: {  	s3 =	sadd.s32 s3, s9;
	s6 =	sadd.s32 @!p0 $0x88, s6;
	s7 =	simm.s32 @p2 $0x1082  }
0x22: {  	[simem:s7], [sflag:s8] =	dma.local @!p0 [hbm:s6], $0xF7A  }
0x23: {  	s9 =	sor.u32 $0xD0000000, s2;
	s6 =	simm.s32 $0x108;
	_ =	swait.ge @!p0 [sflag:s8], $0x0  }
0x24: {  	s3 =	sadd.s32 $0x88, s3;
	s6 =	simm.s32 @!p1 $0x1082;
	[sflag:s4] =	ssyncset.s32 $0xFFFFF086  }
0x25: {  	[simem:s6], [sflag:s4] =	dma.local [hbm:s3], $0xF7A  }
0x26: {  	[smem:$0x3F9C] =	sst s1;
	(tag) =	ssettag s2;
	_ =	strace s9  }
0x27: {  	s1 =	sld [smem:$0x3FAC]  }
0x28: {  	s2 =	sld [smem:$0x3FAD]  }
0x29: {  	s4 =	sld [smem:$0x3FAF]  }
0x2a: {  	p0 =	seq.s32 s5, $0x0;
	s5 =	sld [smem:$0x3FB0]  }
0x2b: {  	s6 =	sld [smem:$0x3FB1]  }
0x2c: {  	s7 =	sld [smem:$0x3FB2]  }
0x2d: {  	s3 =	simm.s32 $0x108;
	s8 =	sld [smem:$0x3FB3]  }
0x2e: {  	s3 =	simm.s32 @!p0 $0x1082;
	s9 =	sld [smem:$0x3FB4]  }
0x2f: {  	lr =	sadd.s32 s0, s3;
	s0 =	sld [smem:$0x3FAB]  }
0x30: {  	s3 =	sld [smem:$0x3FAE]  }
0x31: {  	[smem:$0x3FB7] =	sst s10  }
0x32: {  	s10 =	sld [smem:$0x3FB5];
	_ =	sdelay $0x3  }
0x33: {  	p0 =	seq.s32 s10, $0x1;
	s10 =	sld [smem:$0x3FB7];
	_ =	sdelay $0x3  }
0x34: {  	[smem:$0x3FB7] =	sst s10  }
0x35: {  	s10 =	sld [smem:$0x3FB6];
	_ =	sdelay $0x3  }
0x36: {  	p1 =	seq.s32 s10, $0x1;
	s10 =	sld [smem:$0x3FB7];
	_ =	sdelay $0x3  }
0x37: {  	[smem:$0x3FB7] =	sst s10  }
0x38: {  	s10 =	sld [smem:$0x3FB8]  }
0x39: {  	_ = 	snop;
	(pc) =	sbr.ind lr, $3  }
0x3a: {  	_ = 	snop  }
0x3b: {  	_ = 	snop  }
0x3c: {  	p2 =	seq.s32 s10, $0x1;
	s10 =	sld [smem:$0x3FB7]  }
0x3d: {  	_ =	shalt  }
0x3e: {  	_ =	shalt  }
0x3f: {  	_ =	shalt  }
0x40: {  	_ =	shalt  }
0x41: {  	_ =	shalt  }
0x42: {  	_ =	shalt  }
0x43: {  	_ =	shalt  }
0x44: {  	_ =	shalt  }
0x45: {  	_ =	shalt  }
0x46: {  	_ =	shalt  }
0x47: {  	_ =	shalt  }
0x48: {  	_ =	shalt  }
0x49: {  	_ =	shalt  }
0x4a: {  	_ =	shalt  }
0x4b: {  	_ =	shalt  }
0x4c: {  	_ =	shalt  }
0x4d: {  	_ =	shalt  }
0x4e: {  	_ =	shalt  }
0x4f: {  	_ =	shalt  }
0x50: {  	_ =	shalt  }
0x51: {  	_ =	shalt  }
0x52: {  	_ =	shalt  }
0x53: {  	_ =	shalt  }
0x54: {  	_ =	shalt  }
0x55: {  	_ =	shalt  }
0x56: {  	_ =	shalt  }
0x57: {  	_ =	shalt  }
0x58: {  	_ =	shalt  }
0x59: {  	_ =	shalt  }
0x5a: {  	_ =	shalt  }
0x5b: {  	_ =	shalt  }
0x5c: {  	_ =	shalt  }
0x5d: {  	_ =	shalt  }
0x5e: {  	_ =	shalt  }
0x5f: {  	_ =	shalt  }
0x60: {  	_ =	shalt  }
0x61: {  	_ =	shalt  }
0x62: {  	_ =	shalt  }
0x63: {  	_ =	shalt  }
0x64: {  	_ =	shalt  }
0x65: {  	_ =	shalt  }
0x66: {  	_ =	shalt  }
0x67: {  	_ =	shalt  }
0x68: {  	_ =	shalt  }
0x69: {  	_ =	shalt  }
0x6a: {  	_ =	shalt  }
0x6b: {  	_ =	shalt  }
0x6c: {  	_ =	shalt  }
0x6d: {  	_ =	shalt  }
0x6e: {  	_ =	shalt  }
0x6f: {  	_ =	shalt  }
0x70: {  	_ =	shalt  }
0x71: {  	_ =	shalt  }
0x72: {  	_ =	shalt  }
0x73: {  	_ =	shalt  }
0x74: {  	_ =	shalt  }
0x75: {  	_ =	shalt  }
0x76: {  	_ =	shalt  }
0x77: {  	_ =	shalt  }
0x78: {  	_ =	shalt  }
0x79: {  	_ =	shalt  }
0x7a: {  	_ =	shalt  }
0x7b: {  	_ =	shalt  }
0x7c: {  	_ =	shalt  }
0x7d: {  	_ =	shalt  }
0x7e: {  	_ =	shalt  }
0x7f: {  	_ =	shalt  }
0x80: {  	_ =	shalt  }
0x81: {  	_ =	shalt  }
0x82: {  	_ =	shalt  }
0x83: {  	_ =	shalt  }
0x84: {  	_ =	shalt  }
0x85: {  	_ =	shalt  }
0x86: {  	_ =	shalt  }
0x87: {  	_ =	shalt  }
.Lfunc_end0:
.L_simem_size_0:
called_computation_lowered:
.L_overlay_start_0:
0x88: {  	s2 =	sld [smem:$0x3FD9]  }
0x89: {  	s3 =	sld [smem:$0x3FFE];
	_ =	sdelay $0x1  }
0x8a: {  	s1 =	srdreg.scid  }
0x8b: {  	s0 =	sand.u32 $0x1, s1  }
0x8c: {  	s15 =	sshll.u32 s0, $0xA;
	s2 =	sadd.s32 s3, s2  }
0x8d: {  	s2 =	sadd.s32 s2, s15  }
0x8e: {  	[smem:$0x3FC3] =	sst s2  }
0x8f: {  	_ = 	snop  }
0x90: {  	s2 =	sld [smem:$0x3FD0];
	_ =	sdelay $0x2  }
0x91: {  	s16 =	simm.s32 $0xA;
	s4 =	simm.s32 $0x10  }
0x92: {  	[smem:s4], [sflag:s16] =	dma.local [hbm:s2], $0x1  }
0x93: {  	_ =	swait.eq [sflag:s16], $0x1  }
0x94: {  	s17 =	sld [smem:$0x10];
	[sflag:s16] =	ssyncset.done $0x0  }
0x95: {  	s18 =	sld [smem:$0x11];
	[sflag:s16] =	ssyncadd.s32 $0xFFFFFFFF  }
0x96: {  	s19 =	sld [smem:$0x13];
	(tm) =	ssettm $0x1  }
0x97: {  	s5 =	sld [smem:$0x3FFB];
	_ =	sdelay $0x3  }
0x98: {  	_ =	strace s5  }
0x99: {  	s5 =	sld [smem:$0x3FFC];
	_ =	sdelay $0x3  }
0x9a: {  	_ =	strace s5  }
0x9b: {  	s5 =	sld [smem:$0x3FFD];
	_ =	sdelay $0x3  }
0x9c: {  	_ =	strace s5  }
0x9d: {  	_ =	strace $0x8FFFFFFF  }
0x9e: {  	s20 =	sld [smem:$0x3FDB];
	_ =	sdelay $0x1  }
0x9f: {  	s6 =	simm.s32 $_scs_section_size  }
0xa0: {  	s7 =	simm.s32 $_size__tile_overlayer_lowered;
	s8 =	simm.s32 $_tile_overlayer_lowered  }
0xa1: {  	s23 =	simm.s32 $0x1BFF;
	s22 =	sshll.u32 s8, $0x1;
	s5 =	sadd.s32 s6, s20  }
0xa2: {  	s9 =	simm.s32 $0x0;
	s21 =	sshll.u32 s7, $0x1;
	s7 =	sadd.s32 s22, s5  }
0xa3: {  	[timem:s9], [sflag:s23] =	dma.local [hbm:s7], s21  }
0xa4: {  	_ =	swait.ge [sflag:s23], s21  }
0xa5: {  	s6 =	ssub.s32 $0x0, s21;
	[sflag:s23] =	ssyncset.done $0x0  }
0xa6: {  	[sflag:s23] =	ssyncadd.s32 s6;
	_ =	sdelay $0x1  }
0xa7: {  	s24 =	simm.s32 $0x1B8B  }
0xa8: {  	_ =	swait.ge [sflag:s24], $0x1  }
0xa9: {  	[sflag:s24] =	ssyncset.done $0x0  }
0xaa: {  	s25 =	simm.s32 $0x1B8E;
	[sflag:s24] =	ssyncadd.s32 $0xFFFFFFFF  }
0xab: {  	s26 =	simm.s32 $execute0_lowered;
	[smem:$0x3FD2] =	sst s25  }
0xac: {  	s6 =	sshll.u32 s26, $0x1;
	_ =	strace $0x80000046;
	[dreg:$0x1] =	wrdreg $0xFFFFFFFF  }
0xad: {  	s28 =	simm.s32 $_size_execute0_lowered;
	s5 =	sadd.s32 s5, s6;
	[dreg:$0x0] =	wrdreg $0x0  }
0xae: {  	s6 =	sshll.u32 s28, $0x1;
	[dreg:$0x2] =	wrdreg s5  }
0xaf: {  	[dreg:$0x3] =	wrdreg s6  }
0xb0: {  	[dreg:$0x4] =	wrdreg $0xC0  }
0xb1: {  	_ =	task [dreg:s9], $0x5FFFF  }
0xb2: {  	[dreg:$0x1] =	wrdreg $0xFFFFFFFF  }
0xb3: {  	[dreg:$0x0] =	wrdreg $0x60  }
0xb4: {  	[dreg:$0x2] =	wrdreg s18  }
0xb5: {  	[dreg:$0x3] =	wrdreg s19  }
0xb6: {  	[dreg:$0x4] =	wrdreg s17  }
0xb7: {  	[dreg:$0x5] =	wrdreg $0x9  }
0xb8: {  	_ =	task.clear_ibuf [dreg:s9], $0x6FFFF;
	_ =	strace $0x90000046  }
0xb9: {  	s29 =	simm.s32 $0x9;
	_ =	strace $0x80000048  }
0xba: {  	_ =	swait.ge [sflag:s29], $0x1  }
0xbb: {  	[sflag:s29] =	ssyncadd.s32 $0xFFFFFFFF  }
0xbc: {  	_ =	strace $0x90000048  }
0xbd: {  	_ =	sfence  }
0xbe: {  	s30 =	sld [smem:$0x0];
	_ =	sdelay $0x2  }
0xbf: {  	s31 =	sshll.u32 s1, $0xD;
	s1 =	sshrl.u32 s1, $0x2  }
0xc0: {  	s3 =	sand.u32 $0x4000, s31;
	s1 =	sadd.s32 s1, s30  }
0xc1: {  	s0 =	sor.u32 s3, s0;
	s1 =	sshll.u32 s1, $0x11  }
0xc2: {  	s0 =	sor.u32 s1, s0  }
0xc3: {  	s0 =	sadd.s32 $0x8F2B, s0  }
0xc4: {  	[sflag:s0] =	ssyncadd.remote.s32 $0x1  }
0xc5: {  	_ =	sfence.sel $0xFFFF  }
0xc6: {  	[dreg:$0x0] =	wrdreg $0xFFFFFFFF;
	(pc) =	sbr.abs _section_cstart, $3  }
0xc7: {  	[dreg:$0x1] =	wrdreg $0xFFFFFFFF  }
0xc8: {  	_ =	task.clear_ibuf [dreg:s9], $0x2FFFF;
	_ =	strace $0x9FFFFFFF  }
0xc9: {  	(tm) =	ssettm $0x7FFFFFFF  }
tec
execute0_lowered:
.L_overlay_start_1:
0x0: {  	(tag) =	ssettag $0x1  }
0x1: {  	s1 =	stileid.u32  }
0x2: {  	p0 =	sgt.u32 s1, $0x7  }
.Ltmp0:
0x3: {  	s5 =	rddreg [dreg:$0x0];
	(pc) =	sbr.rel @p0 .LBB2_3-.Ltmp0, $4  }
0x4: {  	s2 =	rddreg [dreg:$0x1]  }
0x5: {  	s4 =	rddreg [dreg:$0x2];
	s3 =	simm.s32 $0x0  }
0x6: {  	[smem:$0x7FF] =	sst s3  }
0x7: {  	s0 =	rddreg [dreg:$0x3];
	_ =	strace $0x80000047  }
0x8: {  	s6 =	srdreg.scid  }
0x9: {  	s6 =	sand.u32 $0x1, s6  }
0xa: {  	s8 =	sshll.u32 s1, $0x8;
	s7 =	ssub.s32 $0x2, s6;
	s6 =	sshll.u32 s6, $0x7  }
0xb: {  	s9 =	sshrl.u32 s7, $0x1;
	s6 =	sor.u32 s6, s8;
	s8 =	simm.s32 $0x800  }
0xc: {  	s7 =	ssub.s32 s7, s9;
	s4 =	sadd.s32 s4, s6;
	s5 =	sadd.s32 s5, s6  }
0xd: {  	v0 =	vimm.f32 $0.0e+00;
	s9 =	simm.s32 $0x400;
	s6 =	smax.u32 s7, $0x1;
	s7 =	simm.s32 $0x1  }
.LBB2_2:
0xe: {  	[tilespmem:s3], [sflag:$0x1] =	stream.linear.gather [hbm4b:s5+s3], $0x400, $0x38;
	[tilespmem:$0x880] =	vst v63  }
0xf: {  	_ =	swait.ge [sflag:s7], $0x400  }
0x10: {  	[sflag:s7] =	ssyncset.done $0x0  }
0x11: {  	[sflag:s7] =	ssyncadd.s32 $0xFFFFFC00  }
0x12: {  	[tilespmem:s8], [sflag:$0x1] =	stream.linear.gather [hbm4b:s2+s3], $0x80, $0x38;
	[tilespmem:$0x880] =	vst v63  }
0x13: {  	_ =	swait.ge [sflag:s7], $0x80  }
0x14: {  	[sflag:s7] =	ssyncset.done $0x0  }
0x15: {  	[sflag:s7] =	ssyncadd.s32 $0xFFFFFF80  }
0x16: {  	v2 =	vld [tilespmem:$0x0]  }
0x17: {  	v3 =	vld [tilespmem:$0x80];
	_ =	sdelay $0x1  }
0x18: {  	v4 =	vld [tilespmem:$0x100];
	_ =	sdelay $0x1  }
0x19: {  	v5 =	vld [tilespmem:$0x180]  }
0x1a: {  	vm0 =	vgt.f32 v3, v2  }
0x1b: {  	v6 =	vld [tilespmem:$0x200];
	v1 =	vsel vm0, v3, v2  }
0x1c: {  	vm1 =	vgt.f32 v4, v1  }
0x1d: {  	v7 =	vld [tilespmem:$0x280];
	v1 =	vsel vm1, v4, v1  }
0x1e: {  	vm2 =	vgt.f32 v5, v1  }
0x1f: {  	v8 =	vld [tilespmem:$0x300];
	v1 =	vsel vm2, v5, v1  }
0x20: {  	vm3 =	vgt.f32 v6, v1  }
0x21: {  	v10 =	vld [tilespmem:$0x380];
	v9 =	vsel vm0, $0x3F800000, v0;
	v1 =	vsel vm3, v6, v1  }
0x22: {  	v9 =	vsel vm1, $0x40000000, v9;
	vm12 =	vgt.f32 v7, v1  }
0x23: {  	v9 =	vsel vm2, $0x40400000, v9;
	v1 =	vsel vm12, v7, v1  }
0x24: {  	v9 =	vsel vm3, $0x40800000, v9;
	vm13 =	vgt.f32 v8, v1  }
0x25: {  	v9 =	vsel vm12, $0x40A00000, v9;
	v11 =	vsel vm13, v8, v1  }
0x26: {  	v1 =	vsel vm13, $0x40C00000, v9;
	vm14 =	vgt.f32 v10, v11  }
0x27: {  	v1 =	vsel vm14, $0x40E00000, v1  }
0x28: {  	v12 =	vld [tilespmem:$0x10];
	vm15 =	vlt.f32 v1, $0.0e+00;
	vm4 =	vgt.f32 v1, $0.0e+00  }
0x29: {  	v13 =	vld [tilespmem:$0x90];
	vm5 =	vgt.f32 v2, $-1.000000000e+00;
	vm6 =	vlt.f32 v1, $1.000000000e+00;
	vm1 =	vmor vm4, vm15  }
0x2a: {  	vm7 =	vgt.f32 v1, $1.000000000e+00;
	vm9 =	vlt.f32 v1, $2.000000000e+00;
	vm1 =	vmand vm5, vm1  }
0x2b: {  	vm10 =	vgt.f32 v1, $2.000000000e+00;
	vm12 =	vlt.f32 v1, $3.000000000e+00;
	v2 =	vnsel vm1, $0xBF800000, v2  }
0x2c: {  	v14 =	vld [tilespmem:$0x110];
	vm2 =	vmor vm10, vm9;
	vm1 =	vmor vm7, vm6;
	vm8 =	vgt.f32 v3, v2  }
0x2d: {  	vm4 =	vgt.f32 v1, $3.000000000e+00;
	vm15 =	vgt.f32 v1, $4.000000000e+00;
	vm1 =	vmand vm1, vm8  }
0x2e: {  	vm3 =	vmor vm4, vm12;
	vm5 =	vgt.f32 v13, v12;
	v2 =	vsel vm1, v3, v2  }
0x2f: {  	vm12 =	vgt.f32 v1, $5.000000000e+00;
	v34 =	vsel vm5, v13, v12;
	vm11 =	vgt.f32 v4, v2  }
0x30: {  	v32 =	vld [tilespmem:$0x190];
	v36 =	vsel vm5, $0x3F800000, v0;
	vm7 =	vlt.f32 v1, $6.000000000e+00;
	vm2 =	vmand vm2, vm11  }
0x31: {  	vm10 =	vgt.f32 v14, v34;
	v33 =	vsel vm1, $0x3F800000, v0;
	v3 =	vsel vm2, v4, v2  }
0x32: {  	v15 =	vld [tilespmem:$0x210];
	vm11 =	vlt.f32 v1, $5.000000000e+00;
	v2 =	vsel vm14, v10, v11;
	vm13 =	vgt.f32 v5, v3  }
0x33: {  	vm14 =	vlt.f32 v1, $4.000000000e+00;
	v4 =	vsel vm2, $0x40000000, v33;
	vm0 =	vmand vm3, vm13  }
0x34: {  	vm3 =	vmor vm15, vm14;
	v3 =	vsel vm0, v5, v3;
	v5 =	vsel vm10, v14, v34  }
0x35: {  	v16 =	vld [tilespmem:$0x290];
	v4 =	vsel vm0, $0x40400000, v4;
	vm8 =	vgt.f32 v6, v3;
	vm6 =	vgt.f32 v32, v5  }
0x36: {  	vm9 =	vmand vm3, vm8;
	vm3 =	vmor vm12, vm11;
	v5 =	vsel vm6, v32, v5  }
0x37: {  	v3 =	vsel vm9, v6, v3;
	v4 =	vsel vm9, $0x40800000, v4;
	vm15 =	vgt.f32 v15, v5  }
0x38: {  	v17 =	vld [tilespmem:$0x310];
	v6 =	vsel vm10, $0x40000000, v36;
	vm9 =	vgt.f32 v1, $6.000000000e+00;
	vm13 =	vgt.f32 v7, v3  }
0x39: {  	v5 =	vsel vm15, v15, v5;
	v6 =	vsel vm6, $0x40400000, v6;
	vm0 =	vmor vm9, vm7  }
0x3a: {  	v35 =	vld [tilespmem:$0x390];
	vm9 =	vgt.f32 v12, $-1.000000000e+00;
	vm14 =	vmand vm3, vm13;
	vm8 =	vgt.f32 v16, v5  }
0x3b: {  	v6 =	vsel vm15, $0x40800000, v6;
	vm13 =	vlt.f32 v1, $7.000000000e+00;
	v3 =	vsel vm14, v7, v3  }
0x3c: {  	v4 =	vsel vm14, $0x40A00000, v4;
	v5 =	vsel vm8, v16, v5;
	v6 =	vsel vm8, $0x40A00000, v6  }
0x3d: {  	vm8 =	vgt.f32 v1, $7.000000000e+00;
	vm10 =	vgt.f32 v17, v5;
	vm11 =	vgt.f32 v8, v3  }
0x3e: {  	vm1 =	vmor vm8, vm13;
	v18 =	vsel vm10, v17, v5;
	vm12 =	vmand vm0, vm11  }
0x3f: {  	v41 =	vld [tilespmem:$0x20];
	v37 =	vsel vm10, $0x40C00000, v6;
	vm0 =	vgt.f32 v35, v18;
	v38 =	vsel vm12, v8, v3  }
0x40: {  	v43 =	vld [tilespmem:$0xA0];
	v4 =	vsel vm12, $0x40C00000, v4;
	v3 =	vsel vm0, $0x40E00000, v37;
	vm10 =	vgt.f32 v10, v38  }
0x41: {  	v6 =	vsel vm0, v35, v18;
	vm14 =	vlt.f32 v3, $0.0e+00;
	vm15 =	vgt.f32 v3, $0.0e+00  }
0x42: {  	vm11 =	vlt.f32 v3, $1.000000000e+00;
	vm12 =	vgt.f32 v3, $1.000000000e+00;
	vm1 =	vmand vm1, vm10  }
0x43: {  	vm6 =	vgt.f32 v3, $2.000000000e+00;
	vm8 =	vlt.f32 v3, $3.000000000e+00;
	vm2 =	vmor vm15, vm14  }
0x44: {  	v5 =	vsel vm1, v10, v38;
	v4 =	vsel vm1, $0x40E00000, v4;
	vm2 =	vmand vm9, vm2  }
0x45: {  	vm15 =	vlt.f32 v3, $2.000000000e+00;
	vm1 =	vgt.f32 v43, v41;
	v39 =	vnsel vm2, $0xBF800000, v12  }
0x46: {  	v42 =	vtrunc.f32 v4;
	vm2 =	vmor vm12, vm11;
	vm13 =	vgt.f32 v13, v39  }
0x47: {  	v45 =	vld [tilespmem:$0x120];
	v44 =	vadd.f32 v5, v2;
	vm9 =	vgt.f32 v3, $3.000000000e+00;
	vm14 =	vmand vm2, vm13  }
0x48: {  	v48 =	vsel vm1, v43, v41;
	v22 =	vsel vm1, $0x3F800000, v0;
	v40 =	vsel vm14, v13, v39  }
0x49: {  	v7 =	vcvt.f32.s32 v42;
	vm2 =	vmor vm6, vm15;
	vm7 =	vgt.f32 v14, v40  }
0x4a: {  	vm3 =	vmor vm9, vm8;
	vm12 =	vlt.f32 v3, $4.000000000e+00;
	vm2 =	vmand vm2, vm7  }
0x4b: {  	v47 =	vld [tilespmem:$0x1A0];
	(erf) = vrcp.f32 v44;
	vm13 =	vgt.f32 v3, $4.000000000e+00;
	v13 =	vsel vm2, v14, v40  }
0x4c: {  	vm15 =	vgt.f32 v45, v48;
	v46 =	vsel vm14, $0x3F800000, v0;
	vm10 =	vgt.f32 v32, v13  }
0x4d: {  	v51 =	vsel vm15, $0x40000000, v22;
	v8 =	vsel vm2, $0x40000000, v46;
	vm11 =	vmand vm3, vm10  }
0x4e: {  	v19 =	vld [tilespmem:$0x220];
	vm2 =	vmor vm13, vm12;
	vm10 =	vlt.f32 v3, $5.000000000e+00;
	v11 =	vsel vm11, v32, v13  }
0x4f: {  	v8 =	vsel vm11, $0x40400000, v8;
	v13 =	vsel vm15, v45, v48;
	vm11 =	vgt.f32 v3, $5.000000000e+00  }
0x50: {  	v20 =	vld [tilespmem:$0x2A0];
	vm15 =	vlt.f32 v3, $6.000000000e+00;
	vm14 =	vgt.f32 v15, v11;
	vm9 =	vgt.f32 v47, v13  }
0x51: {  	vm8 =	vmand vm2, vm14;
	v21 =	vsel vm9, v47, v13;
	vm2 =	vmor vm11, vm10  }
0x52: {  	v49 =	vld [tilespmem:$0x320];
	vm11 =	vlt.f32 v3, $7.000000000e+00;
	v11 =	vsel vm8, v15, v11;
	v8 =	vsel vm8, $0x40800000, v8  }
0x53: {  	vm13 =	vgt.f32 v19, v21;
	vm8 =	vgt.f32 v3, $6.000000000e+00;
	vm12 =	vgt.f32 v16, v11  }
0x54: {  	v50 =	vld [tilespmem:$0x3A0];
	v21 =	vsel vm13, v19, v21;
	vm3 =	vmor vm8, vm15;
	vm2 =	vmand vm2, vm12  }
0x55: {  	vm15 =	vgt.f32 v41, $-1.000000000e+00;
	vm14 =	vgt.f32 v20, v21;
	v11 =	vsel vm2, v16, v11  }
0x56: {  	v16 =	vsel vm9, $0x40400000, v51;
	v21 =	vsel vm14, v20, v21;
	v52 =	vsel vm2, $0x40A00000, v8  }
0x57: {  	v16 =	vsel vm13, $0x40800000, v16;
	vm9 =	vgt.f32 v49, v21;
	vm10 =	vgt.f32 v17, v11  }
0x58: {  	v16 =	vsel vm14, $0x40A00000, v16;
	v21 =	vsel vm9, v49, v21;
	vm1 =	vmand vm3, vm10  }
0x59: {  	vm14 =	vgt.f32 v3, $7.000000000e+00;
	v16 =	vsel vm9, $0x40C00000, v16;
	vm0 =	vgt.f32 v50, v21  }
0x5a: {  	v11 =	vsel vm1, v17, v11;
	vm2 =	vmor vm14, vm11;
	v8 =	vsel vm0, $0x40E00000, v16  }
0x5b: {  	v53 =	vsel vm1, $0x40C00000, v52;
	vm12 =	vlt.f32 v8, $0.0e+00;
	vm13 =	vgt.f32 v8, $0.0e+00  }
0x5c: {  	vm10 =	vgt.f32 v35, v11;
	v12 =	vsel vm0, v50, v21;
	vm3 =	vmor vm13, vm12  }
0x5d: {  	vm8 =	vlt.f32 v8, $1.000000000e+00;
	vm9 =	vgt.f32 v8, $1.000000000e+00;
	vm3 =	vmand vm15, vm3  }
0x5e: {  	vm14 =	vlt.f32 v8, $2.000000000e+00;
	vm12 =	vmand vm2, vm10;
	v10 =	vnsel vm3, $0xBF800000, v41  }
0x5f: {  	vm10 =	vgt.f32 v8, $3.000000000e+00;
	vm3 =	vmor vm9, vm8;
	vm11 =	vgt.f32 v43, v10  }
0x60: {  	vm15 =	vgt.f32 v8, $2.000000000e+00;
	v11 =	vsel vm12, v35, v11;
	vm13 =	vmand vm3, vm11  }
0x61: {  	v54 =	vld [tilespmem:$0x30];
	v9 =	vsel vm12, $0x40E00000, v53;
	v56 =	vadd.f32 v11, v6;
	v10 =	vsel vm13, v43, v10  }
0x62: {  	v55 =	vld [tilespmem:$0xB0];
	vm9 =	vlt.f32 v8, $3.000000000e+00;
	vm3 =	vmor vm15, vm14;
	vm8 =	vgt.f32 v45, v10  }
0x63: {  	(erf) = vrcp.f32 v56;
	vm14 =	vgt.f32 v8, $4.000000000e+00;
	vm1 =	vmand vm3, vm8  }
0x64: {  	v57 =	vld [tilespmem:$0x130];
	v59 =	vsel vm13, $0x3F800000, v0;
	vm13 =	vlt.f32 v8, $4.000000000e+00;
	v10 =	vsel vm1, v45, v10  }
0x65: {  	vm2 =	vmor vm14, vm13;
	vm3 =	vmor vm10, vm9;
	vm11 =	vgt.f32 v47, v10  }
0x66: {  	v58 =	vld [tilespmem:$0x1B0];
	vm13 =	vgt.f32 v8, $5.000000000e+00;
	v21 =	vsel vm1, $0x40000000, v59;
	vm12 =	vmand vm3, vm11  }
0x67: {  	vm3 =	vgt.f32 v55, v54;
	vm11 =	vlt.f32 v8, $5.000000000e+00;
	v10 =	vsel vm12, v47, v10  }
0x68: {  	v60 =	vld [tilespmem:$0x230];
	v23 =	vsel vm3, v55, v54;
	v21 =	vsel vm12, $0x40400000, v21;
	v26 =	vsel vm3, $0x3F800000, v0  }
0x69: {  	vm0 =	vmor vm13, vm11;
	vm15 =	vgt.f32 v57, v23;
	vm8 =	vgt.f32 v19, v10  }
0x6a: {  	v24 =	vld [tilespmem:$0x2B0];
	v23 =	vsel vm15, v57, v23;
	vm9 =	vmand vm2, vm8;
	v26 =	vsel vm15, $0x40000000, v26  }
0x6b: {  	vm10 =	vgt.f32 v58, v23;
	v10 =	vsel vm9, v19, v10;
	v21 =	vsel vm9, $0x40800000, v21  }
0x6c: {  	v61 =	vld [tilespmem:$0x330];
	vm9 =	vlt.f32 v8, $6.000000000e+00;
	v23 =	vsel vm10, v58, v23;
	vm15 =	vgt.f32 v20, v10  }
0x6d: {  	v26 =	vsel vm10, $0x40400000, v26;
	vm10 =	vgt.f32 v8, $6.000000000e+00;
	vm12 =	vgt.f32 v60, v23  }
0x6e: {  	v25 =	vld [tilespmem:$0x3B0];
	vm0 =	vmand vm0, vm15;
	vm1 =	vmor vm10, vm9;
	v23 =	vsel vm12, v60, v23  }
0x6f: {  	vm15 =	vlt.f32 v8, $7.000000000e+00;
	vm10 =	vgt.f32 v8, $7.000000000e+00;
	vm14 =	vgt.f32 v24, v23  }
0x70: {  	v26 =	vsel vm12, $0x40800000, v26;
	v20 =	vsel vm0, v20, v10;
	v23 =	vsel vm14, v24, v23  }
0x71: {  	v21 =	vsel vm0, $0x40A00000, v21;
	vm4 =	vmor vm10, vm15;
	vm8 =	vgt.f32 v61, v23  }
0x72: {  	vm13 =	vgt.f32 v49, v20;
	v62 =	vsel vm14, $0x40A00000, v26;
	v23 =	vsel vm8, v61, v23  }
0x73: {  	vm1 =	vmand vm1, vm13;
	v10 =	vsel vm8, $0x40C00000, v62;
	vm0 =	vgt.f32 v25, v23  }
0x74: {  	vm14 =	vgt.f32 v54, $-1.000000000e+00;
	v15 =	vsel vm1, v49, v20;
	v10 =	vsel vm0, $0x40E00000, v10  }
0x75: {  	v21 =	vsel vm1, $0x40C00000, v21;
	v16 =	vsel vm0, v25, v23;
	vm11 =	vlt.f32 v10, $0.0e+00  }
0x76: {  	vm12 =	vgt.f32 v10, $0.0e+00;
	vm8 =	vlt.f32 v10, $1.000000000e+00;
	vm9 =	vgt.f32 v10, $1.000000000e+00  }
0x77: {  	vm13 =	vgt.f32 v10, $2.000000000e+00;
	vm10 =	vgt.f32 v10, $3.000000000e+00;
	vm2 =	vmor vm12, vm11  }
0x78: {  	vm12 =	vlt.f32 v10, $2.000000000e+00;
	vm2 =	vmand vm14, vm2;
	vm14 =	vgt.f32 v50, v15  }
0x79: {  	vm3 =	vmor vm13, vm12;
	vm13 =	vlt.f32 v10, $4.000000000e+00;
	v17 =	vnsel vm2, $0xBF800000, v54  }
0x7a: {  	v63 =	vld [tilespmem:$0x40];
	vm2 =	vmor vm9, vm8;
	vm8 =	vmand vm4, vm14;
	vm9 =	vlt.f32 v10, $3.000000000e+00  }
0x7b: {  	v36 =	vld [tilespmem:$0xC0];
	vm14 =	vgt.f32 v10, $4.000000000e+00;
	vm11 =	vgt.f32 v55, v17;
	v15 =	vsel vm8, v50, v15  }
0x7c: {  	vm4 =	vmor vm10, vm9;
	v13 =	vsel vm8, $0x40E00000, v21;
	vm0 =	vmor vm14, vm13  }
0x7d: {  	v37 =	vld [tilespmem:$0x140];
	vm9 =	vlt.f32 v10, $5.000000000e+00;
	vm10 =	vgt.f32 v10, $5.000000000e+00;
	vm2 =	vmand vm2, vm11  }
0x7e: {  	vm14 =	vlt.f32 v10, $6.000000000e+00;
	v27 =	vadd.f32 v15, v12;
	v17 =	vsel vm2, v55, v17  }
0x7f: {  	vm1 =	vmor vm10, vm9;
	v38 =	vsel vm2, $0x3F800000, v0;
	vm15 =	vgt.f32 v57, v17  }
0x80: {  	v28 =	vld [tilespmem:$0x1C0];
	(erf) = vrcp.f32 v27;
	vm3 =	vmand vm3, vm15;
	vm15 =	vgt.f32 v36, v63  }
0x81: {  	v17 =	vsel vm3, v57, v17;
	v39 =	vsel vm15, v36, v63;
	v21 =	vsel vm3, $0x40000000, v38  }
0x82: {  	v41 =	vsel vm15, $0x3F800000, v0;
	vm11 =	vgt.f32 v58, v17;
	vm8 =	vgt.f32 v37, v39  }
0x83: {  	v29 =	vld [tilespmem:$0x240];
	vm12 =	vmand vm4, vm11;
	v23 =	vsel vm8, $0x40000000, v41;
	v41 =	vimm.s32 $0x0  }
0x84: {  	v14 =	vsel vm12, v58, v17;
	v21 =	vsel vm12, $0x40400000, v21;
	v17 =	vsel vm8, v37, v39  }
0x85: {  	v30 =	vld [tilespmem:$0x2C0];
	vm8 =	vgt.f32 v10, $6.000000000e+00;
	vm7 =	vgt.f32 v60, v14;
	vm11 =	vgt.f32 v28, v17  }
0x86: {  	vm3 =	vmor vm8, vm14;
	vm14 =	vgt.f32 v10, $7.000000000e+00;
	vm0 =	vmand vm0, vm7  }
0x87: {  	v32 =	vld [tilespmem:$0x340];
	v17 =	vsel vm11, v28, v17;
	v23 =	vsel vm11, $0x40400000, v23;
	v14 =	vsel vm0, v60, v14  }
0x88: {  	vm11 =	vlt.f32 v10, $7.000000000e+00;
	vm13 =	vgt.f32 v29, v17;
	vm12 =	vgt.f32 v24, v14  }
0x89: {  	v40 =	vld [tilespmem:$0x3C0];
	v21 =	vsel vm0, $0x40800000, v21;
	v17 =	vsel vm13, v29, v17;
	vm1 =	vmand vm1, vm12  }
0x8a: {  	v23 =	vsel vm13, $0x40800000, v23;
	vm15 =	vgt.f32 v30, v17;
	v14 =	vsel vm1, v24, v14  }
0x8b: {  	v17 =	vsel vm15, v30, v17;
	v23 =	vsel vm15, $0x40A00000, v23;
	v21 =	vsel vm1, $0x40A00000, v21  }
0x8c: {  	vm15 =	vgt.f32 v63, $-1.000000000e+00;
	vm9 =	vgt.f32 v32, v17;
	vm10 =	vgt.f32 v61, v14  }
0x8d: {  	vm1 =	vmor vm14, vm11;
	v42 =	vsel vm9, v32, v17;
	vm2 =	vmand vm3, vm10  }
0x8e: {  	v43 =	vsel vm9, $0x40C00000, v23;
	vm0 =	vgt.f32 v40, v42;
	v19 =	vsel vm2, v61, v14  }
0x8f: {  	v46 =	vsel vm2, $0x40C00000, v21;
	v14 =	vsel vm0, $0x40E00000, v43;
	vm8 =	vgt.f32 v25, v19  }
0x90: {  	v45 =	vld [tilespmem:$0x50];
	v23 =	vsel vm0, v40, v42;
	vm12 =	vlt.f32 v14, $0.0e+00;
	vm13 =	vgt.f32 v14, $0.0e+00  }
0x91: {  	v47 =	vld [tilespmem:$0xD0];
	vm9 =	vlt.f32 v14, $1.000000000e+00;
	vm10 =	vgt.f32 v14, $1.000000000e+00;
	vm1 =	vmand vm1, vm8  }
0x92: {  	vm8 =	vlt.f32 v14, $3.000000000e+00;
	vm3 =	vmor vm13, vm12;
	v21 =	vsel vm1, v25, v19  }
0x93: {  	vm12 =	vlt.f32 v14, $2.000000000e+00;
	vm13 =	vgt.f32 v14, $2.000000000e+00;
	v17 =	vsel vm1, $0x40E00000, v46;
	v46 =	vpop (erf)  }
0x94: {  	vm3 =	vmand vm15, vm3;
	v49 =	vadd.f32 v21, v16;
	v2 =	vmul.f32 v46, v2  }
0x95: {  	v33 =	vld [tilespmem:$0x150];
	v44 =	vnsel vm3, $0xBF800000, v63;
	vm3 =	vmor vm10, vm9;
	vm9 =	vgt.f32 v14, $3.000000000e+00  }
0x96: {  	vm10 =	vgt.f32 v47, v45;
	vm11 =	vgt.f32 v36, v44;
	(erf) = vrcp.f32 v49  }
0x97: {  	v50 =	vld [tilespmem:$0x1D0];
	vm0 =	vmor vm9, vm8;
	v52 =	vsel vm10, v47, v45;
	vm2 =	vmand vm3, vm11  }
0x98: {  	v54 =	vsel vm10, $0x3F800000, v0;
	vm10 =	vlt.f32 v14, $5.000000000e+00;
	v48 =	vsel vm2, v36, v44  }
0x99: {  	v51 =	vld [tilespmem:$0x250];
	v49 =	vtrunc.f32 v9;
	vm3 =	vmor vm13, vm12;
	vm14 =	vgt.f32 v37, v48  }
0x9a: {  	vm12 =	vgt.f32 v33, v52;
	vm13 =	vlt.f32 v14, $4.000000000e+00;
	vm15 =	vmand vm3, vm14  }
0x9b: {  	v34 =	vld [tilespmem:$0x2D0];
	v53 =	vsel vm2, $0x3F800000, v0;
	v24 =	vsel vm12, v33, v52;
	v19 =	vsel vm15, v37, v48  }
0x9c: {  	v26 =	vsel vm15, $0x40000000, v53;
	vm15 =	vgt.f32 v50, v24;
	vm11 =	vgt.f32 v28, v19  }
0x9d: {  	v31 =	vld [tilespmem:$0x350];
	[tilespmem:$0x400] =	vst v1;
	v1 =	vcvt.f32.s32 v49;
	v24 =	vsel vm15, v50, v24;
	vm0 =	vmand vm0, vm11  }
0x9e: {  	vm14 =	vgt.f32 v14, $4.000000000e+00;
	vm9 =	vgt.f32 v51, v24;
	v19 =	vsel vm0, v28, v19  }
0x9f: {  	vm1 =	vmor vm14, vm13;
	v24 =	vsel vm9, v51, v24;
	vm8 =	vgt.f32 v29, v19  }
0xa0: {  	v26 =	vsel vm0, $0x40400000, v26;
	v28 =	vld [tilespmem:$0x3D0];
	vm11 =	vgt.f32 v34, v24;
	vm1 =	vmand vm1, vm8  }
0xa1: {  	v24 =	vsel vm11, v34, v24;
	v19 =	vsel vm1, v29, v19;
	v29 =	vsel vm12, $0x40000000, v54  }
0xa2: {  	vm12 =	vgt.f32 v14, $5.000000000e+00;
	vm13 =	vgt.f32 v31, v24;
	v26 =	vsel vm1, $0x40800000, v26  }
0xa3: {  	v29 =	vsel vm15, $0x40400000, v29;
	vm3 =	vmor vm12, vm10;
	vm14 =	vgt.f32 v30, v19  }
0xa4: {  	v35 =	vsel vm13, v31, v24;
	vm15 =	vlt.f32 v14, $6.000000000e+00;
	vm10 =	vgt.f32 v14, $6.000000000e+00  }
0xa5: {  	v29 =	vsel vm9, $0x40800000, v29;
	vm4 =	vmand vm3, vm14;
	vm0 =	vgt.f32 v28, v35  }
0xa6: {  	vm1 =	vmor vm10, vm15;
	vm10 =	vlt.f32 v14, $7.000000000e+00;
	v29 =	vsel vm11, $0x40A00000, v29  }
0xa7: {  	v56 =	vsel vm4, v30, v19;
	vm11 =	vgt.f32 v45, $-1.000000000e+00;
	v55 =	vsel vm13, $0x40C00000, v29  }
0xa8: {  	vm12 =	vgt.f32 v32, v56;
	v29 =	vsel vm0, v28, v35;
	v19 =	vsel vm0, $0x40E00000, v55  }
0xa9: {  	vm8 =	vlt.f32 v19, $0.0e+00;
	vm9 =	vgt.f32 v19, $0.0e+00;
	vm13 =	vlt.f32 v19, $1.000000000e+00  }
0xaa: {  	vm14 =	vgt.f32 v19, $1.000000000e+00;
	vm0 =	vlt.f32 v19, $6.000000000e+00;
	vm2 =	vmor vm9, vm8  }
0xab: {  	v36 =	vld [tilespmem:$0x60];
	vm9 =	vmand vm1, vm12;
	vm15 =	vmor vm14, vm13;
	vm2 =	vmand vm11, vm2  }
0xac: {  	v37 =	vld [tilespmem:$0xE0];
	vm12 =	vgt.f32 v19, $2.000000000e+00;
	vm13 =	vgt.f32 v14, $7.000000000e+00;
	v20 =	vnsel vm2, $0xBF800000, v45  }
0xad: {  	v57 =	vsel vm9, v32, v56;
	vm11 =	vlt.f32 v19, $2.000000000e+00;
	vm8 =	vgt.f32 v47, v20  }
0xae: {  	v58 =	vld [tilespmem:$0x160];
	vm6 =	vmor vm13, vm10;
	vm10 =	vgt.f32 v19, $3.000000000e+00;
	vm3 =	vmand vm15, vm8  }
0xaf: {  	vm1 =	vmor vm12, vm11;
	vm7 =	vgt.f32 v40, v57;
	v20 =	vsel vm3, v47, v20  }
0xb0: {  	v38 =	vld [tilespmem:$0x1E0];
	vm12 =	vmand vm6, vm7;
	vm7 =	vlt.f32 v19, $7.000000000e+00;
	vm14 =	vgt.f32 v33, v20  }
0xb1: {  	vm15 =	vlt.f32 v19, $3.000000000e+00;
	vm5 =	vmand vm1, vm14;
	vm1 =	vgt.f32 v37, v36  }
0xb2: {  	v30 =	vld [tilespmem:$0x260];
	vm8 =	vgt.f32 v19, $4.000000000e+00;
	vm2 =	vmor vm10, vm15;
	v59 =	vsel vm1, v37, v36  }
0xb3: {  	vm14 =	vlt.f32 v19, $4.000000000e+00;
	v20 =	vsel vm5, v33, v20;
	vm13 =	vgt.f32 v58, v59  }
0xb4: {  	v25 =	vld [tilespmem:$0x2E0];
	v33 =	vsel vm12, v40, v57;
	vm11 =	vgt.f32 v50, v20;
	v60 =	vsel vm13, v58, v59  }
0xb5: {  	vm6 =	vmor vm8, vm14;
	vm10 =	vmand vm2, vm11;
	vm2 =	vgt.f32 v38, v60  }
0xb6: {  	v24 =	vld [tilespmem:$0x360];
	v61 =	vsel vm1, $0x3F800000, v0;
	vm14 =	vgt.f32 v19, $5.000000000e+00;
	v18 =	vsel vm2, v38, v60  }
0xb7: {  	v39 =	vadd.f32 v33, v23;
	v20 =	vsel vm10, v50, v20;
	vm11 =	vgt.f32 v30, v18  }
0xb8: {  	v22 =	vld [tilespmem:$0x3E0];
	v62 =	vsel vm13, $0x40000000, v61;
	vm15 =	vgt.f32 v51, v20;
	v18 =	vsel vm11, v30, v18  }
0xb9: {  	vm13 =	vlt.f32 v19, $5.000000000e+00;
	vm8 =	vmand vm6, vm15;
	vm1 =	vgt.f32 v25, v18  }
0xba: {  	v40 =	vsel vm8, v51, v20;
	v20 =	vsel vm2, $0x40400000, v62;
	v18 =	vsel vm1, v25, v18  }
0xbb: {  	(erf) = vrcp.f32 v39;
	v20 =	vsel vm11, $0x40800000, v20;
	vm15 =	vgt.f32 v24, v18  }
0xbc: {  	vm2 =	vmor vm14, vm13;
	v20 =	vsel vm1, $0x40A00000, v20;
	v27 =	vsel vm15, v24, v18  }
0xbd: {  	vm11 =	vgt.f32 v34, v40;
	v63 =	vsel vm15, $0x40C00000, v20;
	vm6 =	vgt.f32 v22, v27  }
0xbe: {  	v62 =	vtrunc.f32 v13;
	vm11 =	vmand vm2, vm11;
	v20 =	vsel vm6, $0x40E00000, v63  }
0xbf: {  	v34 =	vsel vm11, v34, v40;
	vm13 =	vlt.f32 v20, $0.0e+00;
	vm14 =	vgt.f32 v20, $0.0e+00  }
0xc0: {  	vm15 =	vgt.f32 v19, $6.000000000e+00;
	vm1 =	vmor vm14, vm13;
	vm13 =	vgt.f32 v36, $-1.000000000e+00  }
0xc1: {  	vm0 =	vmor vm15, vm0;
	v49 =	vsel vm6, v22, v27;
	vm1 =	vmand vm13, vm1  }
0xc2: {  	vm15 =	vgt.f32 v20, $1.000000000e+00;
	vm14 =	vlt.f32 v20, $1.000000000e+00;
	v40 =	vnsel vm1, $0xBF800000, v36  }
0xc3: {  	vm13 =	vgt.f32 v31, v34;
	vm1 =	vmor vm15, vm14;
	vm2 =	vgt.f32 v37, v40  }
0xc4: {  	vm13 =	vmand vm0, vm13;
	vm0 =	vgt.f32 v20, $3.000000000e+00;
	vm14 =	vmand vm1, vm2  }
0xc5: {  	v18 =	vld [tilespmem:$0x800];
	vm1 =	vlt.f32 v20, $2.000000000e+00;
	vm2 =	vgt.f32 v20, $2.000000000e+00;
	v42 =	vsel vm14, v37, v40  }
0xc6: {  	v34 =	vsel vm13, v31, v34;
	vm1 =	vmor vm2, vm1;
	vm15 =	vgt.f32 v58, v42  }
0xc7: {  	v44 =	vld [tilespmem:$0xF0];
	v35 =	vsel vm14, $0xFFFFFFFF, v41;
	vm14 =	vgt.f32 v19, $7.000000000e+00;
	vm1 =	vmand vm1, vm15  }
0xc8: {  	[tilespmem:$0x680] =	vst v0;
	v36 =	vld [tilespmem:$0x70];
	vm2 =	vlt.f32 v20, $3.000000000e+00;
	vm7 =	vmor vm14, vm7;
	v43 =	vsel vm1, v58, v42  }
0xc9: {  	[tilespmem:$0x700] =	vst v0;
	vm2 =	vmor vm0, vm2;
	vm15 =	vgt.f32 v28, v34;
	vm0 =	vgt.f32 v38, v43  }
0xca: {  	v1 =	vperm.xlane v18, v1;
	[tilespmem:$0x1FFF0] =	vst v35;
	v35 =	vld [tilespmem:$0x170];
	vm14 =	vmand vm7, vm15;
	vm2 =	vmand vm2, vm0  }
0xcb: {  	[tilespmem:$0x780] =	vst v0;
	vm15 =	vgt.f32 v20, $4.000000000e+00;
	vm0 =	vlt.f32 v20, $4.000000000e+00;
	v45 =	vsel vm2, v38, v43  }
0xcc: {  	[tilespmem:$0x690] =	vst v0;
	v48 =	vld [tilespmem:$0x1F0];
	v47 =	vperm.xlane v18, v7;
	vm0 =	vmor vm15, vm0;
	vm15 =	vgt.f32 v30, v45  }
0xcd: {  	[tilespmem:$0x610] =	vst v1;
	v1 =	vcvt.f32.s32 v62;
	v41 =	vpop (erf);
	vm7 =	vmand vm0, vm15;
	vm15 =	vgt.f32 v44, v36  }
0xce: {  	[tilespmem:$0x710] =	vst v0;
	v7 =	vld [tilespmem:$0x270];
	v6 =	vmul.f32 v41, v6;
	v11 =	vmul.f32 v41, v11;
	v53 =	vpop (erf);
	v50 =	vsel vm15, v44, v36  }
0xcf: {  	[tilespmem:$0x790] =	vst v0;
	v41 =	vsel vm3, $0x3F800000, v0;
	v54 =	vpop (erf);
	v51 =	vsel vm15, $0x3F800000, v0;
	vm15 =	vgt.f32 v35, v50  }
0xd0: {  	[tilespmem:$0x410] =	vst v3;
	v52 =	vld [tilespmem:$0x2F0];
	v15 =	vmul.f32 v53, v15;
	v3 =	vpop (erf);
	v28 =	vsel vm14, v28, v34;
	v40 =	vsel vm15, v35, v50  }
0xd1: {  	[tilespmem:$0x500] =	vst v2;
	v58 =	vmul.f32 v3, v23;
	v2 =	vsel vm15, $0x40000000, v51;
	vm15 =	vgt.f32 v48, v40  }
0xd2: {  	[tilespmem:$0x6A0] =	vst v0;
	v55 =	vld [tilespmem:$0x370];
	v60 =	vmul.f32 v3, v33;
	v33 =	vsel vm4, $0x40A00000, v26;
	v40 =	vsel vm15, v48, v40  }
0xd3: {  	[tilespmem:$0x720] =	vst v0;
	v34 =	vperm.xlane v18, v1;
	v56 =	vsel vm15, $0x40400000, v2;
	vm15 =	vgt.f32 v7, v40  }
0xd4: {  	[tilespmem:$0x5A0] =	vst v15;
	v15 =	vsel vm5, $0x40000000, v41;
	v3 =	vadd.f32 v28, v29;
	v2 =	vld [tilespmem:$0x3F0];
	v57 =	vsel vm15, v7, v40  }
0xd5: {  	[tilespmem:$0x7A0] =	vst v0;
	v37 =	vsel vm9, $0x40C00000, v33;
	v59 =	vsel vm15, $0x40800000, v56;
	vm15 =	vgt.f32 v52, v57  }
0xd6: {  	[tilespmem:$0x6B0] =	vst v0;
	v42 =	vsel vm10, $0x40400000, v15;
	vm10 =	vgt.f32 v20, $5.000000000e+00;
	v61 =	vsel vm15, v52, v57  }
0xd7: {  	[tilespmem:$0x590] =	vst v11;
	v11 =	vsel vm12, $0x40E00000, v37;
	v23 =	vsel vm15, $0x40A00000, v59;
	vm15 =	vgt.f32 v55, v61  }
0xd8: {  	[tilespmem:$0x730] =	vst v0;
	(erf) = vrcp.f32 v3;
	v63 =	vsel vm7, v30, v45;
	v3 =	vsel vm15, v55, v61  }
0xd9: {  	[tilespmem:$0x7B0] =	vst v0;
	v45 =	vsel vm8, $0x40800000, v42;
	v30 =	vsel vm15, $0x40C00000, v23;
	vm15 =	vgt.f32 v2, v3  }
0xda: {  	[tilespmem:$0x420] =	vst v8;
	v8 =	vsel vm11, $0x40A00000, v45;
	vm11 =	vlt.f32 v20, $7.000000000e+00;
	v1 =	vsel vm15, $0x40E00000, v30  }
0xdb: {  	[tilespmem:$0x6C0] =	vst v0;
	v8 =	vsel vm13, $0x40C00000, v8;
	vm0 =	vlt.f32 v1, $0.0e+00;
	vm9 =	vgt.f32 v1, $0.0e+00  }
0xdc: {  	[tilespmem:$0x740] =	vst v0;
	vm12 =	vlt.f32 v1, $1.000000000e+00;
	vm0 =	vmor vm9, vm0;
	vm9 =	vgt.f32 v36, $-1.000000000e+00  }
0xdd: {  	[tilespmem:$0x7C0] =	vst v0;
	vm3 =	vlt.f32 v1, $2.000000000e+00;
	vm8 =	vlt.f32 v1, $3.000000000e+00;
	vm0 =	vmand vm9, vm0  }
0xde: {  	[tilespmem:$0x6D0] =	vst v0;
	vm13 =	vlt.f32 v1, $4.000000000e+00;
	vm9 =	vgt.f32 v1, $1.000000000e+00;
	v39 =	vnsel vm0, $0xBF800000, v36  }
0xdf: {  	[tilespmem:$0x750] =	vst v0;
	vm0 =	vmor vm9, vm12;
	vm9 =	vlt.f32 v20, $5.000000000e+00;
	vm12 =	vgt.f32 v44, v39  }
0xe0: {  	[tilespmem:$0x7D0] =	vst v0;
	vm4 =	vmand vm0, vm12;
	vm0 =	vmor vm10, vm9;
	vm12 =	vgt.f32 v1, $2.000000000e+00  }
0xe1: {  	[tilespmem:$0x430] =	vst v10;
	vm9 =	vgt.f32 v25, v63;
	v10 =	vsel vm4, v44, v39;
	vm3 =	vmor vm12, vm3  }
0xe2: {  	[tilespmem:$0x6E0] =	vst v0;
	vm5 =	vmand vm0, vm9;
	vm0 =	vlt.f32 v20, $6.000000000e+00;
	vm12 =	vgt.f32 v35, v10  }
0xe3: {  	[tilespmem:$0x760] =	vst v0;
	v44 =	vsel vm5, v25, v63;
	vm3 =	vmand vm3, vm12;
	vm12 =	vgt.f32 v20, $6.000000000e+00  }
0xe4: {  	[tilespmem:$0x7E0] =	vst v0;
	v10 =	vsel vm3, v35, v10;
	vm0 =	vmor vm12, vm0;
	vm12 =	vgt.f32 v1, $3.000000000e+00  }
0xe5: {  	[tilespmem:$0x6F0] =	vst v0;
	vm10 =	vgt.f32 v24, v44;
	vm8 =	vmor vm12, vm8;
	vm12 =	vgt.f32 v48, v10  }
0xe6: {  	[tilespmem:$0x770] =	vst v0;
	vm9 =	vmand vm0, vm10;
	vm8 =	vmand vm8, vm12;
	vm12 =	vgt.f32 v20, $7.000000000e+00  }
0xe7: {  	[tilespmem:$0x7F0] =	vst v0;
	v48 =	vsel vm8, v48, v10;
	vm0 =	vmor vm12, vm11;
	vm12 =	vgt.f32 v1, $4.000000000e+00  }
0xe8: {  	[tilespmem:$0x480] =	vst v4;
	v8 =	vsel vm14, $0x40E00000, v8;
	vm6 =	vmor vm12, vm13;
	vm12 =	vgt.f32 v7, v48  }
0xe9: {  	[tilespmem:$0x510] =	vst v6;
	vm14 =	vgt.f32 v1, $5.000000000e+00;
	v6 =	vsel vm9, v24, v44;
	vm6 =	vmand vm6, vm12  }
0xea: {  	[tilespmem:$0x490] =	vst v9;
	vm11 =	vgt.f32 v22, v6;
	vm13 =	vlt.f32 v1, $5.000000000e+00;
	v7 =	vsel vm6, v7, v48  }
0xeb: {  	[tilespmem:$0x4A0] =	vst v13;
	vm10 =	vmand vm0, vm11;
	vm0 =	vmor vm14, vm13;
	vm12 =	vgt.f32 v52, v7  }
0xec: {  	v5 =	vmul.f32 v46, v5;
	[tilespmem:$0x4D0] =	vst v8;
	v8 =	vtrunc.f32 v8;
	vm11 =	vmand vm0, vm12  }
0xed: {  	[tilespmem:$0x440] =	vst v14;
	v12 =	vmul.f32 v53, v12;
	v8 =	vcvt.f32.s32 v8;
	v4 =	vsel vm11, v52, v7;
	v52 =	vld [tilespmem:$0x1FFF0]  }
0xee: {  	[tilespmem:$0x4B0] =	vst v17;
	v16 =	vmul.f32 v54, v16;
	v21 =	vmul.f32 v54, v21  }
0xef: {  	[tilespmem:$0x580] =	vst v5;
	v38 =	vtrunc.f32 v17;
	v51 =	vperm.xlane v18, v8  }
0xf0: {  	[tilespmem:$0x450] =	vst v19;
	v6 =	vsel vm10, v22, v6;
	vm0 =	vlt.f32 v1, $6.000000000e+00;
	vm12 =	vgt.f32 v1, $6.000000000e+00  }
0xf1: {  	[tilespmem:$0x460] =	vst v20;
	v50 =	vadd.f32 v6, v49;
	vm0 =	vmor vm12, vm0;
	vm12 =	vgt.f32 v55, v4  }
0xf2: {  	[tilespmem:$0x600] =	vst v47;
	vm12 =	vmand vm0, vm12;
	vm0 =	vlt.f32 v1, $7.000000000e+00;
	vm13 =	vnez.u8 v52  }
0xf3: {  	[tilespmem:$0x520] =	vst v12;
	v4 =	vsel vm12, v55, v4;
	v8 =	vsel vm13, $0x3F800000, v0;
	vm13 =	vgt.f32 v1, $7.000000000e+00  }
0xf4: {  	[tilespmem:$0x530] =	vst v16;
	(erf) = vrcp.f32 v50;
	vm14 =	vgt.f32 v2, v4;
	vm0 =	vmor vm13, vm0  }
0xf5: {  	[tilespmem:$0x5B0] =	vst v21;
	v12 =	vcvt.f32.s32 v38;
	vm0 =	vmand vm0, vm14  }
0xf6: {  	[tilespmem:$0x620] =	vst v34;
	v3 =	vsel vm15, v2, v3;
	v53 =	vsel vm1, $0x40000000, v8;
	v2 =	vsel vm0, v2, v4  }
0xf7: {  	[tilespmem:$0x540] =	vst v58;
	v5 =	vsel vm2, $0x40400000, v53;
	v55 =	vadd.f32 v2, v3  }
0xf8: {  	[tilespmem:$0x5C0] =	vst v60;
	v12 =	vperm.xlane v18, v12;
	v5 =	vsel vm7, $0x40800000, v5  }
0xf9: {  	[tilespmem:$0x4C0] =	vst v11;
	v40 =	vtrunc.f32 v11;
	v46 =	vpop (erf);
	v54 =	vsel vm5, $0x40A00000, v5;
	(erf) = vrcp.f32 v55  }
0xfa: {  	[tilespmem:$0x630] =	vst v12;
	v13 =	vcvt.f32.s32 v40;
	v4 =	vsel vm9, $0x40C00000, v54  }
0xfb: {  	v47 =	vmul.f32 v46, v29;
	[tilespmem:$0x650] =	vst v51;
	v57 =	vsel vm4, $0x3F800000, v0;
	v4 =	vsel vm10, $0x40E00000, v4  }
0xfc: {  	v11 =	vmul.f32 v46, v28;
	v7 =	vsel vm3, $0x40000000, v57;
	[tilespmem:$0x4E0] =	vst v4;
	v4 =	vtrunc.f32 v4  }
0xfd: {  	v43 =	vperm.xlane v18, v13;
	[tilespmem:$0x550] =	vst v47;
	v59 =	vsel vm8, $0x40400000, v7;
	v56 =	vpop (erf);
	v4 =	vcvt.f32.s32 v4  }
0xfe: {  	[tilespmem:$0x5D0] =	vst v11;
	v5 =	vmul.f32 v56, v6;
	v6 =	vsel vm6, $0x40800000, v59  }
0xff: {  	[tilespmem:$0x640] =	vst v43;
	v60 =	vsel vm11, $0x40A00000, v6;
	v4 =	vperm.xlane v18, v4  }
0x100: {  	[tilespmem:$0x470] =	vst v1;
	v58 =	vmul.f32 v56, v49;
	v61 =	vsel vm12, $0x40C00000, v60  }
0x101: {  	[tilespmem:$0x660] =	vst v4;
	v4 =	vsel vm0, $0x40E00000, v61  }
0x102: {  	[tilespmem:$0x560] =	vst v58;
	v62 =	vtrunc.f32 v4;
	v63 =	vpop (erf)  }
0x103: {  	[tilespmem:$0x5E0] =	vst v5;
	v5 =	vcvt.f32.s32 v62;
	v1 =	vmul.f32 v63, v3  }
0x104: {  	[tilespmem:$0x4F0] =	vst v4;
	v2 =	vmul.f32 v63, v2  }
0x105: {  	v3 =	vperm.xlane v18, v5;
	[tilespmem:$0x570] =	vst v1  }
0x106: {  	p0 =	sne.s32 s6, $0x1;
	[tilespmem:$0x5F0] =	vst v2  }
.Ltmp1:
0x107: {  	[tilespmem:$0x670] =	vst v3;
	(pc) =	sbr.rel @p0 .LBB2_2-.Ltmp1, $4  }
0x108: {  	[hbm4b:s4+s3] =	stream.linear.scatter [tilespmem:s9], [sflag:$0x1], $0x400, $0x38;
	[tilespmem:$0x880] =	vst v63  }
0x109: {  	_ =	swait.ge [sflag:s7], $0x400  }
0x10a: {  	[sflag:s7] =	ssyncset.done $0x0  }
0x10b: {  	s6 =	sadd.s32 $0xFFFFFFFF, s6;
	[sflag:s7] =	ssyncadd.s32 $0xFFFFFC00  }
.LBB2_3:
0x10c: {  	_ =	sfence.sel $0x180000  }
0x10d: {  	[bflag:$0x0] =	sbarrier.arrive $0xFFFF  }
0x10e: {  	p0 =	sne.s32 s1, $0x0;
	_ =	strace $0x90000047  }
0x10f: {  	s0 =	sadd.s32 @!p0 $0x100000, s0;
	[bflag:$0x2] =	sbarrier.arrive $0xFFFF  }
0x110: {  	[sflag:s0] =	ssyncadd.tile.s32 @!p0 $0x1;
	_ =	shalt  }
.Lfunc_end2:
_tile_overlayer_lowered:
.L_overlay_start_2:
0x111: {  	(tag) =	ssettag $0x2  }
0x112: {  	s0 =	rddreg [dreg:$0x0];
	s2 =	stileid.u32  }
0x113: {  	s1 =	rddreg [dreg:$0x1];
	p0 =	sne.s32 s2, $0x0  }
0x114: {  	s3 =	rddreg [dreg:$0x2];
	[bflag:$0x3] =	sbarrier.arrive $0xFFFF;
	s2 =	simm.s32 @!p0 $0x1C01  }
0x115: {  	[timem:s3], [sflag:s2] =	dma.local @!p0 [hbm:s0], s1  }
0x116: {  	s0 =	simm.s32 @!p0 $0x1  }
0x117: {  	_ =	swait.ge @!p0 [sflag:s0], s1  }
0x118: {  	s1 =	ssub.s32 @!p0 $0x0, s1;
	[sflag:s0] =	ssyncset.done @!p0 $0x0  }
0x119: {  	[sflag:s0] =	ssyncadd.s32 @!p0 s1  }
0x11a: {  	[bflag:$0x3] =	sbarrier.arrive $0xFFFF  }
0x11b: {  	_ =	shalt  }

</sc_bundles>
